<compile_context>
chip_gen: v7x
topology: tpu7x:2x2x1
jax: 0.10.2.dev20260603
libtpu: 0.0.44.dev20260713+nightly
codegen_flags: <defaults>
</compile_context>

<pallas_src>
import functools

import jax
import jax.numpy as jnp
from jax import lax
from jax.experimental import pallas as pl
from jax.experimental.pallas import tpu as pltpu
from jax.experimental.pallas import tpu_sc as plsc

N = 10000
E = 160000
D_IN = 256
H = 128
B = 4096

NPAD = 10240
EPAD = 163840
NTILE = 16
NCORE = 2
EPT = EPAD // NTILE
NWIN = EPT // 128
CHK = NPAD // NTILE
TRASH = N
RBLK = 1280
NRB = NPAD // RBLK

f32 = jnp.float32
i32 = jnp.int32

_mesh = plsc.VectorSubcoreMesh(core_axis_name="c", subcore_axis_name="s")


@functools.partial(
    pl.kernel,
    out_type=[
        jax.ShapeDtypeStruct((NCORE, NPAD), f32),
        jax.ShapeDtypeStruct((NCORE, NPAD), f32),
        jax.ShapeDtypeStruct((NCORE, NPAD), f32),
    ],
    mesh=_mesh,
    scratch_types=[
        pltpu.VMEM((NWIN, 128), i32),
        pltpu.VMEM((NWIN, 128), i32),
        pltpu.VMEM((128,), f32),
        pltpu.VMEM((16,), f32),
        pltpu.VMEM((16,), f32),
        pltpu.VMEM_SHARED((NPAD,), f32),
        pltpu.VMEM_SHARED((NPAD,), f32),
        pltpu.VMEM_SHARED((NPAD,), f32),
        pltpu.SemaphoreType.DMA,
    ],
    compiler_params=pltpu.CompilerParams(needs_layout_passes=False),
)
def _sc_counts(src_hbm, dst_hbm, deginit_hbm, zeros_hbm,
               deg_out, cnt0_out, cnt1_out,
               src_v, dst_v, ones_v, val0_v, val1_v,
               deg_sp, cnt0_sp, cnt1_sp, sem):
    c = lax.axis_index("c")
    s = lax.axis_index("s")
    row = s * CHK
    pltpu.sync_copy(deginit_hbm.at[pl.ds(row, CHK)], deg_sp.at[pl.ds(row, CHK)])
    pltpu.sync_copy(zeros_hbm.at[pl.ds(row, CHK)], cnt0_sp.at[pl.ds(row, CHK)])
    pltpu.sync_copy(zeros_hbm.at[pl.ds(row, CHK)], cnt1_sp.at[pl.ds(row, CHK)])
    pltpu.sync_copy(src_hbm.at[c, s], src_v)
    pltpu.sync_copy(dst_hbm.at[c, s], dst_v)
    for k in range(8):
        ones_v[pl.ds(16 * k, 16)] = jnp.ones((16,), f32)
    plsc.subcore_barrier()

    def win_body(j, carry):
        pltpu.async_copy(ones_v, deg_sp.at[dst_v.at[j]], sem, add=True)
        anyhit = dst_v[j, pl.ds(0, 16)] < 2
        for k in range(1, 8):
            anyhit = anyhit | (dst_v[j, pl.ds(16 * k, 16)] < 2)
        nwhit = plsc.all_reduce_population_count(anyhit)[0]

        @pl.when(nwhit > 0)
        def _():
            for k in range(8):
                dvec = dst_v[j, pl.ds(16 * k, 16)]
                hit0 = dvec == 0
                hit1 = dvec == 1
                nhit = plsc.all_reduce_population_count(dvec < 2)[0]

                @pl.when(nhit > 0)
                def _():
                    svec = src_v[j, pl.ds(16 * k, 16)]
                    val0_v[...] = jnp.where(hit0, 1.0, 0.0).astype(f32)
                    val1_v[...] = jnp.where(hit1, 1.0, 0.0).astype(f32)
                    pltpu.sync_copy(val0_v, cnt0_sp.at[svec], add=True)
                    pltpu.sync_copy(val1_v, cnt1_sp.at[svec], add=True)
        return carry

    lax.fori_loop(0, NWIN, win_body, 0)

    def drain_body(j, carry):
        pltpu.make_async_copy(ones_v, deg_sp.at[dst_v.at[0]], sem).wait()
        return carry

    lax.fori_loop(0, NWIN, drain_body, 0)
    plsc.subcore_barrier()
    pltpu.sync_copy(deg_sp.at[pl.ds(row, CHK)], deg_out.at[c, pl.ds(row, CHK)])
    pltpu.sync_copy(cnt0_sp.at[pl.ds(row, CHK)], cnt0_out.at[c, pl.ds(row, CHK)])
    pltpu.sync_copy(cnt1_sp.at[pl.ds(row, CHK)], cnt1_out.at[c, pl.ds(row, CHK)])


@functools.partial(
    pl.kernel,
    out_type=jax.ShapeDtypeStruct((NCORE, NPAD, H), f32),
    mesh=_mesh,
    scratch_types=[
        pltpu.VMEM((NWIN, 128), i32),
        pltpu.VMEM((NWIN, 128), i32),
        pltpu.VMEM((NPAD,), f32),
        pltpu.VMEM((8, 16, H), f32),
        pltpu.VMEM_SHARED((NPAD, H), f32),
        pltpu.SemaphoreType.DMA,
    ],
    compiler_params=pltpu.CompilerParams(needs_layout_passes=False),
)
def _sc_aggregate(src_hbm, dst_hbm, g1_hbm, gam_hbm, acc_out,
                  src_v, dst_v, gam_v, rows_v, acc_sp, sem):
    c = lax.axis_index("c")
    s = lax.axis_index("s")
    row = s * CHK
    pltpu.sync_copy(gam_hbm.at[c], gam_v)
    pltpu.sync_copy(src_hbm.at[c, s], src_v)
    pltpu.sync_copy(dst_hbm.at[c, s], dst_v)
    lane = lax.iota(i32, 16)

    def init_body(g, carry):
        base = row + 16 * g
        ngrp = plsc.all_reduce_population_count(
            gam_v[pl.ds(base, 16)] > 0.0)[0]

        @pl.when(ngrp > 0)
        def _():
            pltpu.sync_copy(g1_hbm.at[pl.ds(c * NPAD + base, 16)],
                            acc_sp.at[pl.ds(base, 16)])
        return carry

    lax.fori_loop(0, CHK // 16, init_body, 0)
    plsc.subcore_barrier()

    def win_body(j, carry):
        anyact = plsc.load_gather(gam_v, [dst_v[j, pl.ds(0, 16)]]) > 0.0
        for k in range(1, 8):
            anyact = anyact | (
                plsc.load_gather(gam_v, [dst_v[j, pl.ds(16 * k, 16)]]) > 0.0)
        nwact = plsc.all_reduce_population_count(anyact)[0]

        @pl.when(nwact > 0)
        def _():
            for k in range(8):
                dvec = dst_v[j, pl.ds(16 * k, 16)]
                act = plsc.load_gather(gam_v, [dvec]) > 0.0
                nact = plsc.all_reduce_population_count(act)[0]

                @pl.when(nact > 0)
                def _():
                    svec = src_v[j, pl.ds(16 * k, 16)]
                    pltpu.async_copy(g1_hbm.at[c * NPAD + svec],
                                     rows_v.at[k], sem)
            for k in range(8):
                dvec = dst_v[j, pl.ds(16 * k, 16)]
                act = plsc.load_gather(gam_v, [dvec]) > 0.0
                nact = plsc.all_reduce_population_count(act)[0]

                @pl.when(nact > 0)
                def _():
                    svec = src_v[j, pl.ds(16 * k, 16)]
                    pltpu.make_async_copy(g1_hbm.at[c * NPAD + svec],
                                          rows_v.at[k], sem).wait()
                    dsel = jnp.where(act, dvec, TRASH + (lane & 7))
                    pltpu.sync_copy(rows_v.at[k], acc_sp.at[dsel], add=True)
        return carry

    lax.fori_loop(0, NWIN, win_body, 0)
    plsc.subcore_barrier()

    def out_body(g, carry):
        base = row + 16 * g
        ngrp = plsc.all_reduce_population_count(
            gam_v[pl.ds(base, 16)] > 0.0)[0]

        @pl.when(ngrp > 0)
        def _():
            pltpu.sync_copy(acc_sp.at[pl.ds(base, 16)],
                            acc_out.at[c, pl.ds(base, 16)])
        return carry

    lax.fori_loop(0, CHK // 16, out_body, 0)


def _tc_prep_body(feats_ref, W1_ref, deg_ref, cnt0_ref, cnt1_ref,
                  g1_ref, dis_ref, b0_ref, b1v_ref, gam_ref):
    r = pl.program_id(1)
    ids = r * RBLK + lax.broadcasted_iota(i32, (RBLK, 1), 0)
    deg = deg_ref[0]
    dis = jnp.where(deg > 0, lax.rsqrt(deg), 0.0)
    cnt0 = cnt0_ref[0]
    cnt1 = cnt1_ref[0]
    h1 = jnp.dot(feats_ref[0], W1_ref[...], preferred_element_type=f32)
    g1_ref[0] = h1 * dis
    dis_ref[0] = dis
    b0_ref[0] = dis * (cnt0 + (ids == 0).astype(f32))
    b1v_ref[0] = dis * (cnt1 + (ids == 1).astype(f32))
    gam_ref[0] = jnp.where((cnt0 + cnt1 > 0) | (ids < 2), 1.0, 0.0)


def _tc_prep(feats, W1, deg, cnt0, cnt1):
    vec = pl.BlockSpec((1, RBLK, 1), lambda c, r: (c, r, 0))
    return pl.pallas_call(
        _tc_prep_body,
        grid=(NCORE, NRB),
        in_specs=[
            pl.BlockSpec((1, RBLK, D_IN), lambda c, r: (c, r, 0)),
            pl.BlockSpec((D_IN, H), lambda c, r: (0, 0)),
            vec, vec, vec,
        ],
        out_specs=[
            pl.BlockSpec((1, RBLK, H), lambda c, r: (c, r, 0)),
            vec, vec, vec, vec,
        ],
        out_shape=[
            jax.ShapeDtypeStruct((NCORE, NPAD, H), f32),
            jax.ShapeDtypeStruct((NCORE, NPAD, 1), f32),
            jax.ShapeDtypeStruct((NCORE, NPAD, 1), f32),
            jax.ShapeDtypeStruct((NCORE, NPAD, 1), f32),
            jax.ShapeDtypeStruct((NCORE, NPAD, 1), f32),
        ],
    )(feats, W1, deg, cnt0, cnt1)


def _tc_final_body(acc_ref, dis_ref, b0_ref, b1v_ref, gam_ref, bias1_ref,
                   W2_ref, b2_ref, Wc_ref, bc_ref, Wd_ref, bd_ref,
                   us_ref, is_ref, ys_ref, ut_ref, it_ref, yt_ref,
                   out_ref, w4_ref, disv_ref):
    c = pl.program_id(0)
    r = pl.program_id(1)
    base = c * 2

    @pl.when(r == 0)
    def _():
        w4_ref[pl.ds(base, 2)] = jnp.zeros((2, H), f32)
        disv_ref[pl.ds(base, 2)] = dis_ref[0, 0:2, :]

    r1 = jnp.where(gam_ref[0] > 0.0,
                   jax.nn.relu(bias1_ref[...] + dis_ref[0] * acc_ref[0]), 0.0)
    w0 = lax.dot_general(b0_ref[0], r1, (((0,), (0,)), ((), ())),
                         preferred_element_type=f32)
    w1 = lax.dot_general(b1v_ref[0], r1, (((0,), (0,)), ((), ())),
                         preferred_element_type=f32)
    wblk = jnp.concatenate([w0, w1], axis=0)
    w4_ref[pl.ds(base, 2)] = w4_ref[pl.ds(base, 2)] + wblk

    @pl.when((c == NCORE - 1) & (r == NRB - 1))
    def _():
        X = disv_ref[...] * jnp.dot(w4_ref[...], W2_ref[...],
                                    preferred_element_type=f32) + b2_ref[...]
        au = jnp.sum(X * Wc_ref[0:1, :], axis=1, keepdims=True)
        ci = jnp.sum(X * Wc_ref[1:2, :], axis=1, keepdims=True)
        dv = jnp.sum(X * Wd_ref[...], axis=1, keepdims=True)
        eps = 1e-12
        Pd = jax.nn.sigmoid(dv + bd_ref[...])
        LPd = jnp.log(jnp.clip(Pd, eps, 1.0 - eps))
        LQd = jnp.log(jnp.clip(1.0 - Pd, eps, 1.0 - eps))

        total = jnp.zeros((), f32)
        for dom, (u_r, i_r, y_r) in enumerate(
                [(us_ref, is_ref, ys_ref), (ut_ref, it_ref, yt_ref)]):
            u = u_r[...]
            i = i_r[...]
            y = y_r[...]
            a0 = au[2 * dom:2 * dom + 1, :]
            a1 = au[2 * dom + 1:2 * dom + 2, :]
            c0 = ci[2 * dom:2 * dom + 1, :]
            c1 = ci[2 * dom + 1:2 * dom + 2, :]
            zq = jnp.concatenate([a0 + c0, a0 + c1, a1 + c0, a1 + c1],
                                 axis=0) + bc_ref[...]
            Pq = jax.nn.sigmoid(zq)
            LP = jnp.log(jnp.clip(Pq, eps, 1.0 - eps))
            LQ = jnp.log(jnp.clip(1.0 - Pq, eps, 1.0 - eps))
            n1c = jnp.concatenate(
                [jnp.full((1, 1), jnp.sum((1.0 - u) * (1.0 - i) * y), f32),
                 jnp.full((1, 1), jnp.sum((1.0 - u) * i * y), f32),
                 jnp.full((1, 1), jnp.sum(u * (1.0 - i) * y), f32),
                 jnp.full((1, 1), jnp.sum(u * i * y), f32)], axis=0)
            n0c = jnp.concatenate(
                [jnp.full((1, 1), jnp.sum((1.0 - u) * (1.0 - i) * (1.0 - y)), f32),
                 jnp.full((1, 1), jnp.sum((1.0 - u) * i * (1.0 - y)), f32),
                 jnp.full((1, 1), jnp.sum(u * (1.0 - i) * (1.0 - y)), f32),
                 jnp.full((1, 1), jnp.sum(u * i * (1.0 - y)), f32)], axis=0)
            total = total - jnp.sum(n1c * LP + n0c * LQ) / B
            m0 = jnp.sum(1.0 - u) + jnp.sum(1.0 - i)
            m1 = jnp.sum(u) + jnp.sum(i)
            mvec = jnp.concatenate([jnp.full((1, 1), m0, f32),
                                    jnp.full((1, 1), m1, f32)], axis=0)
            Ld = LPd if dom == 1 else LQd
            dom_loss = -jnp.sum(mvec * Ld[2 * dom:2 * dom + 2, :]) / (2.0 * B)
            total = total + 0.1 * dom_loss
        out_ref[...] = jnp.full((8, 128), total, f32)


def _tc_final(acc, dis, b0, b1v, gam, b1, W2, b2, Wc2, bc2, Wd2, bd2,
              us, is_, ys, ut, it_, yt):
    vec = pl.BlockSpec((1, RBLK, 1), lambda c, r: (c, r, 0))
    cst = lambda shape: pl.BlockSpec(shape, lambda c, r: tuple(0 for _ in shape))
    return pl.pallas_call(
        _tc_final_body,
        grid=(NCORE, NRB),
        in_specs=[
            pl.BlockSpec((1, RBLK, H), lambda c, r: (c, r, 0)),
            vec, vec, vec, vec,
            cst((1, H)), cst((H, H)), cst((1, H)),
            cst((2, H)), cst((1, 1)), cst((1, H)), cst((1, 1)),
            cst((32, 128)), cst((32, 128)), cst((32, 128)),
            cst((32, 128)), cst((32, 128)), cst((32, 128)),
        ],
        out_specs=pl.BlockSpec((8, 128), lambda c, r: (0, 0)),
        out_shape=jax.ShapeDtypeStruct((8, 128), f32),
        scratch_shapes=[pltpu.VMEM((4, H), f32), pltpu.VMEM((4, 1), f32)],
    )(acc, dis, b0, b1v, gam, b1, W2, b2, Wc2, bc2, Wd2, bd2,
      us, is_, ys, ut, it_, yt)


def kernel(train_data_s, train_data_t, num_user_ds, num_user_dt, adj_ds, adj_dt,
           feats_s, feats_t, W1, b1, W2, b2, Wc, bc, Wd, bd):
    npad_rows = NPAD - N
    pad_idx = (TRASH + (jnp.arange(EPAD - E, dtype=i32) % 8))

    def prep_edges(adj):
        srcp = jnp.concatenate([adj[0].astype(i32), pad_idx])
        dstp = jnp.concatenate([adj[1].astype(i32), pad_idx])
        return (srcp.reshape(NTILE, NWIN, 128), dstp.reshape(NTILE, NWIN, 128))

    ss, ds_ = prep_edges(adj_ds)
    st, dt_ = prep_edges(adj_dt)
    src4 = jnp.stack([ss, st])
    dst4 = jnp.stack([ds_, dt_])

    deg_init = jnp.concatenate([jnp.ones((N,), f32), jnp.zeros((npad_rows,), f32)])
    zeros_init = jnp.zeros((NPAD,), f32)

    deg, cnt0, cnt1 = _sc_counts(src4, dst4, deg_init, zeros_init)

    feats = jnp.stack([
        jnp.concatenate([feats_s, jnp.zeros((npad_rows, D_IN), f32)]),
        jnp.concatenate([feats_t, jnp.zeros((npad_rows, D_IN), f32)]),
    ])
    g1, dis, b0, b1v, gam = _tc_prep(
        feats, W1, deg[..., None], cnt0[..., None], cnt1[..., None])

    acc = _sc_aggregate(src4, dst4, g1.reshape(NCORE * NPAD, H),
                        gam.reshape(NCORE, NPAD))

    def prep_td(td):
        u = td[:, 0].astype(f32).reshape(32, 128)
        i = td[:, 1].astype(f32).reshape(32, 128)
        y = td[:, 2].astype(f32).reshape(32, 128)
        return u, i, y

    us, is_, ys = prep_td(train_data_s)
    ut, it_, yt = prep_td(train_data_t)
    Wc2 = Wc.reshape(2, H)
    out = _tc_final(acc, dis, b0, b1v, gam, b1.reshape(1, H), W2, b2.reshape(1, H),
                    Wc2, bc.reshape(1, 1), Wd.reshape(1, H), bd.reshape(1, 1),
                    us, is_, ys, ut, it_, yt)
    return out[0, 0].reshape(())

# --- scband reference (transcript-rebuilt; emitter-appended) ---
"""Pipeline reference for scband-udagcn-lp-22995254903252 (READ-ONLY COPY).

The authoritative reference and input builder live on the scoring server;
editing this copy changes nothing except your own understanding.
"""

import jax, jax.numpy as jnp
import numpy as np

N = 10000
E = 160000
D_IN = 256
H = 128
B = 4096


def gcn_layer(x, edge_index, W, b):
    # CachedGCNConv: x @ W, then symmetric-normalized aggregation with self-loops
    n = x.shape[0]
    loop = jnp.arange(n, dtype=edge_index.dtype)
    src = jnp.concatenate([edge_index[0], loop])
    dst = jnp.concatenate([edge_index[1], loop])
    deg = jnp.zeros((n,), dtype=x.dtype).at[dst].add(1.0)
    d_inv_sqrt = jnp.where(deg > 0, deg ** -0.5, 0.0)
    norm = d_inv_sqrt[src] * d_inv_sqrt[dst]
    h = x @ W
    out = jnp.zeros((n, W.shape[1]), dtype=x.dtype).at[dst].add(h[src] * norm[:, None])
    return out + b


def bce(p, y):
    eps = 1e-12
    p = jnp.clip(p, eps, 1.0 - eps)
    return -jnp.mean(y * jnp.log(p) + (1.0 - y) * jnp.log(1.0 - p))


def setup_inputs(seed: int = 0) -> dict:
    key = jax.random.key(seed)
    ks = [jax.random.fold_in(key, i) for i in range(16)]
    feats_s = jax.random.normal(ks[0], (N, D_IN), dtype=jnp.float32)
    feats_t = jax.random.normal(ks[1], (N, D_IN), dtype=jnp.float32)
    adj_ds = jax.random.randint(ks[2], (2, E), 0, N)
    adj_dt = jax.random.randint(ks[3], (2, E), 0, N)
    train_data_s = jax.random.randint(ks[4], (B, 3), 0, 2)
    train_data_t = jax.random.randint(ks[5], (B, 3), 0, 2)
    W1 = jax.random.normal(ks[6], (D_IN, H), dtype=jnp.float32) * (1.0 / np.sqrt(D_IN))
    b1 = jnp.zeros((H,), dtype=jnp.float32)
    W2 = jax.random.normal(ks[7], (H, H), dtype=jnp.float32) * (1.0 / np.sqrt(H))
    b2 = jnp.zeros((H,), dtype=jnp.float32)
    Wc = jax.random.normal(ks[8], (2 * H, 1), dtype=jnp.float32) * (1.0 / np.sqrt(2 * H))
    bc = jnp.zeros((1,), dtype=jnp.float32)
    Wd = jax.random.normal(ks[9], (H, 1), dtype=jnp.float32) * (1.0 / np.sqrt(H))
    bd = jnp.zeros((1,), dtype=jnp.float32)
    return {
        'train_data_s': train_data_s, 'train_data_t': train_data_t,
        'num_user_ds': 5000, 'num_user_dt': 5000,
        'adj_ds': adj_ds, 'adj_dt': adj_dt,
        'feats_s': feats_s, 'feats_t': feats_t,
        'W1': W1, 'b1': b1, 'W2': W2, 'b2': b2,
        'Wc': Wc, 'bc': bc, 'Wd': Wd, 'bd': bd,
    }


def reference(train_data_s, train_data_t, num_user_ds, num_user_dt, adj_ds, adj_dt,
              feats_s, feats_t, W1, b1, W2, b2, Wc, bc, Wd, bd):
    # use_UDAGCN=False, is_bipart_graph=False, eval mode (dropout = identity), alpha=1.0
    def encode(x, ei):
        h = gcn_layer(x, ei, W1, b1)
        h = jax.nn.relu(h)
        return gcn_layer(h, ei, W2, b2)

    x_ds = encode(feats_s, adj_ds)
    x_dt = encode(feats_t, adj_dt)

    user_s, item_s = train_data_s[:, 0], train_data_s[:, 1]
    labels_s = train_data_s[:, 2].astype(jnp.float32)
    user_t, item_t = train_data_t[:, 0], train_data_t[:, 1]
    labels_t = train_data_t[:, 2].astype(jnp.float32)

    uf_s = x_ds[user_s]
    if_s = x_ds[item_s]
    uf_t = x_dt[user_t]
    if_t = x_dt[item_t]

    logit_s = jax.nn.sigmoid(jnp.concatenate([uf_s, if_s], axis=1) @ Wc + bc).reshape(-1)
    logit_t = jax.nn.sigmoid(jnp.concatenate([uf_t, if_t], axis=1) @ Wc + bc).reshape(-1)
    clf_loss = bce(logit_s, labels_s) + bce(logit_t, labels_t)

    x_ds_batch = jnp.concatenate([uf_s, if_s], axis=0)
    x_dt_batch = jnp.concatenate([uf_t, if_t], axis=0)
    # ReverseLayerF is identity in the forward pass
    src_preds = jax.nn.sigmoid(x_ds_batch @ Wd + bd).reshape(-1)
    tgt_preds = jax.nn.sigmoid(x_dt_batch @ Wd + bd).reshape(-1)
    domain_loss = bce(src_preds, jnp.zeros_like(src_preds)) + bce(tgt_preds, jnp.ones_like(tgt_preds))

    return clf_loss + domain_loss * 0.1

if __name__ == "__main__":
    import jax
    _d = setup_inputs()
    print(jax.jit(kernel)(*tuple(_d.values())))

</pallas_src>

<mosaic_0001>
#map = affine_map<(d0, d1) -> (0, 0, 0, 0)>
#map1 = affine_map<(d0, d1) -> (0)>
#map2 = affine_map<(d0, d1) -> (0, 0)>
module attributes {stable_mosaic.version = 14 : i64} {
  func.func @_sc_counts(%arg0: i32, %arg1: i32, %arg2: memref<2x16x80x128xi32, #tpu.memory_space<hbm>>, %arg3: memref<2x16x80x128xi32, #tpu.memory_space<hbm>>, %arg4: memref<10240xf32, #tpu.memory_space<hbm>>, %arg5: memref<10240xf32, #tpu.memory_space<hbm>>, %arg6: memref<2x10240xf32, #tpu.memory_space<hbm>>, %arg7: memref<2x10240xf32, #tpu.memory_space<hbm>>, %arg8: memref<2x10240xf32, #tpu.memory_space<hbm>>, %arg9: memref<80x128xi32, #tpu.memory_space<vmem>>, %arg10: memref<80x128xi32, #tpu.memory_space<vmem>>, %arg11: memref<128xf32, #tpu.memory_space<vmem>>, %arg12: memref<16xf32, #tpu.memory_space<vmem>>, %arg13: memref<16xf32, #tpu.memory_space<vmem>>, %arg14: memref<10240xf32, #tpu.memory_space<vmem_shared>>, %arg15: memref<10240xf32, #tpu.memory_space<vmem_shared>>, %arg16: memref<10240xf32, #tpu.memory_space<vmem_shared>>, %arg17: memref<!tpu.dma_semaphore, #tpu.memory_space<semaphore_mem>>) attributes {dimension_semantics = [#tpu.dimension_semantics<core_parallel>, #tpu.dimension_semantics<subcore_parallel>], iteration_bounds = array<i64: 2, 16>, scalar_prefetch = 0 : i64, scratch_operands = 9 : i64, tpu.core_type = #tpu.core_type<sc_vector_subcore>, window_params = [{transform_indices = #map}, {transform_indices = #map}, {transform_indices = #map1}, {transform_indices = #map1}, {transform_indices = #map2}, {transform_indices = #map2}, {transform_indices = #map2}]} {
    %mul3A = arith.constant 640 : i32
    %mul3A_0 = arith.muli %arg1, %mul3A : i32
    "tpu.region"() ({
      %run_scoped3A = tpu.sem_alloc : memref<!tpu.dma_semaphore, #tpu.memory_space<semaphore_mem>>
      %dma_start3A = tpu.memref_slice %arg14[%mul3A_0] : memref<10240xf32, #tpu.memory_space<vmem_shared>> -> memref<640xf32, #tpu.memory_space<vmem_shared>>
      %dma_start3A_43 = tpu.memref_slice %arg4[%mul3A_0] : memref<10240xf32, #tpu.memory_space<hbm>> -> memref<640xf32, #tpu.memory_space<hbm>>
      tpu.enqueue_dma source(%dma_start3A_43 : memref<640xf32, #tpu.memory_space<hbm>>) target(%dma_start3A : memref<640xf32, #tpu.memory_space<vmem_shared>>) target_semaphore(%run_scoped3A : memref<!tpu.dma_semaphore, #tpu.memory_space<semaphore_mem>>)
      %dma_wait3A = tpu.memref_slice %arg14[%mul3A_0] : memref<10240xf32, #tpu.memory_space<vmem_shared>> -> memref<640xf32, #tpu.memory_space<vmem_shared>>
      %dma_wait3A_44 = tpu.memref_slice %arg4[%mul3A_0] : memref<10240xf32, #tpu.memory_space<hbm>> -> memref<640xf32, #tpu.memory_space<hbm>>
      tpu.wait_dma2 semaphore(%run_scoped3A : memref<!tpu.dma_semaphore, #tpu.memory_space<semaphore_mem>>) src(%dma_wait3A_44 : memref<640xf32, #tpu.memory_space<hbm>>) dst(%dma_wait3A : memref<640xf32, #tpu.memory_space<vmem_shared>>)
      tpu.yield
    }) : () -> ()
    "tpu.region"() ({
      %run_scoped3A = tpu.sem_alloc : memref<!tpu.dma_semaphore, #tpu.memory_space<semaphore_mem>>
      %dma_start3A = tpu.memref_slice %arg15[%mul3A_0] : memref<10240xf32, #tpu.memory_space<vmem_shared>> -> memref<640xf32, #tpu.memory_space<vmem_shared>>
      %dma_start3A_43 = tpu.memref_slice %arg5[%mul3A_0] : memref<10240xf32, #tpu.memory_space<hbm>> -> memref<640xf32, #tpu.memory_space<hbm>>
      tpu.enqueue_dma source(%dma_start3A_43 : memref<640xf32, #tpu.memory_space<hbm>>) target(%dma_start3A : memref<640xf32, #tpu.memory_space<vmem_shared>>) target_semaphore(%run_scoped3A : memref<!tpu.dma_semaphore, #tpu.memory_space<semaphore_mem>>)
      %dma_wait3A = tpu.memref_slice %arg15[%mul3A_0] : memref<10240xf32, #tpu.memory_space<vmem_shared>> -> memref<640xf32, #tpu.memory_space<vmem_shared>>
      %dma_wait3A_44 = tpu.memref_slice %arg5[%mul3A_0] : memref<10240xf32, #tpu.memory_space<hbm>> -> memref<640xf32, #tpu.memory_space<hbm>>
      tpu.wait_dma2 semaphore(%run_scoped3A : memref<!tpu.dma_semaphore, #tpu.memory_space<semaphore_mem>>) src(%dma_wait3A_44 : memref<640xf32, #tpu.memory_space<hbm>>) dst(%dma_wait3A : memref<640xf32, #tpu.memory_space<vmem_shared>>)
      tpu.yield
    }) : () -> ()
    "tpu.region"() ({
      %run_scoped3A = tpu.sem_alloc : memref<!tpu.dma_semaphore, #tpu.memory_space<semaphore_mem>>
      %dma_start3A = tpu.memref_slice %arg16[%mul3A_0] : memref<10240xf32, #tpu.memory_space<vmem_shared>> -> memref<640xf32, #tpu.memory_space<vmem_shared>>
      %dma_start3A_43 = tpu.memref_slice %arg5[%mul3A_0] : memref<10240xf32, #tpu.memory_space<hbm>> -> memref<640xf32, #tpu.memory_space<hbm>>
      tpu.enqueue_dma source(%dma_start3A_43 : memref<640xf32, #tpu.memory_space<hbm>>) target(%dma_start3A : memref<640xf32, #tpu.memory_space<vmem_shared>>) target_semaphore(%run_scoped3A : memref<!tpu.dma_semaphore, #tpu.memory_space<semaphore_mem>>)
      %dma_wait3A = tpu.memref_slice %arg16[%mul3A_0] : memref<10240xf32, #tpu.memory_space<vmem_shared>> -> memref<640xf32, #tpu.memory_space<vmem_shared>>
      %dma_wait3A_44 = tpu.memref_slice %arg5[%mul3A_0] : memref<10240xf32, #tpu.memory_space<hbm>> -> memref<640xf32, #tpu.memory_space<hbm>>
      tpu.wait_dma2 semaphore(%run_scoped3A : memref<!tpu.dma_semaphore, #tpu.memory_space<semaphore_mem>>) src(%dma_wait3A_44 : memref<640xf32, #tpu.memory_space<hbm>>) dst(%dma_wait3A : memref<640xf32, #tpu.memory_space<vmem_shared>>)
      tpu.yield
    }) : () -> ()
    "tpu.region"() ({
      %run_scoped3A = tpu.sem_alloc : memref<!tpu.dma_semaphore, #tpu.memory_space<semaphore_mem>>
      %dma_start3A = arith.constant 0 : i32
      %dma_start3A_43 = arith.constant 0 : i32
      %dma_start3A_44 = tpu.memref_slice %arg2[%arg0, %arg1, %dma_start3A, %dma_start3A_43] : memref<2x16x80x128xi32, #tpu.memory_space<hbm>> -> memref<1x1x80x128xi32, #tpu.memory_space<hbm>>
      %dma_start3A_45 = tpu.memref_squeeze %dma_start3A_44 : memref<1x1x80x128xi32, #tpu.memory_space<hbm>> -> memref<80x128xi32, #tpu.memory_space<hbm>>
      %dma_start3A_46 = arith.constant 0 : i32
      %dma_start3A_47 = arith.constant 0 : i32
      %dma_start3A_48 = tpu.memref_slice %arg2[%arg0, %arg1, %dma_start3A_46, %dma_start3A_47] : memref<2x16x80x128xi32, #tpu.memory_space<hbm>> -> memref<1x1x80x128xi32, #tpu.memory_space<hbm>>
      %dma_start3A_49 = tpu.memref_squeeze %dma_start3A_48 : memref<1x1x80x128xi32, #tpu.memory_space<hbm>> -> memref<80x128xi32, #tpu.memory_space<hbm>>
      tpu.enqueue_dma source(%dma_start3A_49 : memref<80x128xi32, #tpu.memory_space<hbm>>) target(%arg9 : memref<80x128xi32, #tpu.memory_space<vmem>>) target_semaphore(%run_scoped3A : memref<!tpu.dma_semaphore, #tpu.memory_space<semaphore_mem>>)
      %dma_wait3A = arith.constant 0 : i32
      %dma_wait3A_50 = arith.constant 0 : i32
      %dma_wait3A_51 = tpu.memref_slice %arg2[%arg0, %arg1, %dma_wait3A, %dma_wait3A_50] : memref<2x16x80x128xi32, #tpu.memory_space<hbm>> -> memref<1x1x80x128xi32, #tpu.memory_space<hbm>>
      %dma_wait3A_52 = tpu.memref_squeeze %dma_wait3A_51 : memref<1x1x80x128xi32, #tpu.memory_space<hbm>> -> memref<80x128xi32, #tpu.memory_space<hbm>>
      %dma_wait3A_53 = arith.constant 0 : i32
      %dma_wait3A_54 = arith.constant 0 : i32
      %dma_wait3A_55 = tpu.memref_slice %arg2[%arg0, %arg1, %dma_wait3A_53, %dma_wait3A_54] : memref<2x16x80x128xi32, #tpu.memory_space<hbm>> -> memref<1x1x80x128xi32, #tpu.memory_space<hbm>>
      %dma_wait3A_56 = tpu.memref_squeeze %dma_wait3A_55 : memref<1x1x80x128xi32, #tpu.memory_space<hbm>> -> memref<80x128xi32, #tpu.memory_space<hbm>>
      tpu.wait_dma2 semaphore(%run_scoped3A : memref<!tpu.dma_semaphore, #tpu.memory_space<semaphore_mem>>) src(%dma_wait3A_56 : memref<80x128xi32, #tpu.memory_space<hbm>>) dst(%arg9 : memref<80x128xi32, #tpu.memory_space<vmem>>)
      tpu.yield
    }) : () -> ()
    "tpu.region"() ({
      %run_scoped3A = tpu.sem_alloc : memref<!tpu.dma_semaphore, #tpu.memory_space<semaphore_mem>>
      %dma_start3A = arith.constant 0 : i32
      %dma_start3A_43 = arith.constant 0 : i32
      %dma_start3A_44 = tpu.memref_slice %arg3[%arg0, %arg1, %dma_start3A, %dma_start3A_43] : memref<2x16x80x128xi32, #tpu.memory_space<hbm>> -> memref<1x1x80x128xi32, #tpu.memory_space<hbm>>
      %dma_start3A_45 = tpu.memref_squeeze %dma_start3A_44 : memref<1x1x80x128xi32, #tpu.memory_space<hbm>> -> memref<80x128xi32, #tpu.memory_space<hbm>>
      %dma_start3A_46 = arith.constant 0 : i32
      %dma_start3A_47 = arith.constant 0 : i32
      %dma_start3A_48 = tpu.memref_slice %arg3[%arg0, %arg1, %dma_start3A_46, %dma_start3A_47] : memref<2x16x80x128xi32, #tpu.memory_space<hbm>> -> memref<1x1x80x128xi32, #tpu.memory_space<hbm>>
      %dma_start3A_49 = tpu.memref_squeeze %dma_start3A_48 : memref<1x1x80x128xi32, #tpu.memory_space<hbm>> -> memref<80x128xi32, #tpu.memory_space<hbm>>
      tpu.enqueue_dma source(%dma_start3A_49 : memref<80x128xi32, #tpu.memory_space<hbm>>) target(%arg10 : memref<80x128xi32, #tpu.memory_space<vmem>>) target_semaphore(%run_scoped3A : memref<!tpu.dma_semaphore, #tpu.memory_space<semaphore_mem>>)
      %dma_wait3A = arith.constant 0 : i32
      %dma_wait3A_50 = arith.constant 0 : i32
      %dma_wait3A_51 = tpu.memref_slice %arg3[%arg0, %arg1, %dma_wait3A, %dma_wait3A_50] : memref<2x16x80x128xi32, #tpu.memory_space<hbm>> -> memref<1x1x80x128xi32, #tpu.memory_space<hbm>>
      %dma_wait3A_52 = tpu.memref_squeeze %dma_wait3A_51 : memref<1x1x80x128xi32, #tpu.memory_space<hbm>> -> memref<80x128xi32, #tpu.memory_space<hbm>>
      %dma_wait3A_53 = arith.constant 0 : i32
      %dma_wait3A_54 = arith.constant 0 : i32
      %dma_wait3A_55 = tpu.memref_slice %arg3[%arg0, %arg1, %dma_wait3A_53, %dma_wait3A_54] : memref<2x16x80x128xi32, #tpu.memory_space<hbm>> -> memref<1x1x80x128xi32, #tpu.memory_space<hbm>>
      %dma_wait3A_56 = tpu.memref_squeeze %dma_wait3A_55 : memref<1x1x80x128xi32, #tpu.memory_space<hbm>> -> memref<80x128xi32, #tpu.memory_space<hbm>>
      tpu.wait_dma2 semaphore(%run_scoped3A : memref<!tpu.dma_semaphore, #tpu.memory_space<semaphore_mem>>) src(%dma_wait3A_56 : memref<80x128xi32, #tpu.memory_space<hbm>>) dst(%arg10 : memref<80x128xi32, #tpu.memory_space<vmem>>)
      tpu.yield
    }) : () -> ()
    %broadcast_in_dim3A = arith.constant 1.000000e+00 : f32
    %broadcast_in_dim3A_1 = vector.broadcast %broadcast_in_dim3A : f32 to vector<16xf32>
    %swap3A = arith.constant 0 : index
    %swap3A_2 = tpu.vector_load %arg11[%swap3A] {strides = array<i32>} : memref<128xf32, #tpu.memory_space<vmem>>, vector<16xf32>,
    tpu.vector_store %arg11[%swap3A], %broadcast_in_dim3A_1 {strides = array<i32>} : memref<128xf32, #tpu.memory_space<vmem>>, vector<16xf32>,
    %broadcast_in_dim3A_3 = arith.constant 1.000000e+00 : f32
    %broadcast_in_dim3A_4 = vector.broadcast %broadcast_in_dim3A_3 : f32 to vector<16xf32>
    %swap3A_5 = arith.constant 16 : index
    %swap3A_6 = tpu.vector_load %arg11[%swap3A_5] {strides = array<i32>} : memref<128xf32, #tpu.memory_space<vmem>>, vector<16xf32>,
    tpu.vector_store %arg11[%swap3A_5], %broadcast_in_dim3A_4 {strides = array<i32>} : memref<128xf32, #tpu.memory_space<vmem>>, vector<16xf32>,
    %broadcast_in_dim3A_7 = arith.constant 1.000000e+00 : f32
    %broadcast_in_dim3A_8 = vector.broadcast %broadcast_in_dim3A_7 : f32 to vector<16xf32>
    %swap3A_9 = arith.constant 32 : index
    %swap3A_10 = tpu.vector_load %arg11[%swap3A_9] {strides = array<i32>} : memref<128xf32, #tpu.memory_space<vmem>>, vector<16xf32>,
    tpu.vector_store %arg11[%swap3A_9], %broadcast_in_dim3A_8 {strides = array<i32>} : memref<128xf32, #tpu.memory_space<vmem>>, vector<16xf32>,
    %broadcast_in_dim3A_11 = arith.constant 1.000000e+00 : f32
    %broadcast_in_dim3A_12 = vector.broadcast %broadcast_in_dim3A_11 : f32 to vector<16xf32>
    %swap3A_13 = arith.constant 48 : index
    %swap3A_14 = tpu.vector_load %arg11[%swap3A_13] {strides = array<i32>} : memref<128xf32, #tpu.memory_space<vmem>>, vector<16xf32>,
    tpu.vector_store %arg11[%swap3A_13], %broadcast_in_dim3A_12 {strides = array<i32>} : memref<128xf32, #tpu.memory_space<vmem>>, vector<16xf32>,
    %broadcast_in_dim3A_15 = arith.constant 1.000000e+00 : f32
    %broadcast_in_dim3A_16 = vector.broadcast %broadcast_in_dim3A_15 : f32 to vector<16xf32>
    %swap3A_17 = arith.constant 64 : index
    %swap3A_18 = tpu.vector_load %arg11[%swap3A_17] {strides = array<i32>} : memref<128xf32, #tpu.memory_space<vmem>>, vector<16xf32>,
    tpu.vector_store %arg11[%swap3A_17], %broadcast_in_dim3A_16 {strides = array<i32>} : memref<128xf32, #tpu.memory_space<vmem>>, vector<16xf32>,
    %broadcast_in_dim3A_19 = arith.constant 1.000000e+00 : f32
    %broadcast_in_dim3A_20 = vector.broadcast %broadcast_in_dim3A_19 : f32 to vector<16xf32>
    %swap3A_21 = arith.constant 80 : index
    %swap3A_22 = tpu.vector_load %arg11[%swap3A_21] {strides = array<i32>} : memref<128xf32, #tpu.memory_space<vmem>>, vector<16xf32>,
    tpu.vector_store %arg11[%swap3A_21], %broadcast_in_dim3A_20 {strides = array<i32>} : memref<128xf32, #tpu.memory_space<vmem>>, vector<16xf32>,
    %broadcast_in_dim3A_23 = arith.constant 1.000000e+00 : f32
    %broadcast_in_dim3A_24 = vector.broadcast %broadcast_in_dim3A_23 : f32 to vector<16xf32>
    %swap3A_25 = arith.constant 96 : index
    %swap3A_26 = tpu.vector_load %arg11[%swap3A_25] {strides = array<i32>} : memref<128xf32, #tpu.memory_space<vmem>>, vector<16xf32>,
    tpu.vector_store %arg11[%swap3A_25], %broadcast_in_dim3A_24 {strides = array<i32>} : memref<128xf32, #tpu.memory_space<vmem>>, vector<16xf32>,
    %broadcast_in_dim3A_27 = arith.constant 1.000000e+00 : f32
    %broadcast_in_dim3A_28 = vector.broadcast %broadcast_in_dim3A_27 : f32 to vector<16xf32>
    %swap3A_29 = arith.constant 112 : index
    %swap3A_30 = tpu.vector_load %arg11[%swap3A_29] {strides = array<i32>} : memref<128xf32, #tpu.memory_space<vmem>>, vector<16xf32>,
    tpu.vector_store %arg11[%swap3A_29], %broadcast_in_dim3A_28 {strides = array<i32>} : memref<128xf32, #tpu.memory_space<vmem>>, vector<16xf32>,
    %barrier3A = arith.constant 0 : index
    tpu.barrier barrier_id(%barrier3A)
    %scan3A = arith.constant 0 : i32
    %scan3A_31 = arith.constant 0 : i32
    %scan3A_32 = arith.constant 80 : i32
    %scan3A_33 = arith.addi %scan3A_31, %scan3A_32 : i32
    %scan3A_34 = arith.constant 1 : i32
    scf.for %scan3A_43 = %scan3A_31 to %scan3A_33 step %scan3A_34  : i32 {
      %dma_start3A = arith.constant 0 : i32
      %dma_start3A_44 = tpu.memref_slice %arg10[%scan3A_43, %dma_start3A] : memref<80x128xi32, #tpu.memory_space<vmem>> -> memref<1x128xi32, #tpu.memory_space<vmem>>
      %dma_start3A_45 = tpu.memref_squeeze %dma_start3A_44 : memref<1x128xi32, #tpu.memory_space<vmem>> -> memref<128xi32, #tpu.memory_space<vmem>>
      %dma_start3A_46 = arith.constant 0 : i32
      %dma_start3A_47 = tpu.memref_slice %arg14[%dma_start3A_46] : memref<10240xf32, #tpu.memory_space<vmem_shared>> -> memref<10240xf32, #tpu.memory_space<vmem_shared>>
      tpu.enqueue_indirect_dma source(%arg11 : memref<128xf32, #tpu.memory_space<vmem>>) target(%dma_start3A_47 : memref<10240xf32, #tpu.memory_space<vmem_shared>>) offsets(%dma_start3A_45 : memref<128xi32, #tpu.memory_space<vmem>>) semaphore(%arg17 : memref<!tpu.dma_semaphore, #tpu.memory_space<semaphore_mem>>) {add = true}
      %get3A = arith.index_cast %scan3A_43 : i32 to index
      %get3A_48 = arith.constant 0 : index
      %get3A_49 = tpu.vector_load %arg10[%get3A, %get3A_48] {strides = array<i32>} : memref<80x128xi32, #tpu.memory_space<vmem>>, vector<16xi32>,
      %lt3A = arith.constant 2 : i32
      %lt3A_50 = vector.broadcast %lt3A : i32 to vector<16xi32>
      %lt3A_51 = arith.cmpi slt, %get3A_49, %lt3A_50 : vector<16xi32>
      %get3A_52 = arith.index_cast %scan3A_43 : i32 to index
      %get3A_53 = arith.constant 16 : index
      %get3A_54 = tpu.vector_load %arg10[%get3A_52, %get3A_53] {strides = array<i32>} : memref<80x128xi32, #tpu.memory_space<vmem>>, vector<16xi32>,
      %lt3A_55 = arith.constant 2 : i32
      %lt3A_56 = vector.broadcast %lt3A_55 : i32 to vector<16xi32>
      %lt3A_57 = arith.cmpi slt, %get3A_54, %lt3A_56 : vector<16xi32>
      %or3A = arith.ori %lt3A_51, %lt3A_57 : vector<16xi1>
      %get3A_58 = arith.index_cast %scan3A_43 : i32 to index
      %get3A_59 = arith.constant 32 : index
      %get3A_60 = tpu.vector_load %arg10[%get3A_58, %get3A_59] {strides = array<i32>} : memref<80x128xi32, #tpu.memory_space<vmem>>, vector<16xi32>,
      %lt3A_61 = arith.constant 2 : i32
      %lt3A_62 = vector.broadcast %lt3A_61 : i32 to vector<16xi32>
      %lt3A_63 = arith.cmpi slt, %get3A_60, %lt3A_62 : vector<16xi32>
      %or3A_64 = arith.ori %or3A, %lt3A_63 : vector<16xi1>
      %get3A_65 = arith.index_cast %scan3A_43 : i32 to index
      %get3A_66 = arith.constant 48 : index
      %get3A_67 = tpu.vector_load %arg10[%get3A_65, %get3A_66] {strides = array<i32>} : memref<80x128xi32, #tpu.memory_space<vmem>>, vector<16xi32>,
      %lt3A_68 = arith.constant 2 : i32
      %lt3A_69 = vector.broadcast %lt3A_68 : i32 to vector<16xi32>
      %lt3A_70 = arith.cmpi slt, %get3A_67, %lt3A_69 : vector<16xi32>
      %or3A_71 = arith.ori %or3A_64, %lt3A_70 : vector<16xi1>
      %get3A_72 = arith.index_cast %scan3A_43 : i32 to index
      %get3A_73 = arith.constant 64 : index
      %get3A_74 = tpu.vector_load %arg10[%get3A_72, %get3A_73] {strides = array<i32>} : memref<80x128xi32, #tpu.memory_space<vmem>>, vector<16xi32>,
      %lt3A_75 = arith.constant 2 : i32
      %lt3A_76 = vector.broadcast %lt3A_75 : i32 to vector<16xi32>
      %lt3A_77 = arith.cmpi slt, %get3A_74, %lt3A_76 : vector<16xi32>
      %or3A_78 = arith.ori %or3A_71, %lt3A_77 : vector<16xi1>
      %get3A_79 = arith.index_cast %scan3A_43 : i32 to index
      %get3A_80 = arith.constant 80 : index
      %get3A_81 = tpu.vector_load %arg10[%get3A_79, %get3A_80] {strides = array<i32>} : memref<80x128xi32, #tpu.memory_space<vmem>>, vector<16xi32>,
      %lt3A_82 = arith.constant 2 : i32
      %lt3A_83 = vector.broadcast %lt3A_82 : i32 to vector<16xi32>
      %lt3A_84 = arith.cmpi slt, %get3A_81, %lt3A_83 : vector<16xi32>
      %or3A_85 = arith.ori %or3A_78, %lt3A_84 : vector<16xi1>
      %get3A_86 = arith.index_cast %scan3A_43 : i32 to index
      %get3A_87 = arith.constant 96 : index
      %get3A_88 = tpu.vector_load %arg10[%get3A_86, %get3A_87] {strides = array<i32>} : memref<80x128xi32, #tpu.memory_space<vmem>>, vector<16xi32>,
      %lt3A_89 = arith.constant 2 : i32
      %lt3A_90 = vector.broadcast %lt3A_89 : i32 to vector<16xi32>
      %lt3A_91 = arith.cmpi slt, %get3A_88, %lt3A_90 : vector<16xi32>
      %or3A_92 = arith.ori %or3A_85, %lt3A_91 : vector<16xi1>
      %get3A_93 = arith.index_cast %scan3A_43 : i32 to index
      %get3A_94 = arith.constant 112 : index
      %get3A_95 = tpu.vector_load %arg10[%get3A_93, %get3A_94] {strides = array<i32>} : memref<80x128xi32, #tpu.memory_space<vmem>>, vector<16xi32>,
      %lt3A_96 = arith.constant 2 : i32
      %lt3A_97 = vector.broadcast %lt3A_96 : i32 to vector<16xi32>
      %lt3A_98 = arith.cmpi slt, %get3A_95, %lt3A_97 : vector<16xi32>
      %or3A_99 = arith.ori %or3A_92, %lt3A_98 : vector<16xi1>
      %all_reduce_population_count3A = tpu.all_reduce %or3A_99 {dim = 0 : i64, kind = #tpu.reduction_kind<sum>} : vector<16xi1> -> vector<16xi32>
      %slice3A = vector.extract_strided_slice %all_reduce_population_count3A {offsets = [0], sizes = [1], strides = [1]} : vector<16xi32> to vector<1xi32>
      %squeeze3A = vector.extract %slice3A[0] : i32 from vector<1xi32>
      %gt3A = arith.constant 0 : i32
      %gt3A_100 = arith.cmpi sgt, %squeeze3A, %gt3A : i32
      %convert_element_type3A = arith.extui %gt3A_100 : i1 to i32
      %cond3A = arith.constant 0 : i32
      %cond3A_101 = arith.cmpi ne, %convert_element_type3A, %cond3A : i32
      scf.if %cond3A_101 {
        %get3A_102 = arith.index_cast %scan3A_43 : i32 to index
        %get3A_103 = arith.constant 0 : index
        %get3A_104 = tpu.vector_load %arg10[%get3A_102, %get3A_103] {strides = array<i32>} : memref<80x128xi32, #tpu.memory_space<vmem>>, vector<16xi32>,
        %eq3A = arith.constant 0 : i32
        %eq3A_105 = vector.broadcast %eq3A : i32 to vector<16xi32>
        %eq3A_106 = arith.cmpi eq, %get3A_104, %eq3A_105 : vector<16xi32>
        %eq3A_107 = arith.constant 1 : i32
        %eq3A_108 = vector.broadcast %eq3A_107 : i32 to vector<16xi32>
        %eq3A_109 = arith.cmpi eq, %get3A_104, %eq3A_108 : vector<16xi32>
        %lt3A_110 = arith.constant 2 : i32
        %lt3A_111 = vector.broadcast %lt3A_110 : i32 to vector<16xi32>
        %lt3A_112 = arith.cmpi slt, %get3A_104, %lt3A_111 : vector<16xi32>
        %all_reduce_population_count3A_113 = tpu.all_reduce %lt3A_112 {dim = 0 : i64, kind = #tpu.reduction_kind<sum>} : vector<16xi1> -> vector<16xi32>
        %slice3A_114 = vector.extract_strided_slice %all_reduce_population_count3A_113 {offsets = [0], sizes = [1], strides = [1]} : vector<16xi32> to vector<1xi32>
        %squeeze3A_115 = vector.extract %slice3A_114[0] : i32 from vector<1xi32>
        %gt3A_116 = arith.constant 0 : i32
        %gt3A_117 = arith.cmpi sgt, %squeeze3A_115, %gt3A_116 : i32
        %convert_element_type3A_118 = arith.extui %gt3A_117 : i1 to i32
        %cond3A_119 = arith.constant 0 : i32
        %cond3A_120 = arith.cmpi ne, %convert_element_type3A_118, %cond3A_119 : i32
        scf.if %cond3A_120 {
          %get3A_261 = arith.index_cast %scan3A_43 : i32 to index
          %get3A_262 = arith.constant 0 : index
          %get3A_263 = tpu.vector_load %arg9[%get3A_261, %get3A_262] {strides = array<i32>} : memref<80x128xi32, #tpu.memory_space<vmem>>, vector<16xi32>,
          %jit3A = arith.constant 1.000000e+00 : f32
          %jit3A_264 = arith.constant 0.000000e+00 : f32
          %broadcast_in_dim3A_265 = vector.broadcast %jit3A : f32 to vector<16xf32>
          %broadcast_in_dim3A_266 = vector.broadcast %jit3A_264 : f32 to vector<16xf32>
          %select_n3A = arith.select %eq3A_106, %broadcast_in_dim3A_265, %broadcast_in_dim3A_266 : vector<16xi1>, vector<16xf32>
          %swap3A_267 = arith.constant 0 : index
          %swap3A_268 = tpu.vector_load %arg12[%swap3A_267] {strides = array<i32>} : memref<16xf32, #tpu.memory_space<vmem>>, vector<16xf32>,
          tpu.vector_store %arg12[%swap3A_267], %select_n3A {strides = array<i32>} : memref<16xf32, #tpu.memory_space<vmem>>, vector<16xf32>,
          %jit3A_269 = arith.constant 1.000000e+00 : f32
          %jit3A_270 = arith.constant 0.000000e+00 : f32
          %broadcast_in_dim3A_271 = vector.broadcast %jit3A_269 : f32 to vector<16xf32>
          %broadcast_in_dim3A_272 = vector.broadcast %jit3A_270 : f32 to vector<16xf32>
          %select_n3A_273 = arith.select %eq3A_109, %broadcast_in_dim3A_271, %broadcast_in_dim3A_272 : vector<16xi1>, vector<16xf32>
          %swap3A_274 = arith.constant 0 : index
          %swap3A_275 = tpu.vector_load %arg13[%swap3A_274] {strides = array<i32>} : memref<16xf32, #tpu.memory_space<vmem>>, vector<16xf32>,
          tpu.vector_store %arg13[%swap3A_274], %select_n3A_273 {strides = array<i32>} : memref<16xf32, #tpu.memory_space<vmem>>, vector<16xf32>,
          "tpu.region"() ({
            %run_scoped3A = tpu.sem_alloc : memref<!tpu.dma_semaphore, #tpu.memory_space<semaphore_mem>>
            %dma_start3A_276 = arith.constant 0 : i32
            %dma_start3A_277 = tpu.memref_slice %arg15[%dma_start3A_276] : memref<10240xf32, #tpu.memory_space<vmem_shared>> -> memref<10240xf32, #tpu.memory_space<vmem_shared>>
            tpu.enqueue_indirect_dma source(%arg12 : memref<16xf32, #tpu.memory_space<vmem>>) target(%dma_start3A_277 : memref<10240xf32, #tpu.memory_space<vmem_shared>>) offsets(%get3A_263 : vector<16xi32>) semaphore(%run_scoped3A : memref<!tpu.dma_semaphore, #tpu.memory_space<semaphore_mem>>) {add = true}
            %dma_wait3A = arith.constant 0 : i32
            %dma_wait3A_278 = tpu.memref_slice %arg15[%dma_wait3A] : memref<10240xf32, #tpu.memory_space<vmem_shared>> -> memref<10240xf32, #tpu.memory_space<vmem_shared>>
            tpu.wait_indirect_dma semaphore(%run_scoped3A : memref<!tpu.dma_semaphore, #tpu.memory_space<semaphore_mem>>) src(%arg12 : memref<16xf32, #tpu.memory_space<vmem>>) dst(%dma_wait3A_278 : memref<10240xf32, #tpu.memory_space<vmem_shared>>)
            tpu.yield
          }) : () -> ()
          "tpu.region"() ({
            %run_scoped3A = tpu.sem_alloc : memref<!tpu.dma_semaphore, #tpu.memory_space<semaphore_mem>>
            %dma_start3A_276 = arith.constant 0 : i32
            %dma_start3A_277 = tpu.memref_slice %arg16[%dma_start3A_276] : memref<10240xf32, #tpu.memory_space<vmem_shared>> -> memref<10240xf32, #tpu.memory_space<vmem_shared>>
            tpu.enqueue_indirect_dma source(%arg13 : memref<16xf32, #tpu.memory_space<vmem>>) target(%dma_start3A_277 : memref<10240xf32, #tpu.memory_space<vmem_shared>>) offsets(%get3A_263 : vector<16xi32>) semaphore(%run_scoped3A : memref<!tpu.dma_semaphore, #tpu.memory_space<semaphore_mem>>) {add = true}
            %dma_wait3A = arith.constant 0 : i32
            %dma_wait3A_278 = tpu.memref_slice %arg16[%dma_wait3A] : memref<10240xf32, #tpu.memory_space<vmem_shared>> -> memref<10240xf32, #tpu.memory_space<vmem_shared>>
            tpu.wait_indirect_dma semaphore(%run_scoped3A : memref<!tpu.dma_semaphore, #tpu.memory_space<semaphore_mem>>) src(%arg13 : memref<16xf32, #tpu.memory_space<vmem>>) dst(%dma_wait3A_278 : memref<10240xf32, #tpu.memory_space<vmem_shared>>)
            tpu.yield
          }) : () -> ()
        } else {
        }
        %get3A_121 = arith.index_cast %scan3A_43 : i32 to index
        %get3A_122 = arith.constant 16 : index
        %get3A_123 = tpu.vector_load %arg10[%get3A_121, %get3A_122] {strides = array<i32>} : memref<80x128xi32, #tpu.memory_space<vmem>>, vector<16xi32>,
        %eq3A_124 = arith.constant 0 : i32
        %eq3A_125 = vector.broadcast %eq3A_124 : i32 to vector<16xi32>
        %eq3A_126 = arith.cmpi eq, %get3A_123, %eq3A_125 : vector<16xi32>
        %eq3A_127 = arith.constant 1 : i32
        %eq3A_128 = vector.broadcast %eq3A_127 : i32 to vector<16xi32>
        %eq3A_129 = arith.cmpi eq, %get3A_123, %eq3A_128 : vector<16xi32>
        %lt3A_130 = arith.constant 2 : i32
        %lt3A_131 = vector.broadcast %lt3A_130 : i32 to vector<16xi32>
        %lt3A_132 = arith.cmpi slt, %get3A_123, %lt3A_131 : vector<16xi32>
        %all_reduce_population_count3A_133 = tpu.all_reduce %lt3A_132 {dim = 0 : i64, kind = #tpu.reduction_kind<sum>} : vector<16xi1> -> vector<16xi32>
        %slice3A_134 = vector.extract_strided_slice %all_reduce_population_count3A_133 {offsets = [0], sizes = [1], strides = [1]} : vector<16xi32> to vector<1xi32>
        %squeeze3A_135 = vector.extract %slice3A_134[0] : i32 from vector<1xi32>
        %gt3A_136 = arith.constant 0 : i32
        %gt3A_137 = arith.cmpi sgt, %squeeze3A_135, %gt3A_136 : i32
        %convert_element_type3A_138 = arith.extui %gt3A_137 : i1 to i32
        %cond3A_139 = arith.constant 0 : i32
        %cond3A_140 = arith.cmpi ne, %convert_element_type3A_138, %cond3A_139 : i32
        scf.if %cond3A_140 {
          %get3A_261 = arith.index_cast %scan3A_43 : i32 to index
          %get3A_262 = arith.constant 16 : index
          %get3A_263 = tpu.vector_load %arg9[%get3A_261, %get3A_262] {strides = array<i32>} : memref<80x128xi32, #tpu.memory_space<vmem>>, vector<16xi32>,
          %jit3A = arith.constant 1.000000e+00 : f32
          %jit3A_264 = arith.constant 0.000000e+00 : f32
          %broadcast_in_dim3A_265 = vector.broadcast %jit3A : f32 to vector<16xf32>
          %broadcast_in_dim3A_266 = vector.broadcast %jit3A_264 : f32 to vector<16xf32>
          %select_n3A = arith.select %eq3A_126, %broadcast_in_dim3A_265, %broadcast_in_dim3A_266 : vector<16xi1>, vector<16xf32>
          %swap3A_267 = arith.constant 0 : index
          %swap3A_268 = tpu.vector_load %arg12[%swap3A_267] {strides = array<i32>} : memref<16xf32, #tpu.memory_space<vmem>>, vector<16xf32>,
          tpu.vector_store %arg12[%swap3A_267], %select_n3A {strides = array<i32>} : memref<16xf32, #tpu.memory_space<vmem>>, vector<16xf32>,
          %jit3A_269 = arith.constant 1.000000e+00 : f32
          %jit3A_270 = arith.constant 0.000000e+00 : f32
          %broadcast_in_dim3A_271 = vector.broadcast %jit3A_269 : f32 to vector<16xf32>
          %broadcast_in_dim3A_272 = vector.broadcast %jit3A_270 : f32 to vector<16xf32>
          %select_n3A_273 = arith.select %eq3A_129, %broadcast_in_dim3A_271, %broadcast_in_dim3A_272 : vector<16xi1>, vector<16xf32>
          %swap3A_274 = arith.constant 0 : index
          %swap3A_275 = tpu.vector_load %arg13[%swap3A_274] {strides = array<i32>} : memref<16xf32, #tpu.memory_space<vmem>>, vector<16xf32>,
          tpu.vector_store %arg13[%swap3A_274], %select_n3A_273 {strides = array<i32>} : memref<16xf32, #tpu.memory_space<vmem>>, vector<16xf32>,
          "tpu.region"() ({
            %run_scoped3A = tpu.sem_alloc : memref<!tpu.dma_semaphore, #tpu.memory_space<semaphore_mem>>
            %dma_start3A_276 = arith.constant 0 : i32
            %dma_start3A_277 = tpu.memref_slice %arg15[%dma_start3A_276] : memref<10240xf32, #tpu.memory_space<vmem_shared>> -> memref<10240xf32, #tpu.memory_space<vmem_shared>>
            tpu.enqueue_indirect_dma source(%arg12 : memref<16xf32, #tpu.memory_space<vmem>>) target(%dma_start3A_277 : memref<10240xf32, #tpu.memory_space<vmem_shared>>) offsets(%get3A_263 : vector<16xi32>) semaphore(%run_scoped3A : memref<!tpu.dma_semaphore, #tpu.memory_space<semaphore_mem>>) {add = true}
            %dma_wait3A = arith.constant 0 : i32
            %dma_wait3A_278 = tpu.memref_slice %arg15[%dma_wait3A] : memref<10240xf32, #tpu.memory_space<vmem_shared>> -> memref<10240xf32, #tpu.memory_space<vmem_shared>>
            tpu.wait_indirect_dma semaphore(%run_scoped3A : memref<!tpu.dma_semaphore, #tpu.memory_space<semaphore_mem>>) src(%arg12 : memref<16xf32, #tpu.memory_space<vmem>>) dst(%dma_wait3A_278 : memref<10240xf32, #tpu.memory_space<vmem_shared>>)
            tpu.yield
          }) : () -> ()
          "tpu.region"() ({
            %run_scoped3A = tpu.sem_alloc : memref<!tpu.dma_semaphore, #tpu.memory_space<semaphore_mem>>
            %dma_start3A_276 = arith.constant 0 : i32
            %dma_start3A_277 = tpu.memref_slice %arg16[%dma_start3A_276] : memref<10240xf32, #tpu.memory_space<vmem_shared>> -> memref<10240xf32, #tpu.memory_space<vmem_shared>>
            tpu.enqueue_indirect_dma source(%arg13 : memref<16xf32, #tpu.memory_space<vmem>>) target(%dma_start3A_277 : memref<10240xf32, #tpu.memory_space<vmem_shared>>) offsets(%get3A_263 : vector<16xi32>) semaphore(%run_scoped3A : memref<!tpu.dma_semaphore, #tpu.memory_space<semaphore_mem>>) {add = true}
            %dma_wait3A = arith.constant 0 : i32
            %dma_wait3A_278 = tpu.memref_slice %arg16[%dma_wait3A] : memref<10240xf32, #tpu.memory_space<vmem_shared>> -> memref<10240xf32, #tpu.memory_space<vmem_shared>>
            tpu.wait_indirect_dma semaphore(%run_scoped3A : memref<!tpu.dma_semaphore, #tpu.memory_space<semaphore_mem>>) src(%arg13 : memref<16xf32, #tpu.memory_space<vmem>>) dst(%dma_wait3A_278 : memref<10240xf32, #tpu.memory_space<vmem_shared>>)
            tpu.yield
          }) : () -> ()
        } else {
        }
        %get3A_141 = arith.index_cast %scan3A_43 : i32 to index
        %get3A_142 = arith.constant 32 : index
        %get3A_143 = tpu.vector_load %arg10[%get3A_141, %get3A_142] {strides = array<i32>} : memref<80x128xi32, #tpu.memory_space<vmem>>, vector<16xi32>,
        %eq3A_144 = arith.constant 0 : i32
        %eq3A_145 = vector.broadcast %eq3A_144 : i32 to vector<16xi32>
        %eq3A_146 = arith.cmpi eq, %get3A_143, %eq3A_145 : vector<16xi32>
        %eq3A_147 = arith.constant 1 : i32
        %eq3A_148 = vector.broadcast %eq3A_147 : i32 to vector<16xi32>
        %eq3A_149 = arith.cmpi eq, %get3A_143, %eq3A_148 : vector<16xi32>
        %lt3A_150 = arith.constant 2 : i32
        %lt3A_151 = vector.broadcast %lt3A_150 : i32 to vector<16xi32>
        %lt3A_152 = arith.cmpi slt, %get3A_143, %lt3A_151 : vector<16xi32>
        %all_reduce_population_count3A_153 = tpu.all_reduce %lt3A_152 {dim = 0 : i64, kind = #tpu.reduction_kind<sum>} : vector<16xi1> -> vector<16xi32>
        %slice3A_154 = vector.extract_strided_slice %all_reduce_population_count3A_153 {offsets = [0], sizes = [1], strides = [1]} : vector<16xi32> to vector<1xi32>
        %squeeze3A_155 = vector.extract %slice3A_154[0] : i32 from vector<1xi32>
        %gt3A_156 = arith.constant 0 : i32
        %gt3A_157 = arith.cmpi sgt, %squeeze3A_155, %gt3A_156 : i32
        %convert_element_type3A_158 = arith.extui %gt3A_157 : i1 to i32
        %cond3A_159 = arith.constant 0 : i32
        %cond3A_160 = arith.cmpi ne, %convert_element_type3A_158, %cond3A_159 : i32
        scf.if %cond3A_160 {
          %get3A_261 = arith.index_cast %scan3A_43 : i32 to index
          %get3A_262 = arith.constant 32 : index
          %get3A_263 = tpu.vector_load %arg9[%get3A_261, %get3A_262] {strides = array<i32>} : memref<80x128xi32, #tpu.memory_space<vmem>>, vector<16xi32>,
          %jit3A = arith.constant 1.000000e+00 : f32
          %jit3A_264 = arith.constant 0.000000e+00 : f32
          %broadcast_in_dim3A_265 = vector.broadcast %jit3A : f32 to vector<16xf32>
          %broadcast_in_dim3A_266 = vector.broadcast %jit3A_264 : f32 to vector<16xf32>
          %select_n3A = arith.select %eq3A_146, %broadcast_in_dim3A_265, %broadcast_in_dim3A_266 : vector<16xi1>, vector<16xf32>
          %swap3A_267 = arith.constant 0 : index
          %swap3A_268 = tpu.vector_load %arg12[%swap3A_267] {strides = array<i32>} : memref<16xf32, #tpu.memory_space<vmem>>, vector<16xf32>,
          tpu.vector_store %arg12[%swap3A_267], %select_n3A {strides = array<i32>} : memref<16xf32, #tpu.memory_space<vmem>>, vector<16xf32>,
          %jit3A_269 = arith.constant 1.000000e+00 : f32
          %jit3A_270 = arith.constant 0.000000e+00 : f32
          %broadcast_in_dim3A_271 = vector.broadcast %jit3A_269 : f32 to vector<16xf32>
          %broadcast_in_dim3A_272 = vector.broadcast %jit3A_270 : f32 to vector<16xf32>
          %select_n3A_273 = arith.select %eq3A_149, %broadcast_in_dim3A_271, %broadcast_in_dim3A_272 : vector<16xi1>, vector<16xf32>
          %swap3A_274 = arith.constant 0 : index
          %swap3A_275 = tpu.vector_load %arg13[%swap3A_274] {strides = array<i32>} : memref<16xf32, #tpu.memory_space<vmem>>, vector<16xf32>,
          tpu.vector_store %arg13[%swap3A_274], %select_n3A_273 {strides = array<i32>} : memref<16xf32, #tpu.memory_space<vmem>>, vector<16xf32>,
          "tpu.region"() ({
            %run_scoped3A = tpu.sem_alloc : memref<!tpu.dma_semaphore, #tpu.memory_space<semaphore_mem>>
            %dma_start3A_276 = arith.constant 0 : i32
            %dma_start3A_277 = tpu.memref_slice %arg15[%dma_start3A_276] : memref<10240xf32, #tpu.memory_space<vmem_shared>> -> memref<10240xf32, #tpu.memory_space<vmem_shared>>
            tpu.enqueue_indirect_dma source(%arg12 : memref<16xf32, #tpu.memory_space<vmem>>) target(%dma_start3A_277 : memref<10240xf32, #tpu.memory_space<vmem_shared>>) offsets(%get3A_263 : vector<16xi32>) semaphore(%run_scoped3A : memref<!tpu.dma_semaphore, #tpu.memory_space<semaphore_mem>>) {add = true}
            %dma_wait3A = arith.constant 0 : i32
            %dma_wait3A_278 = tpu.memref_slice %arg15[%dma_wait3A] : memref<10240xf32, #tpu.memory_space<vmem_shared>> -> memref<10240xf32, #tpu.memory_space<vmem_shared>>
            tpu.wait_indirect_dma semaphore(%run_scoped3A : memref<!tpu.dma_semaphore, #tpu.memory_space<semaphore_mem>>) src(%arg12 : memref<16xf32, #tpu.memory_space<vmem>>) dst(%dma_wait3A_278 : memref<10240xf32, #tpu.memory_space<vmem_shared>>)
            tpu.yield
          }) : () -> ()
          "tpu.region"() ({
            %run_scoped3A = tpu.sem_alloc : memref<!tpu.dma_semaphore, #tpu.memory_space<semaphore_mem>>
            %dma_start3A_276 = arith.constant 0 : i32
            %dma_start3A_277 = tpu.memref_slice %arg16[%dma_start3A_276] : memref<10240xf32, #tpu.memory_space<vmem_shared>> -> memref<10240xf32, #tpu.memory_space<vmem_shared>>
            tpu.enqueue_indirect_dma source(%arg13 : memref<16xf32, #tpu.memory_space<vmem>>) target(%dma_start3A_277 : memref<10240xf32, #tpu.memory_space<vmem_shared>>) offsets(%get3A_263 : vector<16xi32>) semaphore(%run_scoped3A : memref<!tpu.dma_semaphore, #tpu.memory_space<semaphore_mem>>) {add = true}
            %dma_wait3A = arith.constant 0 : i32
            %dma_wait3A_278 = tpu.memref_slice %arg16[%dma_wait3A] : memref<10240xf32, #tpu.memory_space<vmem_shared>> -> memref<10240xf32, #tpu.memory_space<vmem_shared>>
            tpu.wait_indirect_dma semaphore(%run_scoped3A : memref<!tpu.dma_semaphore, #tpu.memory_space<semaphore_mem>>) src(%arg13 : memref<16xf32, #tpu.memory_space<vmem>>) dst(%dma_wait3A_278 : memref<10240xf32, #tpu.memory_space<vmem_shared>>)
            tpu.yield
          }) : () -> ()
        } else {
        }
        %get3A_161 = arith.index_cast %scan3A_43 : i32 to index
        %get3A_162 = arith.constant 48 : index
        %get3A_163 = tpu.vector_load %arg10[%get3A_161, %get3A_162] {strides = array<i32>} : memref<80x128xi32, #tpu.memory_space<vmem>>, vector<16xi32>,
        %eq3A_164 = arith.constant 0 : i32
        %eq3A_165 = vector.broadcast %eq3A_164 : i32 to vector<16xi32>
        %eq3A_166 = arith.cmpi eq, %get3A_163, %eq3A_165 : vector<16xi32>
        %eq3A_167 = arith.constant 1 : i32
        %eq3A_168 = vector.broadcast %eq3A_167 : i32 to vector<16xi32>
        %eq3A_169 = arith.cmpi eq, %get3A_163, %eq3A_168 : vector<16xi32>
        %lt3A_170 = arith.constant 2 : i32
        %lt3A_171 = vector.broadcast %lt3A_170 : i32 to vector<16xi32>
        %lt3A_172 = arith.cmpi slt, %get3A_163, %lt3A_171 : vector<16xi32>
        %all_reduce_population_count3A_173 = tpu.all_reduce %lt3A_172 {dim = 0 : i64, kind = #tpu.reduction_kind<sum>} : vector<16xi1> -> vector<16xi32>
        %slice3A_174 = vector.extract_strided_slice %all_reduce_population_count3A_173 {offsets = [0], sizes = [1], strides = [1]} : vector<16xi32> to vector<1xi32>
        %squeeze3A_175 = vector.extract %slice3A_174[0] : i32 from vector<1xi32>
        %gt3A_176 = arith.constant 0 : i32
        %gt3A_177 = arith.cmpi sgt, %squeeze3A_175, %gt3A_176 : i32
        %convert_element_type3A_178 = arith.extui %gt3A_177 : i1 to i32
        %cond3A_179 = arith.constant 0 : i32
        %cond3A_180 = arith.cmpi ne, %convert_element_type3A_178, %cond3A_179 : i32
        scf.if %cond3A_180 {
          %get3A_261 = arith.index_cast %scan3A_43 : i32 to index
          %get3A_262 = arith.constant 48 : index
          %get3A_263 = tpu.vector_load %arg9[%get3A_261, %get3A_262] {strides = array<i32>} : memref<80x128xi32, #tpu.memory_space<vmem>>, vector<16xi32>,
          %jit3A = arith.constant 1.000000e+00 : f32
          %jit3A_264 = arith.constant 0.000000e+00 : f32
          %broadcast_in_dim3A_265 = vector.broadcast %jit3A : f32 to vector<16xf32>
          %broadcast_in_dim3A_266 = vector.broadcast %jit3A_264 : f32 to vector<16xf32>
          %select_n3A = arith.select %eq3A_166, %broadcast_in_dim3A_265, %broadcast_in_dim3A_266 : vector<16xi1>, vector<16xf32>
          %swap3A_267 = arith.constant 0 : index
          %swap3A_268 = tpu.vector_load %arg12[%swap3A_267] {strides = array<i32>} : memref<16xf32, #tpu.memory_space<vmem>>, vector<16xf32>,
          tpu.vector_store %arg12[%swap3A_267], %select_n3A {strides = array<i32>} : memref<16xf32, #tpu.memory_space<vmem>>, vector<16xf32>,
          %jit3A_269 = arith.constant 1.000000e+00 : f32
          %jit3A_270 = arith.constant 0.000000e+00 : f32
          %broadcast_in_dim3A_271 = vector.broadcast %jit3A_269 : f32 to vector<16xf32>
          %broadcast_in_dim3A_272 = vector.broadcast %jit3A_270 : f32 to vector<16xf32>
          %select_n3A_273 = arith.select %eq3A_169, %broadcast_in_dim3A_271, %broadcast_in_dim3A_272 : vector<16xi1>, vector<16xf32>
          %swap3A_274 = arith.constant 0 : index
          %swap3A_275 = tpu.vector_load %arg13[%swap3A_274] {strides = array<i32>} : memref<16xf32, #tpu.memory_space<vmem>>, vector<16xf32>,
          tpu.vector_store %arg13[%swap3A_274], %select_n3A_273 {strides = array<i32>} : memref<16xf32, #tpu.memory_space<vmem>>, vector<16xf32>,
          "tpu.region"() ({
            %run_scoped3A = tpu.sem_alloc : memref<!tpu.dma_semaphore, #tpu.memory_space<semaphore_mem>>
            %dma_start3A_276 = arith.constant 0 : i32
            %dma_start3A_277 = tpu.memref_slice %arg15[%dma_start3A_276] : memref<10240xf32, #tpu.memory_space<vmem_shared>> -> memref<10240xf32, #tpu.memory_space<vmem_shared>>
            tpu.enqueue_indirect_dma source(%arg12 : memref<16xf32, #tpu.memory_space<vmem>>) target(%dma_start3A_277 : memref<10240xf32, #tpu.memory_space<vmem_shared>>) offsets(%get3A_263 : vector<16xi32>) semaphore(%run_scoped3A : memref<!tpu.dma_semaphore, #tpu.memory_space<semaphore_mem>>) {add = true}
            %dma_wait3A = arith.constant 0 : i32
            %dma_wait3A_278 = tpu.memref_slice %arg15[%dma_wait3A] : memref<10240xf32, #tpu.memory_space<vmem_shared>> -> memref<10240xf32, #tpu.memory_space<vmem_shared>>
            tpu.wait_indirect_dma semaphore(%run_scoped3A : memref<!tpu.dma_semaphore, #tpu.memory_space<semaphore_mem>>) src(%arg12 : memref<16xf32, #tpu.memory_space<vmem>>) dst(%dma_wait3A_278 : memref<10240xf32, #tpu.memory_space<vmem_shared>>)
            tpu.yield
          }) : () -> ()
          "tpu.region"() ({
            %run_scoped3A = tpu.sem_alloc : memref<!tpu.dma_semaphore, #tpu.memory_space<semaphore_mem>>
            %dma_start3A_276 = arith.constant 0 : i32
            %dma_start3A_277 = tpu.memref_slice %arg16[%dma_start3A_276] : memref<10240xf32, #tpu.memory_space<vmem_shared>> -> memref<10240xf32, #tpu.memory_space<vmem_shared>>
            tpu.enqueue_indirect_dma source(%arg13 : memref<16xf32, #tpu.memory_space<vmem>>) target(%dma_start3A_277 : memref<10240xf32, #tpu.memory_space<vmem_shared>>) offsets(%get3A_263 : vector<16xi32>) semaphore(%run_scoped3A : memref<!tpu.dma_semaphore, #tpu.memory_space<semaphore_mem>>) {add = true}
            %dma_wait3A = arith.constant 0 : i32
            %dma_wait3A_278 = tpu.memref_slice %arg16[%dma_wait3A] : memref<10240xf32, #tpu.memory_space<vmem_shared>> -> memref<10240xf32, #tpu.memory_space<vmem_shared>>
            tpu.wait_indirect_dma semaphore(%run_scoped3A : memref<!tpu.dma_semaphore, #tpu.memory_space<semaphore_mem>>) src(%arg13 : memref<16xf32, #tpu.memory_space<vmem>>) dst(%dma_wait3A_278 : memref<10240xf32, #tpu.memory_space<vmem_shared>>)
            tpu.yield
          }) : () -> ()
        } else {
        }
        %get3A_181 = arith.index_cast %scan3A_43 : i32 to index
        %get3A_182 = arith.constant 64 : index
        %get3A_183 = tpu.vector_load %arg10[%get3A_181, %get3A_182] {strides = array<i32>} : memref<80x128xi32, #tpu.memory_space<vmem>>, vector<16xi32>,
        %eq3A_184 = arith.constant 0 : i32
        %eq3A_185 = vector.broadcast %eq3A_184 : i32 to vector<16xi32>
        %eq3A_186 = arith.cmpi eq, %get3A_183, %eq3A_185 : vector<16xi32>
        %eq3A_187 = arith.constant 1 : i32
        %eq3A_188 = vector.broadcast %eq3A_187 : i32 to vector<16xi32>
        %eq3A_189 = arith.cmpi eq, %get3A_183, %eq3A_188 : vector<16xi32>
        %lt3A_190 = arith.constant 2 : i32
        %lt3A_191 = vector.broadcast %lt3A_190 : i32 to vector<16xi32>
        %lt3A_192 = arith.cmpi slt, %get3A_183, %lt3A_191 : vector<16xi32>
        %all_reduce_population_count3A_193 = tpu.all_reduce %lt3A_192 {dim = 0 : i64, kind = #tpu.reduction_kind<sum>} : vector<16xi1> -> vector<16xi32>
        %slice3A_194 = vector.extract_strided_slice %all_reduce_population_count3A_193 {offsets = [0], sizes = [1], strides = [1]} : vector<16xi32> to vector<1xi32>
        %squeeze3A_195 = vector.extract %slice3A_194[0] : i32 from vector<1xi32>
        %gt3A_196 = arith.constant 0 : i32
        %gt3A_197 = arith.cmpi sgt, %squeeze3A_195, %gt3A_196 : i32
        %convert_element_type3A_198 = arith.extui %gt3A_197 : i1 to i32
        %cond3A_199 = arith.constant 0 : i32
        %cond3A_200 = arith.cmpi ne, %convert_element_type3A_198, %cond3A_199 : i32
        scf.if %cond3A_200 {
          %get3A_261 = arith.index_cast %scan3A_43 : i32 to index
          %get3A_262 = arith.constant 64 : index
          %get3A_263 = tpu.vector_load %arg9[%get3A_261, %get3A_262] {strides = array<i32>} : memref<80x128xi32, #tpu.memory_space<vmem>>, vector<16xi32>,
          %jit3A = arith.constant 1.000000e+00 : f32
          %jit3A_264 = arith.constant 0.000000e+00 : f32
          %broadcast_in_dim3A_265 = vector.broadcast %jit3A : f32 to vector<16xf32>
          %broadcast_in_dim3A_266 = vector.broadcast %jit3A_264 : f32 to vector<16xf32>
          %select_n3A = arith.select %eq3A_186, %broadcast_in_dim3A_265, %broadcast_in_dim3A_266 : vector<16xi1>, vector<16xf32>
          %swap3A_267 = arith.constant 0 : index
          %swap3A_268 = tpu.vector_load %arg12[%swap3A_267] {strides = array<i32>} : memref<16xf32, #tpu.memory_space<vmem>>, vector<16xf32>,
          tpu.vector_store %arg12[%swap3A_267], %select_n3A {strides = array<i32>} : memref<16xf32, #tpu.memory_space<vmem>>, vector<16xf32>,
          %jit3A_269 = arith.constant 1.000000e+00 : f32
          %jit3A_270 = arith.constant 0.000000e+00 : f32
          %broadcast_in_dim3A_271 = vector.broadcast %jit3A_269 : f32 to vector<16xf32>
          %broadcast_in_dim3A_272 = vector.broadcast %jit3A_270 : f32 to vector<16xf32>
          %select_n3A_273 = arith.select %eq3A_189, %broadcast_in_dim3A_271, %broadcast_in_dim3A_272 : vector<16xi1>, vector<16xf32>
          %swap3A_274 = arith.constant 0 : index
          %swap3A_275 = tpu.vector_load %arg13[%swap3A_274] {strides = array<i32>} : memref<16xf32, #tpu.memory_space<vmem>>, vector<16xf32>,
          tpu.vector_store %arg13[%swap3A_274], %select_n3A_273 {strides = array<i32>} : memref<16xf32, #tpu.memory_space<vmem>>, vector<16xf32>,
          "tpu.region"() ({
            %run_scoped3A = tpu.sem_alloc : memref<!tpu.dma_semaphore, #tpu.memory_space<semaphore_mem>>
            %dma_start3A_276 = arith.constant 0 : i32
            %dma_start3A_277 = tpu.memref_slice %arg15[%dma_start3A_276] : memref<10240xf32, #tpu.memory_space<vmem_shared>> -> memref<10240xf32, #tpu.memory_space<vmem_shared>>
            tpu.enqueue_indirect_dma source(%arg12 : memref<16xf32, #tpu.memory_space<vmem>>) target(%dma_start3A_277 : memref<10240xf32, #tpu.memory_space<vmem_shared>>) offsets(%get3A_263 : vector<16xi32>) semaphore(%run_scoped3A : memref<!tpu.dma_semaphore, #tpu.memory_space<semaphore_mem>>) {add = true}
            %dma_wait3A = arith.constant 0 : i32
            %dma_wait3A_278 = tpu.memref_slice %arg15[%dma_wait3A] : memref<10240xf32, #tpu.memory_space<vmem_shared>> -> memref<10240xf32, #tpu.memory_space<vmem_shared>>
            tpu.wait_indirect_dma semaphore(%run_scoped3A : memref<!tpu.dma_semaphore, #tpu.memory_space<semaphore_mem>>) src(%arg12 : memref<16xf32, #tpu.memory_space<vmem>>) dst(%dma_wait3A_278 : memref<10240xf32, #tpu.memory_space<vmem_shared>>)
            tpu.yield
          }) : () -> ()
          "tpu.region"() ({
            %run_scoped3A = tpu.sem_alloc : memref<!tpu.dma_semaphore, #tpu.memory_space<semaphore_mem>>
            %dma_start3A_276 = arith.constant 0 : i32
            %dma_start3A_277 = tpu.memref_slice %arg16[%dma_start3A_276] : memref<10240xf32, #tpu.memory_space<vmem_shared>> -> memref<10240xf32, #tpu.memory_space<vmem_shared>>
            tpu.enqueue_indirect_dma source(%arg13 : memref<16xf32, #tpu.memory_space<vmem>>) target(%dma_start3A_277 : memref<10240xf32, #tpu.memory_space<vmem_shared>>) offsets(%get3A_263 : vector<16xi32>) semaphore(%run_scoped3A : memref<!tpu.dma_semaphore, #tpu.memory_space<semaphore_mem>>) {add = true}
            %dma_wait3A = arith.constant 0 : i32
            %dma_wait3A_278 = tpu.memref_slice %arg16[%dma_wait3A] : memref<10240xf32, #tpu.memory_space<vmem_shared>> -> memref<10240xf32, #tpu.memory_space<vmem_shared>>
            tpu.wait_indirect_dma semaphore(%run_scoped3A : memref<!tpu.dma_semaphore, #tpu.memory_space<semaphore_mem>>) src(%arg13 : memref<16xf32, #tpu.memory_space<vmem>>) dst(%dma_wait3A_278 : memref<10240xf32, #tpu.memory_space<vmem_shared>>)
            tpu.yield
          }) : () -> ()
        } else {
        }
        %get3A_201 = arith.index_cast %scan3A_43 : i32 to index
        %get3A_202 = arith.constant 80 : index
        %get3A_203 = tpu.vector_load %arg10[%get3A_201, %get3A_202] {strides = array<i32>} : memref<80x128xi32, #tpu.memory_space<vmem>>, vector<16xi32>,
        %eq3A_204 = arith.constant 0 : i32
        %eq3A_205 = vector.broadcast %eq3A_204 : i32 to vector<16xi32>
        %eq3A_206 = arith.cmpi eq, %get3A_203, %eq3A_205 : vector<16xi32>
        %eq3A_207 = arith.constant 1 : i32
        %eq3A_208 = vector.broadcast %eq3A_207 : i32 to vector<16xi32>
        %eq3A_209 = arith.cmpi eq, %get3A_203, %eq3A_208 : vector<16xi32>
        %lt3A_210 = arith.constant 2 : i32
        %lt3A_211 = vector.broadcast %lt3A_210 : i32 to vector<16xi32>
        %lt3A_212 = arith.cmpi slt, %get3A_203, %lt3A_211 : vector<16xi32>
        %all_reduce_population_count3A_213 = tpu.all_reduce %lt3A_212 {dim = 0 : i64, kind = #tpu.reduction_kind<sum>} : vector<16xi1> -> vector<16xi32>
        %slice3A_214 = vector.extract_strided_slice %all_reduce_population_count3A_213 {offsets = [0], sizes = [1], strides = [1]} : vector<16xi32> to vector<1xi32>
        %squeeze3A_215 = vector.extract %slice3A_214[0] : i32 from vector<1xi32>
        %gt3A_216 = arith.constant 0 : i32
        %gt3A_217 = arith.cmpi sgt, %squeeze3A_215, %gt3A_216 : i32
        %convert_element_type3A_218 = arith.extui %gt3A_217 : i1 to i32
        %cond3A_219 = arith.constant 0 : i32
        %cond3A_220 = arith.cmpi ne, %convert_element_type3A_218, %cond3A_219 : i32
        scf.if %cond3A_220 {
          %get3A_261 = arith.index_cast %scan3A_43 : i32 to index
          %get3A_262 = arith.constant 80 : index
          %get3A_263 = tpu.vector_load %arg9[%get3A_261, %get3A_262] {strides = array<i32>} : memref<80x128xi32, #tpu.memory_space<vmem>>, vector<16xi32>,
          %jit3A = arith.constant 1.000000e+00 : f32
          %jit3A_264 = arith.constant 0.000000e+00 : f32
          %broadcast_in_dim3A_265 = vector.broadcast %jit3A : f32 to vector<16xf32>
          %broadcast_in_dim3A_266 = vector.broadcast %jit3A_264 : f32 to vector<16xf32>
          %select_n3A = arith.select %eq3A_206, %broadcast_in_dim3A_265, %broadcast_in_dim3A_266 : vector<16xi1>, vector<16xf32>
          %swap3A_267 = arith.constant 0 : index
          %swap3A_268 = tpu.vector_load %arg12[%swap3A_267] {strides = array<i32>} : memref<16xf32, #tpu.memory_space<vmem>>, vector<16xf32>,
          tpu.vector_store %arg12[%swap3A_267], %select_n3A {strides = array<i32>} : memref<16xf32, #tpu.memory_space<vmem>>, vector<16xf32>,
          %jit3A_269 = arith.constant 1.000000e+00 : f32
          %jit3A_270 = arith.constant 0.000000e+00 : f32
          %broadcast_in_dim3A_271 = vector.broadcast %jit3A_269 : f32 to vector<16xf32>
          %broadcast_in_dim3A_272 = vector.broadcast %jit3A_270 : f32 to vector<16xf32>
          %select_n3A_273 = arith.select %eq3A_209, %broadcast_in_dim3A_271, %broadcast_in_dim3A_272 : vector<16xi1>, vector<16xf32>
          %swap3A_274 = arith.constant 0 : index
          %swap3A_275 = tpu.vector_load %arg13[%swap3A_274] {strides = array<i32>} : memref<16xf32, #tpu.memory_space<vmem>>, vector<16xf32>,
          tpu.vector_store %arg13[%swap3A_274], %select_n3A_273 {strides = array<i32>} : memref<16xf32, #tpu.memory_space<vmem>>, vector<16xf32>,
          "tpu.region"() ({
            %run_scoped3A = tpu.sem_alloc : memref<!tpu.dma_semaphore, #tpu.memory_space<semaphore_mem>>
            %dma_start3A_276 = arith.constant 0 : i32
            %dma_start3A_277 = tpu.memref_slice %arg15[%dma_start3A_276] : memref<10240xf32, #tpu.memory_space<vmem_shared>> -> memref<10240xf32, #tpu.memory_space<vmem_shared>>
            tpu.enqueue_indirect_dma source(%arg12 : memref<16xf32, #tpu.memory_space<vmem>>) target(%dma_start3A_277 : memref<10240xf32, #tpu.memory_space<vmem_shared>>) offsets(%get3A_263 : vector<16xi32>) semaphore(%run_scoped3A : memref<!tpu.dma_semaphore, #tpu.memory_space<semaphore_mem>>) {add = true}
            %dma_wait3A = arith.constant 0 : i32
            %dma_wait3A_278 = tpu.memref_slice %arg15[%dma_wait3A] : memref<10240xf32, #tpu.memory_space<vmem_shared>> -> memref<10240xf32, #tpu.memory_space<vmem_shared>>
            tpu.wait_indirect_dma semaphore(%run_scoped3A : memref<!tpu.dma_semaphore, #tpu.memory_space<semaphore_mem>>) src(%arg12 : memref<16xf32, #tpu.memory_space<vmem>>) dst(%dma_wait3A_278 : memref<10240xf32, #tpu.memory_space<vmem_shared>>)
            tpu.yield
          }) : () -> ()
          "tpu.region"() ({
            %run_scoped3A = tpu.sem_alloc : memref<!tpu.dma_semaphore, #tpu.memory_space<semaphore_mem>>
            %dma_start3A_276 = arith.constant 0 : i32
            %dma_start3A_277 = tpu.memref_slice %arg16[%dma_start3A_276] : memref<10240xf32, #tpu.memory_space<vmem_shared>> -> memref<10240xf32, #tpu.memory_space<vmem_shared>>
            tpu.enqueue_indirect_dma source(%arg13 : memref<16xf32, #tpu.memory_space<vmem>>) target(%dma_start3A_277 : memref<10240xf32, #tpu.memory_space<vmem_shared>>) offsets(%get3A_263 : vector<16xi32>) semaphore(%run_scoped3A : memref<!tpu.dma_semaphore, #tpu.memory_space<semaphore_mem>>) {add = true}
            %dma_wait3A = arith.constant 0 : i32
            %dma_wait3A_278 = tpu.memref_slice %arg16[%dma_wait3A] : memref<10240xf32, #tpu.memory_space<vmem_shared>> -> memref<10240xf32, #tpu.memory_space<vmem_shared>>
            tpu.wait_indirect_dma semaphore(%run_scoped3A : memref<!tpu.dma_semaphore, #tpu.memory_space<semaphore_mem>>) src(%arg13 : memref<16xf32, #tpu.memory_space<vmem>>) dst(%dma_wait3A_278 : memref<10240xf32, #tpu.memory_space<vmem_shared>>)
            tpu.yield
          }) : () -> ()
        } else {
        }
        %get3A_221 = arith.index_cast %scan3A_43 : i32 to index
        %get3A_222 = arith.constant 96 : index
        %get3A_223 = tpu.vector_load %arg10[%get3A_221, %get3A_222] {strides = array<i32>} : memref<80x128xi32, #tpu.memory_space<vmem>>, vector<16xi32>,
        %eq3A_224 = arith.constant 0 : i32
        %eq3A_225 = vector.broadcast %eq3A_224 : i32 to vector<16xi32>
        %eq3A_226 = arith.cmpi eq, %get3A_223, %eq3A_225 : vector<16xi32>
        %eq3A_227 = arith.constant 1 : i32
        %eq3A_228 = vector.broadcast %eq3A_227 : i32 to vector<16xi32>
        %eq3A_229 = arith.cmpi eq, %get3A_223, %eq3A_228 : vector<16xi32>
        %lt3A_230 = arith.constant 2 : i32
        %lt3A_231 = vector.broadcast %lt3A_230 : i32 to vector<16xi32>
        %lt3A_232 = arith.cmpi slt, %get3A_223, %lt3A_231 : vector<16xi32>
        %all_reduce_population_count3A_233 = tpu.all_reduce %lt3A_232 {dim = 0 : i64, kind = #tpu.reduction_kind<sum>} : vector<16xi1> -> vector<16xi32>
        %slice3A_234 = vector.extract_strided_slice %all_reduce_population_count3A_233 {offsets = [0], sizes = [1], strides = [1]} : vector<16xi32> to vector<1xi32>
        %squeeze3A_235 = vector.extract %slice3A_234[0] : i32 from vector<1xi32>
        %gt3A_236 = arith.constant 0 : i32
        %gt3A_237 = arith.cmpi sgt, %squeeze3A_235, %gt3A_236 : i32
        %convert_element_type3A_238 = arith.extui %gt3A_237 : i1 to i32
        %cond3A_239 = arith.constant 0 : i32
        %cond3A_240 = arith.cmpi ne, %convert_element_type3A_238, %cond3A_239 : i32
        scf.if %cond3A_240 {
          %get3A_261 = arith.index_cast %scan3A_43 : i32 to index
          %get3A_262 = arith.constant 96 : index
          %get3A_263 = tpu.vector_load %arg9[%get3A_261, %get3A_262] {strides = array<i32>} : memref<80x128xi32, #tpu.memory_space<vmem>>, vector<16xi32>,
          %jit3A = arith.constant 1.000000e+00 : f32
          %jit3A_264 = arith.constant 0.000000e+00 : f32
          %broadcast_in_dim3A_265 = vector.broadcast %jit3A : f32 to vector<16xf32>
          %broadcast_in_dim3A_266 = vector.broadcast %jit3A_264 : f32 to vector<16xf32>
          %select_n3A = arith.select %eq3A_226, %broadcast_in_dim3A_265, %broadcast_in_dim3A_266 : vector<16xi1>, vector<16xf32>
          %swap3A_267 = arith.constant 0 : index
          %swap3A_268 = tpu.vector_load %arg12[%swap3A_267] {strides = array<i32>} : memref<16xf32, #tpu.memory_space<vmem>>, vector<16xf32>,
          tpu.vector_store %arg12[%swap3A_267], %select_n3A {strides = array<i32>} : memref<16xf32, #tpu.memory_space<vmem>>, vector<16xf32>,
          %jit3A_269 = arith.constant 1.000000e+00 : f32
          %jit3A_270 = arith.constant 0.000000e+00 : f32
          %broadcast_in_dim3A_271 = vector.broadcast %jit3A_269 : f32 to vector<16xf32>
          %broadcast_in_dim3A_272 = vector.broadcast %jit3A_270 : f32 to vector<16xf32>
          %select_n3A_273 = arith.select %eq3A_229, %broadcast_in_dim3A_271, %broadcast_in_dim3A_272 : vector<16xi1>, vector<16xf32>
          %swap3A_274 = arith.constant 0 : index
          %swap3A_275 = tpu.vector_load %arg13[%swap3A_274] {strides = array<i32>} : memref<16xf32, #tpu.memory_space<vmem>>, vector<16xf32>,
          tpu.vector_store %arg13[%swap3A_274], %select_n3A_273 {strides = array<i32>} : memref<16xf32, #tpu.memory_space<vmem>>, vector<16xf32>,
          "tpu.region"() ({
            %run_scoped3A = tpu.sem_alloc : memref<!tpu.dma_semaphore, #tpu.memory_space<semaphore_mem>>
            %dma_start3A_276 = arith.constant 0 : i32
            %dma_start3A_277 = tpu.memref_slice %arg15[%dma_start3A_276] : memref<10240xf32, #tpu.memory_space<vmem_shared>> -> memref<10240xf32, #tpu.memory_space<vmem_shared>>
            tpu.enqueue_indirect_dma source(%arg12 : memref<16xf32, #tpu.memory_space<vmem>>) target(%dma_start3A_277 : memref<10240xf32, #tpu.memory_space<vmem_shared>>) offsets(%get3A_263 : vector<16xi32>) semaphore(%run_scoped3A : memref<!tpu.dma_semaphore, #tpu.memory_space<semaphore_mem>>) {add = true}
            %dma_wait3A = arith.constant 0 : i32
            %dma_wait3A_278 = tpu.memref_slice %arg15[%dma_wait3A] : memref<10240xf32, #tpu.memory_space<vmem_shared>> -> memref<10240xf32, #tpu.memory_space<vmem_shared>>
            tpu.wait_indirect_dma semaphore(%run_scoped3A : memref<!tpu.dma_semaphore, #tpu.memory_space<semaphore_mem>>) src(%arg12 : memref<16xf32, #tpu.memory_space<vmem>>) dst(%dma_wait3A_278 : memref<10240xf32, #tpu.memory_space<vmem_shared>>)
            tpu.yield
          }) : () -> ()
          "tpu.region"() ({
            %run_scoped3A = tpu.sem_alloc : memref<!tpu.dma_semaphore, #tpu.memory_space<semaphore_mem>>
            %dma_start3A_276 = arith.constant 0 : i32
            %dma_start3A_277 = tpu.memref_slice %arg16[%dma_start3A_276] : memref<10240xf32, #tpu.memory_space<vmem_shared>> -> memref<10240xf32, #tpu.memory_space<vmem_shared>>
            tpu.enqueue_indirect_dma source(%arg13 : memref<16xf32, #tpu.memory_space<vmem>>) target(%dma_start3A_277 : memref<10240xf32, #tpu.memory_space<vmem_shared>>) offsets(%get3A_263 : vector<16xi32>) semaphore(%run_scoped3A : memref<!tpu.dma_semaphore, #tpu.memory_space<semaphore_mem>>) {add = true}
            %dma_wait3A = arith.constant 0 : i32
            %dma_wait3A_278 = tpu.memref_slice %arg16[%dma_wait3A] : memref<10240xf32, #tpu.memory_space<vmem_shared>> -> memref<10240xf32, #tpu.memory_space<vmem_shared>>
            tpu.wait_indirect_dma semaphore(%run_scoped3A : memref<!tpu.dma_semaphore, #tpu.memory_space<semaphore_mem>>) src(%arg13 : memref<16xf32, #tpu.memory_space<vmem>>) dst(%dma_wait3A_278 : memref<10240xf32, #tpu.memory_space<vmem_shared>>)
            tpu.yield
          }) : () -> ()
        } else {
        }
        %get3A_241 = arith.index_cast %scan3A_43 : i32 to index
        %get3A_242 = arith.constant 112 : index
        %get3A_243 = tpu.vector_load %arg10[%get3A_241, %get3A_242] {strides = array<i32>} : memref<80x128xi32, #tpu.memory_space<vmem>>, vector<16xi32>,
        %eq3A_244 = arith.constant 0 : i32
        %eq3A_245 = vector.broadcast %eq3A_244 : i32 to vector<16xi32>
        %eq3A_246 = arith.cmpi eq, %get3A_243, %eq3A_245 : vector<16xi32>
        %eq3A_247 = arith.constant 1 : i32
        %eq3A_248 = vector.broadcast %eq3A_247 : i32 to vector<16xi32>
        %eq3A_249 = arith.cmpi eq, %get3A_243, %eq3A_248 : vector<16xi32>
        %lt3A_250 = arith.constant 2 : i32
        %lt3A_251 = vector.broadcast %lt3A_250 : i32 to vector<16xi32>
        %lt3A_252 = arith.cmpi slt, %get3A_243, %lt3A_251 : vector<16xi32>
        %all_reduce_population_count3A_253 = tpu.all_reduce %lt3A_252 {dim = 0 : i64, kind = #tpu.reduction_kind<sum>} : vector<16xi1> -> vector<16xi32>
        %slice3A_254 = vector.extract_strided_slice %all_reduce_population_count3A_253 {offsets = [0], sizes = [1], strides = [1]} : vector<16xi32> to vector<1xi32>
        %squeeze3A_255 = vector.extract %slice3A_254[0] : i32 from vector<1xi32>
        %gt3A_256 = arith.constant 0 : i32
        %gt3A_257 = arith.cmpi sgt, %squeeze3A_255, %gt3A_256 : i32
        %convert_element_type3A_258 = arith.extui %gt3A_257 : i1 to i32
        %cond3A_259 = arith.constant 0 : i32
        %cond3A_260 = arith.cmpi ne, %convert_element_type3A_258, %cond3A_259 : i32
        scf.if %cond3A_260 {
          %get3A_261 = arith.index_cast %scan3A_43 : i32 to index
          %get3A_262 = arith.constant 112 : index
          %get3A_263 = tpu.vector_load %arg9[%get3A_261, %get3A_262] {strides = array<i32>} : memref<80x128xi32, #tpu.memory_space<vmem>>, vector<16xi32>,
          %jit3A = arith.constant 1.000000e+00 : f32
          %jit3A_264 = arith.constant 0.000000e+00 : f32
          %broadcast_in_dim3A_265 = vector.broadcast %jit3A : f32 to vector<16xf32>
          %broadcast_in_dim3A_266 = vector.broadcast %jit3A_264 : f32 to vector<16xf32>
          %select_n3A = arith.select %eq3A_246, %broadcast_in_dim3A_265, %broadcast_in_dim3A_266 : vector<16xi1>, vector<16xf32>
          %swap3A_267 = arith.constant 0 : index
          %swap3A_268 = tpu.vector_load %arg12[%swap3A_267] {strides = array<i32>} : memref<16xf32, #tpu.memory_space<vmem>>, vector<16xf32>,
          tpu.vector_store %arg12[%swap3A_267], %select_n3A {strides = array<i32>} : memref<16xf32, #tpu.memory_space<vmem>>, vector<16xf32>,
          %jit3A_269 = arith.constant 1.000000e+00 : f32
          %jit3A_270 = arith.constant 0.000000e+00 : f32
          %broadcast_in_dim3A_271 = vector.broadcast %jit3A_269 : f32 to vector<16xf32>
          %broadcast_in_dim3A_272 = vector.broadcast %jit3A_270 : f32 to vector<16xf32>
          %select_n3A_273 = arith.select %eq3A_249, %broadcast_in_dim3A_271, %broadcast_in_dim3A_272 : vector<16xi1>, vector<16xf32>
          %swap3A_274 = arith.constant 0 : index
          %swap3A_275 = tpu.vector_load %arg13[%swap3A_274] {strides = array<i32>} : memref<16xf32, #tpu.memory_space<vmem>>, vector<16xf32>,
          tpu.vector_store %arg13[%swap3A_274], %select_n3A_273 {strides = array<i32>} : memref<16xf32, #tpu.memory_space<vmem>>, vector<16xf32>,
          "tpu.region"() ({
            %run_scoped3A = tpu.sem_alloc : memref<!tpu.dma_semaphore, #tpu.memory_space<semaphore_mem>>
            %dma_start3A_276 = arith.constant 0 : i32
            %dma_start3A_277 = tpu.memref_slice %arg15[%dma_start3A_276] : memref<10240xf32, #tpu.memory_space<vmem_shared>> -> memref<10240xf32, #tpu.memory_space<vmem_shared>>
            tpu.enqueue_indirect_dma source(%arg12 : memref<16xf32, #tpu.memory_space<vmem>>) target(%dma_start3A_277 : memref<10240xf32, #tpu.memory_space<vmem_shared>>) offsets(%get3A_263 : vector<16xi32>) semaphore(%run_scoped3A : memref<!tpu.dma_semaphore, #tpu.memory_space<semaphore_mem>>) {add = true}
            %dma_wait3A = arith.constant 0 : i32
            %dma_wait3A_278 = tpu.memref_slice %arg15[%dma_wait3A] : memref<10240xf32, #tpu.memory_space<vmem_shared>> -> memref<10240xf32, #tpu.memory_space<vmem_shared>>
            tpu.wait_indirect_dma semaphore(%run_scoped3A : memref<!tpu.dma_semaphore, #tpu.memory_space<semaphore_mem>>) src(%arg12 : memref<16xf32, #tpu.memory_space<vmem>>) dst(%dma_wait3A_278 : memref<10240xf32, #tpu.memory_space<vmem_shared>>)
            tpu.yield
          }) : () -> ()
          "tpu.region"() ({
            %run_scoped3A = tpu.sem_alloc : memref<!tpu.dma_semaphore, #tpu.memory_space<semaphore_mem>>
            %dma_start3A_276 = arith.constant 0 : i32
            %dma_start3A_277 = tpu.memref_slice %arg16[%dma_start3A_276] : memref<10240xf32, #tpu.memory_space<vmem_shared>> -> memref<10240xf32, #tpu.memory_space<vmem_shared>>
            tpu.enqueue_indirect_dma source(%arg13 : memref<16xf32, #tpu.memory_space<vmem>>) target(%dma_start3A_277 : memref<10240xf32, #tpu.memory_space<vmem_shared>>) offsets(%get3A_263 : vector<16xi32>) semaphore(%run_scoped3A : memref<!tpu.dma_semaphore, #tpu.memory_space<semaphore_mem>>) {add = true}
            %dma_wait3A = arith.constant 0 : i32
            %dma_wait3A_278 = tpu.memref_slice %arg16[%dma_wait3A] : memref<10240xf32, #tpu.memory_space<vmem_shared>> -> memref<10240xf32, #tpu.memory_space<vmem_shared>>
            tpu.wait_indirect_dma semaphore(%run_scoped3A : memref<!tpu.dma_semaphore, #tpu.memory_space<semaphore_mem>>) src(%arg13 : memref<16xf32, #tpu.memory_space<vmem>>) dst(%dma_wait3A_278 : memref<10240xf32, #tpu.memory_space<vmem_shared>>)
            tpu.yield
          }) : () -> ()
        } else {
        }
      } else {
      }
    }
    %scan3A_35 = arith.constant 80 : i32
    %scan3A_36 = arith.constant 0 : i32
    %scan3A_37 = arith.constant 0 : i32
    %scan3A_38 = arith.constant 80 : i32
    %scan3A_39 = arith.addi %scan3A_37, %scan3A_38 : i32
    %scan3A_40 = arith.constant 1 : i32
    scf.for %scan3A_43 = %scan3A_37 to %scan3A_39 step %scan3A_40  : i32 {
      %dma_wait3A = arith.constant 0 : i32
      %dma_wait3A_44 = arith.constant 0 : i32
      %dma_wait3A_45 = tpu.memref_slice %arg10[%dma_wait3A, %dma_wait3A_44] : memref<80x128xi32, #tpu.memory_space<vmem>> -> memref<1x128xi32, #tpu.memory_space<vmem>>
      %dma_wait3A_46 = tpu.memref_squeeze %dma_wait3A_45 : memref<1x128xi32, #tpu.memory_space<vmem>> -> memref<128xi32, #tpu.memory_space<vmem>>
      %dma_wait3A_47 = arith.constant 0 : i32
      %dma_wait3A_48 = tpu.memref_slice %arg14[%dma_wait3A_47] : memref<10240xf32, #tpu.memory_space<vmem_shared>> -> memref<10240xf32, #tpu.memory_space<vmem_shared>>
      tpu.wait_indirect_dma semaphore(%arg17 : memref<!tpu.dma_semaphore, #tpu.memory_space<semaphore_mem>>) src(%arg11 : memref<128xf32, #tpu.memory_space<vmem>>) dst(%dma_wait3A_48 : memref<10240xf32, #tpu.memory_space<vmem_shared>>)
    }
    %scan3A_41 = arith.constant 80 : i32
    %barrier3A_42 = arith.constant 0 : index
    tpu.barrier barrier_id(%barrier3A_42)
    "tpu.region"() ({
      %run_scoped3A = tpu.sem_alloc : memref<!tpu.dma_semaphore, #tpu.memory_space<semaphore_mem>>
      %dma_start3A = tpu.memref_slice %arg6[%arg0, %mul3A_0] : memref<2x10240xf32, #tpu.memory_space<hbm>> -> memref<1x640xf32, #tpu.memory_space<hbm>>
      %dma_start3A_43 = tpu.memref_squeeze %dma_start3A : memref<1x640xf32, #tpu.memory_space<hbm>> -> memref<640xf32, #tpu.memory_space<hbm>>
      %dma_start3A_44 = tpu.memref_slice %arg14[%mul3A_0] : memref<10240xf32, #tpu.memory_space<vmem_shared>> -> memref<640xf32, #tpu.memory_space<vmem_shared>>
      tpu.enqueue_dma source(%dma_start3A_44 : memref<640xf32, #tpu.memory_space<vmem_shared>>) target(%dma_start3A_43 : memref<640xf32, #tpu.memory_space<hbm>>) target_semaphore(%run_scoped3A : memref<!tpu.dma_semaphore, #tpu.memory_space<semaphore_mem>>)
      %dma_wait3A = tpu.memref_slice %arg6[%arg0, %mul3A_0] : memref<2x10240xf32, #tpu.memory_space<hbm>> -> memref<1x640xf32, #tpu.memory_space<hbm>>
      %dma_wait3A_45 = tpu.memref_squeeze %dma_wait3A : memref<1x640xf32, #tpu.memory_space<hbm>> -> memref<640xf32, #tpu.memory_space<hbm>>
      %dma_wait3A_46 = tpu.memref_slice %arg14[%mul3A_0] : memref<10240xf32, #tpu.memory_space<vmem_shared>> -> memref<640xf32, #tpu.memory_space<vmem_shared>>
      tpu.wait_dma2 semaphore(%run_scoped3A : memref<!tpu.dma_semaphore, #tpu.memory_space<semaphore_mem>>) src(%dma_wait3A_46 : memref<640xf32, #tpu.memory_space<vmem_shared>>) dst(%dma_wait3A_45 : memref<640xf32, #tpu.memory_space<hbm>>)
      tpu.yield
    }) : () -> ()
    "tpu.region"() ({
      %run_scoped3A = tpu.sem_alloc : memref<!tpu.dma_semaphore, #tpu.memory_space<semaphore_mem>>
      %dma_start3A = tpu.memref_slice %arg7[%arg0, %mul3A_0] : memref<2x10240xf32, #tpu.memory_space<hbm>> -> memref<1x640xf32, #tpu.memory_space<hbm>>
      %dma_start3A_43 = tpu.memref_squeeze %dma_start3A : memref<1x640xf32, #tpu.memory_space<hbm>> -> memref<640xf32, #tpu.memory_space<hbm>>
      %dma_start3A_44 = tpu.memref_slice %arg15[%mul3A_0] : memref<10240xf32, #tpu.memory_space<vmem_shared>> -> memref<640xf32, #tpu.memory_space<vmem_shared>>
      tpu.enqueue_dma source(%dma_start3A_44 : memref<640xf32, #tpu.memory_space<vmem_shared>>) target(%dma_start3A_43 : memref<640xf32, #tpu.memory_space<hbm>>) target_semaphore(%run_scoped3A : memref<!tpu.dma_semaphore, #tpu.memory_space<semaphore_mem>>)
      %dma_wait3A = tpu.memref_slice %arg7[%arg0, %mul3A_0] : memref<2x10240xf32, #tpu.memory_space<hbm>> -> memref<1x640xf32, #tpu.memory_space<hbm>>
      %dma_wait3A_45 = tpu.memref_squeeze %dma_wait3A : memref<1x640xf32, #tpu.memory_space<hbm>> -> memref<640xf32, #tpu.memory_space<hbm>>
      %dma_wait3A_46 = tpu.memref_slice %arg15[%mul3A_0] : memref<10240xf32, #tpu.memory_space<vmem_shared>> -> memref<640xf32, #tpu.memory_space<vmem_shared>>
      tpu.wait_dma2 semaphore(%run_scoped3A : memref<!tpu.dma_semaphore, #tpu.memory_space<semaphore_mem>>) src(%dma_wait3A_46 : memref<640xf32, #tpu.memory_space<vmem_shared>>) dst(%dma_wait3A_45 : memref<640xf32, #tpu.memory_space<hbm>>)
      tpu.yield
    }) : () -> ()
    "tpu.region"() ({
      %run_scoped3A = tpu.sem_alloc : memref<!tpu.dma_semaphore, #tpu.memory_space<semaphore_mem>>
      %dma_start3A = tpu.memref_slice %arg8[%arg0, %mul3A_0] : memref<2x10240xf32, #tpu.memory_space<hbm>> -> memref<1x640xf32, #tpu.memory_space<hbm>>
      %dma_start3A_43 = tpu.memref_squeeze %dma_start3A : memref<1x640xf32, #tpu.memory_space<hbm>> -> memref<640xf32, #tpu.memory_space<hbm>>
      %dma_start3A_44 = tpu.memref_slice %arg16[%mul3A_0] : memref<10240xf32, #tpu.memory_space<vmem_shared>> -> memref<640xf32, #tpu.memory_space<vmem_shared>>
      tpu.enqueue_dma source(%dma_start3A_44 : memref<640xf32, #tpu.memory_space<vmem_shared>>) target(%dma_start3A_43 : memref<640xf32, #tpu.memory_space<hbm>>) target_semaphore(%run_scoped3A : memref<!tpu.dma_semaphore, #tpu.memory_space<semaphore_mem>>)
      %dma_wait3A = tpu.memref_slice %arg8[%arg0, %mul3A_0] : memref<2x10240xf32, #tpu.memory_space<hbm>> -> memref<1x640xf32, #tpu.memory_space<hbm>>
      %dma_wait3A_45 = tpu.memref_squeeze %dma_wait3A : memref<1x640xf32, #tpu.memory_space<hbm>> -> memref<640xf32, #tpu.memory_space<hbm>>
      %dma_wait3A_46 = tpu.memref_slice %arg16[%mul3A_0] : memref<10240xf32, #tpu.memory_space<vmem_shared>> -> memref<640xf32, #tpu.memory_space<vmem_shared>>
      tpu.wait_dma2 semaphore(%run_scoped3A : memref<!tpu.dma_semaphore, #tpu.memory_space<semaphore_mem>>) src(%dma_wait3A_46 : memref<640xf32, #tpu.memory_space<vmem_shared>>) dst(%dma_wait3A_45 : memref<640xf32, #tpu.memory_space<hbm>>)
      tpu.yield
    }) : () -> ()
    return
  }
}

#map = affine_map<(d0, d1) -> (0, 0, 0, 0)>
#map1 = affine_map<(d0, d1) -> (0, 0)>
#map2 = affine_map<(d0, d1) -> (0, 0, 0)>
module attributes {stable_mosaic.version = 14 : i64} {
  func.func @_sc_aggregate(%arg0: i32, %arg1: i32, %arg2: memref<2x16x80x128xi32, #tpu.memory_space<hbm>>, %arg3: memref<2x16x80x128xi32, #tpu.memory_space<hbm>>, %arg4: memref<20480x128xf32, #tpu.memory_space<hbm>>, %arg5: memref<2x10240xf32, #tpu.memory_space<hbm>>, %arg6: memref<2x10240x128xf32, #tpu.memory_space<hbm>>, %arg7: memref<80x128xi32, #tpu.memory_space<vmem>>, %arg8: memref<80x128xi32, #tpu.memory_space<vmem>>, %arg9: memref<10240xf32, #tpu.memory_space<vmem>>, %arg10: memref<8x16x128xf32, #tpu.memory_space<vmem>>, %arg11: memref<10240x128xf32, #tpu.memory_space<vmem_shared>>, %arg12: memref<!tpu.dma_semaphore, #tpu.memory_space<semaphore_mem>>) attributes {dimension_semantics = [#tpu.dimension_semantics<core_parallel>, #tpu.dimension_semantics<subcore_parallel>], iteration_bounds = array<i64: 2, 16>, scalar_prefetch = 0 : i64, scratch_operands = 6 : i64, tpu.core_type = #tpu.core_type<sc_vector_subcore>, window_params = [{transform_indices = #map}, {transform_indices = #map}, {transform_indices = #map1}, {transform_indices = #map1}, {transform_indices = #map2}]} {
    %mul3A = arith.constant 640 : i32
    %mul3A_0 = arith.muli %arg1, %mul3A : i32
    "tpu.region"() ({
      %run_scoped3A = tpu.sem_alloc : memref<!tpu.dma_semaphore, #tpu.memory_space<semaphore_mem>>
      %dma_start3A = arith.constant 0 : i32
      %dma_start3A_19 = tpu.memref_slice %arg5[%arg0, %dma_start3A] : memref<2x10240xf32, #tpu.memory_space<hbm>> -> memref<1x10240xf32, #tpu.memory_space<hbm>>
      %dma_start3A_20 = tpu.memref_squeeze %dma_start3A_19 : memref<1x10240xf32, #tpu.memory_space<hbm>> -> memref<10240xf32, #tpu.memory_space<hbm>>
      %dma_start3A_21 = arith.constant 0 : i32
      %dma_start3A_22 = tpu.memref_slice %arg5[%arg0, %dma_start3A_21] : memref<2x10240xf32, #tpu.memory_space<hbm>> -> memref<1x10240xf32, #tpu.memory_space<hbm>>
      %dma_start3A_23 = tpu.memref_squeeze %dma_start3A_22 : memref<1x10240xf32, #tpu.memory_space<hbm>> -> memref<10240xf32, #tpu.memory_space<hbm>>
      tpu.enqueue_dma source(%dma_start3A_23 : memref<10240xf32, #tpu.memory_space<hbm>>) target(%arg9 : memref<10240xf32, #tpu.memory_space<vmem>>) target_semaphore(%run_scoped3A : memref<!tpu.dma_semaphore, #tpu.memory_space<semaphore_mem>>)
      %dma_wait3A = arith.constant 0 : i32
      %dma_wait3A_24 = tpu.memref_slice %arg5[%arg0, %dma_wait3A] : memref<2x10240xf32, #tpu.memory_space<hbm>> -> memref<1x10240xf32, #tpu.memory_space<hbm>>
      %dma_wait3A_25 = tpu.memref_squeeze %dma_wait3A_24 : memref<1x10240xf32, #tpu.memory_space<hbm>> -> memref<10240xf32, #tpu.memory_space<hbm>>
      %dma_wait3A_26 = arith.constant 0 : i32
      %dma_wait3A_27 = tpu.memref_slice %arg5[%arg0, %dma_wait3A_26] : memref<2x10240xf32, #tpu.memory_space<hbm>> -> memref<1x10240xf32, #tpu.memory_space<hbm>>
      %dma_wait3A_28 = tpu.memref_squeeze %dma_wait3A_27 : memref<1x10240xf32, #tpu.memory_space<hbm>> -> memref<10240xf32, #tpu.memory_space<hbm>>
      tpu.wait_dma2 semaphore(%run_scoped3A : memref<!tpu.dma_semaphore, #tpu.memory_space<semaphore_mem>>) src(%dma_wait3A_28 : memref<10240xf32, #tpu.memory_space<hbm>>) dst(%arg9 : memref<10240xf32, #tpu.memory_space<vmem>>)
      tpu.yield
    }) : () -> ()
    "tpu.region"() ({
      %run_scoped3A = tpu.sem_alloc : memref<!tpu.dma_semaphore, #tpu.memory_space<semaphore_mem>>
      %dma_start3A = arith.constant 0 : i32
      %dma_start3A_19 = arith.constant 0 : i32
      %dma_start3A_20 = tpu.memref_slice %arg2[%arg0, %arg1, %dma_start3A, %dma_start3A_19] : memref<2x16x80x128xi32, #tpu.memory_space<hbm>> -> memref<1x1x80x128xi32, #tpu.memory_space<hbm>>
      %dma_start3A_21 = tpu.memref_squeeze %dma_start3A_20 : memref<1x1x80x128xi32, #tpu.memory_space<hbm>> -> memref<80x128xi32, #tpu.memory_space<hbm>>
      %dma_start3A_22 = arith.constant 0 : i32
      %dma_start3A_23 = arith.constant 0 : i32
      %dma_start3A_24 = tpu.memref_slice %arg2[%arg0, %arg1, %dma_start3A_22, %dma_start3A_23] : memref<2x16x80x128xi32, #tpu.memory_space<hbm>> -> memref<1x1x80x128xi32, #tpu.memory_space<hbm>>
      %dma_start3A_25 = tpu.memref_squeeze %dma_start3A_24 : memref<1x1x80x128xi32, #tpu.memory_space<hbm>> -> memref<80x128xi32, #tpu.memory_space<hbm>>
      tpu.enqueue_dma source(%dma_start3A_25 : memref<80x128xi32, #tpu.memory_space<hbm>>) target(%arg7 : memref<80x128xi32, #tpu.memory_space<vmem>>) target_semaphore(%run_scoped3A : memref<!tpu.dma_semaphore, #tpu.memory_space<semaphore_mem>>)
      %dma_wait3A = arith.constant 0 : i32
      %dma_wait3A_26 = arith.constant 0 : i32
      %dma_wait3A_27 = tpu.memref_slice %arg2[%arg0, %arg1, %dma_wait3A, %dma_wait3A_26] : memref<2x16x80x128xi32, #tpu.memory_space<hbm>> -> memref<1x1x80x128xi32, #tpu.memory_space<hbm>>
      %dma_wait3A_28 = tpu.memref_squeeze %dma_wait3A_27 : memref<1x1x80x128xi32, #tpu.memory_space<hbm>> -> memref<80x128xi32, #tpu.memory_space<hbm>>
      %dma_wait3A_29 = arith.constant 0 : i32
      %dma_wait3A_30 = arith.constant 0 : i32
      %dma_wait3A_31 = tpu.memref_slice %arg2[%arg0, %arg1, %dma_wait3A_29, %dma_wait3A_30] : memref<2x16x80x128xi32, #tpu.memory_space<hbm>> -> memref<1x1x80x128xi32, #tpu.memory_space<hbm>>
      %dma_wait3A_32 = tpu.memref_squeeze %dma_wait3A_31 : memref<1x1x80x128xi32, #tpu.memory_space<hbm>> -> memref<80x128xi32, #tpu.memory_space<hbm>>
      tpu.wait_dma2 semaphore(%run_scoped3A : memref<!tpu.dma_semaphore, #tpu.memory_space<semaphore_mem>>) src(%dma_wait3A_32 : memref<80x128xi32, #tpu.memory_space<hbm>>) dst(%arg7 : memref<80x128xi32, #tpu.memory_space<vmem>>)
      tpu.yield
    }) : () -> ()
    "tpu.region"() ({
      %run_scoped3A = tpu.sem_alloc : memref<!tpu.dma_semaphore, #tpu.memory_space<semaphore_mem>>
      %dma_start3A = arith.constant 0 : i32
      %dma_start3A_19 = arith.constant 0 : i32
      %dma_start3A_20 = tpu.memref_slice %arg3[%arg0, %arg1, %dma_start3A, %dma_start3A_19] : memref<2x16x80x128xi32, #tpu.memory_space<hbm>> -> memref<1x1x80x128xi32, #tpu.memory_space<hbm>>
      %dma_start3A_21 = tpu.memref_squeeze %dma_start3A_20 : memref<1x1x80x128xi32, #tpu.memory_space<hbm>> -> memref<80x128xi32, #tpu.memory_space<hbm>>
      %dma_start3A_22 = arith.constant 0 : i32
      %dma_start3A_23 = arith.constant 0 : i32
      %dma_start3A_24 = tpu.memref_slice %arg3[%arg0, %arg1, %dma_start3A_22, %dma_start3A_23] : memref<2x16x80x128xi32, #tpu.memory_space<hbm>> -> memref<1x1x80x128xi32, #tpu.memory_space<hbm>>
      %dma_start3A_25 = tpu.memref_squeeze %dma_start3A_24 : memref<1x1x80x128xi32, #tpu.memory_space<hbm>> -> memref<80x128xi32, #tpu.memory_space<hbm>>
      tpu.enqueue_dma source(%dma_start3A_25 : memref<80x128xi32, #tpu.memory_space<hbm>>) target(%arg8 : memref<80x128xi32, #tpu.memory_space<vmem>>) target_semaphore(%run_scoped3A : memref<!tpu.dma_semaphore, #tpu.memory_space<semaphore_mem>>)
      %dma_wait3A = arith.constant 0 : i32
      %dma_wait3A_26 = arith.constant 0 : i32
      %dma_wait3A_27 = tpu.memref_slice %arg3[%arg0, %arg1, %dma_wait3A, %dma_wait3A_26] : memref<2x16x80x128xi32, #tpu.memory_space<hbm>> -> memref<1x1x80x128xi32, #tpu.memory_space<hbm>>
      %dma_wait3A_28 = tpu.memref_squeeze %dma_wait3A_27 : memref<1x1x80x128xi32, #tpu.memory_space<hbm>> -> memref<80x128xi32, #tpu.memory_space<hbm>>
      %dma_wait3A_29 = arith.constant 0 : i32
      %dma_wait3A_30 = arith.constant 0 : i32
      %dma_wait3A_31 = tpu.memref_slice %arg3[%arg0, %arg1, %dma_wait3A_29, %dma_wait3A_30] : memref<2x16x80x128xi32, #tpu.memory_space<hbm>> -> memref<1x1x80x128xi32, #tpu.memory_space<hbm>>
      %dma_wait3A_32 = tpu.memref_squeeze %dma_wait3A_31 : memref<1x1x80x128xi32, #tpu.memory_space<hbm>> -> memref<80x128xi32, #tpu.memory_space<hbm>>
      tpu.wait_dma2 semaphore(%run_scoped3A : memref<!tpu.dma_semaphore, #tpu.memory_space<semaphore_mem>>) src(%dma_wait3A_32 : memref<80x128xi32, #tpu.memory_space<hbm>>) dst(%arg8 : memref<80x128xi32, #tpu.memory_space<vmem>>)
      tpu.yield
    }) : () -> ()
    %iota3A = tpu.iota {dimensions = array<i32: 0>} : vector<16xi32>
    %scan3A = arith.constant 0 : i32
    %scan3A_1 = arith.constant 0 : i32
    %scan3A_2 = arith.constant 40 : i32
    %scan3A_3 = arith.addi %scan3A_1, %scan3A_2 : i32
    %scan3A_4 = arith.constant 1 : i32
    scf.for %scan3A_19 = %scan3A_1 to %scan3A_3 step %scan3A_4  : i32 {
      %mul3A_20 = arith.constant 16 : i32
      %mul3A_21 = arith.muli %mul3A_20, %scan3A_19 : i32
      %add3A = arith.addi %mul3A_0, %mul3A_21 : i32
      %get3A = arith.index_cast %add3A : i32 to index
      %get3A_22 = tpu.vector_load %arg9[%get3A] {strides = array<i32>} : memref<10240xf32, #tpu.memory_space<vmem>>, vector<16xf32>,
      %gt3A = arith.constant 0.000000e+00 : f32
      %gt3A_23 = vector.broadcast %gt3A : f32 to vector<16xf32>
      %gt3A_24 = arith.cmpf ogt, %get3A_22, %gt3A_23 : vector<16xf32>
      %all_reduce_population_count3A = tpu.all_reduce %gt3A_24 {dim = 0 : i64, kind = #tpu.reduction_kind<sum>} : vector<16xi1> -> vector<16xi32>
      %slice3A = vector.extract_strided_slice %all_reduce_population_count3A {offsets = [0], sizes = [1], strides = [1]} : vector<16xi32> to vector<1xi32>
      %squeeze3A = vector.extract %slice3A[0] : i32 from vector<1xi32>
      %gt3A_25 = arith.constant 0 : i32
      %gt3A_26 = arith.cmpi sgt, %squeeze3A, %gt3A_25 : i32
      %convert_element_type3A = arith.extui %gt3A_26 : i1 to i32
      %cond3A = arith.constant 0 : i32
      %cond3A_27 = arith.cmpi ne, %convert_element_type3A, %cond3A : i32
      scf.if %cond3A_27 {
        %mul3A_28 = arith.constant 10240 : i32
        %mul3A_29 = arith.muli %arg0, %mul3A_28 : i32
        %add3A_30 = arith.addi %mul3A_29, %add3A : i32
        "tpu.region"() ({
          %run_scoped3A = tpu.sem_alloc : memref<!tpu.dma_semaphore, #tpu.memory_space<semaphore_mem>>
          %dma_start3A = arith.constant 0 : i32
          %dma_start3A_31 = tpu.memref_slice %arg11[%add3A, %dma_start3A] : memref<10240x128xf32, #tpu.memory_space<vmem_shared>> -> memref<16x128xf32, #tpu.memory_space<vmem_shared>>
          %dma_start3A_32 = arith.constant 0 : i32
          %dma_start3A_33 = tpu.memref_slice %arg4[%add3A_30, %dma_start3A_32] : memref<20480x128xf32, #tpu.memory_space<hbm>> -> memref<16x128xf32, #tpu.memory_space<hbm>>
          tpu.enqueue_dma source(%dma_start3A_33 : memref<16x128xf32, #tpu.memory_space<hbm>>) target(%dma_start3A_31 : memref<16x128xf32, #tpu.memory_space<vmem_shared>>) target_semaphore(%run_scoped3A : memref<!tpu.dma_semaphore, #tpu.memory_space<semaphore_mem>>)
          %dma_wait3A = arith.constant 0 : i32
          %dma_wait3A_34 = tpu.memref_slice %arg11[%add3A, %dma_wait3A] : memref<10240x128xf32, #tpu.memory_space<vmem_shared>> -> memref<16x128xf32, #tpu.memory_space<vmem_shared>>
          %dma_wait3A_35 = arith.constant 0 : i32
          %dma_wait3A_36 = tpu.memref_slice %arg4[%add3A_30, %dma_wait3A_35] : memref<20480x128xf32, #tpu.memory_space<hbm>> -> memref<16x128xf32, #tpu.memory_space<hbm>>
          tpu.wait_dma2 semaphore(%run_scoped3A : memref<!tpu.dma_semaphore, #tpu.memory_space<semaphore_mem>>) src(%dma_wait3A_36 : memref<16x128xf32, #tpu.memory_space<hbm>>) dst(%dma_wait3A_34 : memref<16x128xf32, #tpu.memory_space<vmem_shared>>)
          tpu.yield
        }) : () -> ()
      } else {
      }
    }
    %scan3A_5 = arith.constant 40 : i32
    %barrier3A = arith.constant 0 : index
    tpu.barrier barrier_id(%barrier3A)
    %scan3A_6 = arith.constant 0 : i32
    %scan3A_7 = arith.constant 0 : i32
    %scan3A_8 = arith.constant 80 : i32
    %scan3A_9 = arith.addi %scan3A_7, %scan3A_8 : i32
    %scan3A_10 = arith.constant 1 : i32
    scf.for %scan3A_19 = %scan3A_7 to %scan3A_9 step %scan3A_10  : i32 {
      %get3A = arith.index_cast %scan3A_19 : i32 to index
      %get3A_20 = arith.constant 0 : index
      %get3A_21 = tpu.vector_load %arg8[%get3A, %get3A_20] {strides = array<i32>} : memref<80x128xi32, #tpu.memory_space<vmem>>, vector<16xi32>,
      %gather3A = tpu.vector_load_idx %arg9[%get3A_21] : memref<10240xf32, #tpu.memory_space<vmem>>[vector<16xi32>], vector<16xf32>,
      %gt3A = arith.constant 0.000000e+00 : f32
      %gt3A_22 = vector.broadcast %gt3A : f32 to vector<16xf32>
      %gt3A_23 = arith.cmpf ogt, %gather3A, %gt3A_22 : vector<16xf32>
      %get3A_24 = arith.index_cast %scan3A_19 : i32 to index
      %get3A_25 = arith.constant 16 : index
      %get3A_26 = tpu.vector_load %arg8[%get3A_24, %get3A_25] {strides = array<i32>} : memref<80x128xi32, #tpu.memory_space<vmem>>, vector<16xi32>,
      %gather3A_27 = tpu.vector_load_idx %arg9[%get3A_26] : memref<10240xf32, #tpu.memory_space<vmem>>[vector<16xi32>], vector<16xf32>,
      %gt3A_28 = arith.constant 0.000000e+00 : f32
      %gt3A_29 = vector.broadcast %gt3A_28 : f32 to vector<16xf32>
      %gt3A_30 = arith.cmpf ogt, %gather3A_27, %gt3A_29 : vector<16xf32>
      %or3A = arith.ori %gt3A_23, %gt3A_30 : vector<16xi1>
      %get3A_31 = arith.index_cast %scan3A_19 : i32 to index
      %get3A_32 = arith.constant 32 : index
      %get3A_33 = tpu.vector_load %arg8[%get3A_31, %get3A_32] {strides = array<i32>} : memref<80x128xi32, #tpu.memory_space<vmem>>, vector<16xi32>,
      %gather3A_34 = tpu.vector_load_idx %arg9[%get3A_33] : memref<10240xf32, #tpu.memory_space<vmem>>[vector<16xi32>], vector<16xf32>,
      %gt3A_35 = arith.constant 0.000000e+00 : f32
      %gt3A_36 = vector.broadcast %gt3A_35 : f32 to vector<16xf32>
      %gt3A_37 = arith.cmpf ogt, %gather3A_34, %gt3A_36 : vector<16xf32>
      %or3A_38 = arith.ori %or3A, %gt3A_37 : vector<16xi1>
      %get3A_39 = arith.index_cast %scan3A_19 : i32 to index
      %get3A_40 = arith.constant 48 : index
      %get3A_41 = tpu.vector_load %arg8[%get3A_39, %get3A_40] {strides = array<i32>} : memref<80x128xi32, #tpu.memory_space<vmem>>, vector<16xi32>,
      %gather3A_42 = tpu.vector_load_idx %arg9[%get3A_41] : memref<10240xf32, #tpu.memory_space<vmem>>[vector<16xi32>], vector<16xf32>,
      %gt3A_43 = arith.constant 0.000000e+00 : f32
      %gt3A_44 = vector.broadcast %gt3A_43 : f32 to vector<16xf32>
      %gt3A_45 = arith.cmpf ogt, %gather3A_42, %gt3A_44 : vector<16xf32>
      %or3A_46 = arith.ori %or3A_38, %gt3A_45 : vector<16xi1>
      %get3A_47 = arith.index_cast %scan3A_19 : i32 to index
      %get3A_48 = arith.constant 64 : index
      %get3A_49 = tpu.vector_load %arg8[%get3A_47, %get3A_48] {strides = array<i32>} : memref<80x128xi32, #tpu.memory_space<vmem>>, vector<16xi32>,
      %gather3A_50 = tpu.vector_load_idx %arg9[%get3A_49] : memref<10240xf32, #tpu.memory_space<vmem>>[vector<16xi32>], vector<16xf32>,
      %gt3A_51 = arith.constant 0.000000e+00 : f32
      %gt3A_52 = vector.broadcast %gt3A_51 : f32 to vector<16xf32>
      %gt3A_53 = arith.cmpf ogt, %gather3A_50, %gt3A_52 : vector<16xf32>
      %or3A_54 = arith.ori %or3A_46, %gt3A_53 : vector<16xi1>
      %get3A_55 = arith.index_cast %scan3A_19 : i32 to index
      %get3A_56 = arith.constant 80 : index
      %get3A_57 = tpu.vector_load %arg8[%get3A_55, %get3A_56] {strides = array<i32>} : memref<80x128xi32, #tpu.memory_space<vmem>>, vector<16xi32>,
      %gather3A_58 = tpu.vector_load_idx %arg9[%get3A_57] : memref<10240xf32, #tpu.memory_space<vmem>>[vector<16xi32>], vector<16xf32>,
      %gt3A_59 = arith.constant 0.000000e+00 : f32
      %gt3A_60 = vector.broadcast %gt3A_59 : f32 to vector<16xf32>
      %gt3A_61 = arith.cmpf ogt, %gather3A_58, %gt3A_60 : vector<16xf32>
      %or3A_62 = arith.ori %or3A_54, %gt3A_61 : vector<16xi1>
      %get3A_63 = arith.index_cast %scan3A_19 : i32 to index
      %get3A_64 = arith.constant 96 : index
      %get3A_65 = tpu.vector_load %arg8[%get3A_63, %get3A_64] {strides = array<i32>} : memref<80x128xi32, #tpu.memory_space<vmem>>, vector<16xi32>,
      %gather3A_66 = tpu.vector_load_idx %arg9[%get3A_65] : memref<10240xf32, #tpu.memory_space<vmem>>[vector<16xi32>], vector<16xf32>,
      %gt3A_67 = arith.constant 0.000000e+00 : f32
      %gt3A_68 = vector.broadcast %gt3A_67 : f32 to vector<16xf32>
      %gt3A_69 = arith.cmpf ogt, %gather3A_66, %gt3A_68 : vector<16xf32>
      %or3A_70 = arith.ori %or3A_62, %gt3A_69 : vector<16xi1>
      %get3A_71 = arith.index_cast %scan3A_19 : i32 to index
      %get3A_72 = arith.constant 112 : index
      %get3A_73 = tpu.vector_load %arg8[%get3A_71, %get3A_72] {strides = array<i32>} : memref<80x128xi32, #tpu.memory_space<vmem>>, vector<16xi32>,
      %gather3A_74 = tpu.vector_load_idx %arg9[%get3A_73] : memref<10240xf32, #tpu.memory_space<vmem>>[vector<16xi32>], vector<16xf32>,
      %gt3A_75 = arith.constant 0.000000e+00 : f32
      %gt3A_76 = vector.broadcast %gt3A_75 : f32 to vector<16xf32>
      %gt3A_77 = arith.cmpf ogt, %gather3A_74, %gt3A_76 : vector<16xf32>
      %or3A_78 = arith.ori %or3A_70, %gt3A_77 : vector<16xi1>
      %all_reduce_population_count3A = tpu.all_reduce %or3A_78 {dim = 0 : i64, kind = #tpu.reduction_kind<sum>} : vector<16xi1> -> vector<16xi32>
      %slice3A = vector.extract_strided_slice %all_reduce_population_count3A {offsets = [0], sizes = [1], strides = [1]} : vector<16xi32> to vector<1xi32>
      %squeeze3A = vector.extract %slice3A[0] : i32 from vector<1xi32>
      %gt3A_79 = arith.constant 0 : i32
      %gt3A_80 = arith.cmpi sgt, %squeeze3A, %gt3A_79 : i32
      %convert_element_type3A = arith.extui %gt3A_80 : i1 to i32
      %cond3A = arith.constant 0 : i32
      %cond3A_81 = arith.cmpi ne, %convert_element_type3A, %cond3A : i32
      scf.if %cond3A_81 {
        %get3A_82 = arith.index_cast %scan3A_19 : i32 to index
        %get3A_83 = arith.constant 0 : index
        %get3A_84 = tpu.vector_load %arg8[%get3A_82, %get3A_83] {strides = array<i32>} : memref<80x128xi32, #tpu.memory_space<vmem>>, vector<16xi32>,
        %gather3A_85 = tpu.vector_load_idx %arg9[%get3A_84] : memref<10240xf32, #tpu.memory_space<vmem>>[vector<16xi32>], vector<16xf32>,
        %gt3A_86 = arith.constant 0.000000e+00 : f32
        %gt3A_87 = vector.broadcast %gt3A_86 : f32 to vector<16xf32>
        %gt3A_88 = arith.cmpf ogt, %gather3A_85, %gt3A_87 : vector<16xf32>
        %all_reduce_population_count3A_89 = tpu.all_reduce %gt3A_88 {dim = 0 : i64, kind = #tpu.reduction_kind<sum>} : vector<16xi1> -> vector<16xi32>
        %slice3A_90 = vector.extract_strided_slice %all_reduce_population_count3A_89 {offsets = [0], sizes = [1], strides = [1]} : vector<16xi32> to vector<1xi32>
        %squeeze3A_91 = vector.extract %slice3A_90[0] : i32 from vector<1xi32>
        %gt3A_92 = arith.constant 0 : i32
        %gt3A_93 = arith.cmpi sgt, %squeeze3A_91, %gt3A_92 : i32
        %convert_element_type3A_94 = arith.extui %gt3A_93 : i1 to i32
        %cond3A_95 = arith.constant 0 : i32
        %cond3A_96 = arith.cmpi ne, %convert_element_type3A_94, %cond3A_95 : i32
        scf.if %cond3A_96 {
          %get3A_322 = arith.index_cast %scan3A_19 : i32 to index
          %get3A_323 = arith.constant 0 : index
          %get3A_324 = tpu.vector_load %arg7[%get3A_322, %get3A_323] {strides = array<i32>} : memref<80x128xi32, #tpu.memory_space<vmem>>, vector<16xi32>,
          %mul3A_325 = arith.constant 10240 : i32
          %mul3A_326 = arith.muli %arg0, %mul3A_325 : i32
          %add3A = vector.broadcast %mul3A_326 : i32 to vector<16xi32>
          %add3A_327 = arith.addi %add3A, %get3A_324 : vector<16xi32>
          %dma_start3A = arith.constant 0 : i32
          %dma_start3A_328 = arith.constant 0 : i32
          %dma_start3A_329 = arith.constant 0 : i32
          %dma_start3A_330 = tpu.memref_slice %arg10[%dma_start3A, %dma_start3A_328, %dma_start3A_329] : memref<8x16x128xf32, #tpu.memory_space<vmem>> -> memref<1x16x128xf32, #tpu.memory_space<vmem>>
          %dma_start3A_331 = tpu.memref_squeeze %dma_start3A_330 : memref<1x16x128xf32, #tpu.memory_space<vmem>> -> memref<16x128xf32, #tpu.memory_space<vmem>>
          %dma_start3A_332 = arith.constant 0 : i32
          %dma_start3A_333 = arith.constant 0 : i32
          %dma_start3A_334 = tpu.memref_slice %arg4[%dma_start3A_332, %dma_start3A_333] : memref<20480x128xf32, #tpu.memory_space<hbm>> -> memref<20480x128xf32, #tpu.memory_space<hbm>>
          tpu.enqueue_indirect_dma source(%dma_start3A_334 : memref<20480x128xf32, #tpu.memory_space<hbm>>) target(%dma_start3A_331 : memref<16x128xf32, #tpu.memory_space<vmem>>) offsets(%add3A_327 : vector<16xi32>) semaphore(%arg12 : memref<!tpu.dma_semaphore, #tpu.memory_space<semaphore_mem>>)
        } else {
        }
        %get3A_97 = arith.index_cast %scan3A_19 : i32 to index
        %get3A_98 = arith.constant 16 : index
        %get3A_99 = tpu.vector_load %arg8[%get3A_97, %get3A_98] {strides = array<i32>} : memref<80x128xi32, #tpu.memory_space<vmem>>, vector<16xi32>,
        %gather3A_100 = tpu.vector_load_idx %arg9[%get3A_99] : memref<10240xf32, #tpu.memory_space<vmem>>[vector<16xi32>], vector<16xf32>,
        %gt3A_101 = arith.constant 0.000000e+00 : f32
        %gt3A_102 = vector.broadcast %gt3A_101 : f32 to vector<16xf32>
        %gt3A_103 = arith.cmpf ogt, %gather3A_100, %gt3A_102 : vector<16xf32>
        %all_reduce_population_count3A_104 = tpu.all_reduce %gt3A_103 {dim = 0 : i64, kind = #tpu.reduction_kind<sum>} : vector<16xi1> -> vector<16xi32>
        %slice3A_105 = vector.extract_strided_slice %all_reduce_population_count3A_104 {offsets = [0], sizes = [1], strides = [1]} : vector<16xi32> to vector<1xi32>
        %squeeze3A_106 = vector.extract %slice3A_105[0] : i32 from vector<1xi32>
        %gt3A_107 = arith.constant 0 : i32
        %gt3A_108 = arith.cmpi sgt, %squeeze3A_106, %gt3A_107 : i32
        %convert_element_type3A_109 = arith.extui %gt3A_108 : i1 to i32
        %cond3A_110 = arith.constant 0 : i32
        %cond3A_111 = arith.cmpi ne, %convert_element_type3A_109, %cond3A_110 : i32
        scf.if %cond3A_111 {
          %get3A_322 = arith.index_cast %scan3A_19 : i32 to index
          %get3A_323 = arith.constant 16 : index
          %get3A_324 = tpu.vector_load %arg7[%get3A_322, %get3A_323] {strides = array<i32>} : memref<80x128xi32, #tpu.memory_space<vmem>>, vector<16xi32>,
          %mul3A_325 = arith.constant 10240 : i32
          %mul3A_326 = arith.muli %arg0, %mul3A_325 : i32
          %add3A = vector.broadcast %mul3A_326 : i32 to vector<16xi32>
          %add3A_327 = arith.addi %add3A, %get3A_324 : vector<16xi32>
          %dma_start3A = arith.constant 1 : i32
          %dma_start3A_328 = arith.constant 0 : i32
          %dma_start3A_329 = arith.constant 0 : i32
          %dma_start3A_330 = tpu.memref_slice %arg10[%dma_start3A, %dma_start3A_328, %dma_start3A_329] : memref<8x16x128xf32, #tpu.memory_space<vmem>> -> memref<1x16x128xf32, #tpu.memory_space<vmem>>
          %dma_start3A_331 = tpu.memref_squeeze %dma_start3A_330 : memref<1x16x128xf32, #tpu.memory_space<vmem>> -> memref<16x128xf32, #tpu.memory_space<vmem>>
          %dma_start3A_332 = arith.constant 0 : i32
          %dma_start3A_333 = arith.constant 0 : i32
          %dma_start3A_334 = tpu.memref_slice %arg4[%dma_start3A_332, %dma_start3A_333] : memref<20480x128xf32, #tpu.memory_space<hbm>> -> memref<20480x128xf32, #tpu.memory_space<hbm>>
          tpu.enqueue_indirect_dma source(%dma_start3A_334 : memref<20480x128xf32, #tpu.memory_space<hbm>>) target(%dma_start3A_331 : memref<16x128xf32, #tpu.memory_space<vmem>>) offsets(%add3A_327 : vector<16xi32>) semaphore(%arg12 : memref<!tpu.dma_semaphore, #tpu.memory_space<semaphore_mem>>)
        } else {
        }
        %get3A_112 = arith.index_cast %scan3A_19 : i32 to index
        %get3A_113 = arith.constant 32 : index
        %get3A_114 = tpu.vector_load %arg8[%get3A_112, %get3A_113] {strides = array<i32>} : memref<80x128xi32, #tpu.memory_space<vmem>>, vector<16xi32>,
        %gather3A_115 = tpu.vector_load_idx %arg9[%get3A_114] : memref<10240xf32, #tpu.memory_space<vmem>>[vector<16xi32>], vector<16xf32>,
        %gt3A_116 = arith.constant 0.000000e+00 : f32
        %gt3A_117 = vector.broadcast %gt3A_116 : f32 to vector<16xf32>
        %gt3A_118 = arith.cmpf ogt, %gather3A_115, %gt3A_117 : vector<16xf32>
        %all_reduce_population_count3A_119 = tpu.all_reduce %gt3A_118 {dim = 0 : i64, kind = #tpu.reduction_kind<sum>} : vector<16xi1> -> vector<16xi32>
        %slice3A_120 = vector.extract_strided_slice %all_reduce_population_count3A_119 {offsets = [0], sizes = [1], strides = [1]} : vector<16xi32> to vector<1xi32>
        %squeeze3A_121 = vector.extract %slice3A_120[0] : i32 from vector<1xi32>
        %gt3A_122 = arith.constant 0 : i32
        %gt3A_123 = arith.cmpi sgt, %squeeze3A_121, %gt3A_122 : i32
        %convert_element_type3A_124 = arith.extui %gt3A_123 : i1 to i32
        %cond3A_125 = arith.constant 0 : i32
        %cond3A_126 = arith.cmpi ne, %convert_element_type3A_124, %cond3A_125 : i32
        scf.if %cond3A_126 {
          %get3A_322 = arith.index_cast %scan3A_19 : i32 to index
          %get3A_323 = arith.constant 32 : index
          %get3A_324 = tpu.vector_load %arg7[%get3A_322, %get3A_323] {strides = array<i32>} : memref<80x128xi32, #tpu.memory_space<vmem>>, vector<16xi32>,
          %mul3A_325 = arith.constant 10240 : i32
          %mul3A_326 = arith.muli %arg0, %mul3A_325 : i32
          %add3A = vector.broadcast %mul3A_326 : i32 to vector<16xi32>
          %add3A_327 = arith.addi %add3A, %get3A_324 : vector<16xi32>
          %dma_start3A = arith.constant 2 : i32
          %dma_start3A_328 = arith.constant 0 : i32
          %dma_start3A_329 = arith.constant 0 : i32
          %dma_start3A_330 = tpu.memref_slice %arg10[%dma_start3A, %dma_start3A_328, %dma_start3A_329] : memref<8x16x128xf32, #tpu.memory_space<vmem>> -> memref<1x16x128xf32, #tpu.memory_space<vmem>>
          %dma_start3A_331 = tpu.memref_squeeze %dma_start3A_330 : memref<1x16x128xf32, #tpu.memory_space<vmem>> -> memref<16x128xf32, #tpu.memory_space<vmem>>
          %dma_start3A_332 = arith.constant 0 : i32
          %dma_start3A_333 = arith.constant 0 : i32
          %dma_start3A_334 = tpu.memref_slice %arg4[%dma_start3A_332, %dma_start3A_333] : memref<20480x128xf32, #tpu.memory_space<hbm>> -> memref<20480x128xf32, #tpu.memory_space<hbm>>
          tpu.enqueue_indirect_dma source(%dma_start3A_334 : memref<20480x128xf32, #tpu.memory_space<hbm>>) target(%dma_start3A_331 : memref<16x128xf32, #tpu.memory_space<vmem>>) offsets(%add3A_327 : vector<16xi32>) semaphore(%arg12 : memref<!tpu.dma_semaphore, #tpu.memory_space<semaphore_mem>>)
        } else {
        }
        %get3A_127 = arith.index_cast %scan3A_19 : i32 to index
        %get3A_128 = arith.constant 48 : index
        %get3A_129 = tpu.vector_load %arg8[%get3A_127, %get3A_128] {strides = array<i32>} : memref<80x128xi32, #tpu.memory_space<vmem>>, vector<16xi32>,
        %gather3A_130 = tpu.vector_load_idx %arg9[%get3A_129] : memref<10240xf32, #tpu.memory_space<vmem>>[vector<16xi32>], vector<16xf32>,
        %gt3A_131 = arith.constant 0.000000e+00 : f32
        %gt3A_132 = vector.broadcast %gt3A_131 : f32 to vector<16xf32>
        %gt3A_133 = arith.cmpf ogt, %gather3A_130, %gt3A_132 : vector<16xf32>
        %all_reduce_population_count3A_134 = tpu.all_reduce %gt3A_133 {dim = 0 : i64, kind = #tpu.reduction_kind<sum>} : vector<16xi1> -> vector<16xi32>
        %slice3A_135 = vector.extract_strided_slice %all_reduce_population_count3A_134 {offsets = [0], sizes = [1], strides = [1]} : vector<16xi32> to vector<1xi32>
        %squeeze3A_136 = vector.extract %slice3A_135[0] : i32 from vector<1xi32>
        %gt3A_137 = arith.constant 0 : i32
        %gt3A_138 = arith.cmpi sgt, %squeeze3A_136, %gt3A_137 : i32
        %convert_element_type3A_139 = arith.extui %gt3A_138 : i1 to i32
        %cond3A_140 = arith.constant 0 : i32
        %cond3A_141 = arith.cmpi ne, %convert_element_type3A_139, %cond3A_140 : i32
        scf.if %cond3A_141 {
          %get3A_322 = arith.index_cast %scan3A_19 : i32 to index
          %get3A_323 = arith.constant 48 : index
          %get3A_324 = tpu.vector_load %arg7[%get3A_322, %get3A_323] {strides = array<i32>} : memref<80x128xi32, #tpu.memory_space<vmem>>, vector<16xi32>,
          %mul3A_325 = arith.constant 10240 : i32
          %mul3A_326 = arith.muli %arg0, %mul3A_325 : i32
          %add3A = vector.broadcast %mul3A_326 : i32 to vector<16xi32>
          %add3A_327 = arith.addi %add3A, %get3A_324 : vector<16xi32>
          %dma_start3A = arith.constant 3 : i32
          %dma_start3A_328 = arith.constant 0 : i32
          %dma_start3A_329 = arith.constant 0 : i32
          %dma_start3A_330 = tpu.memref_slice %arg10[%dma_start3A, %dma_start3A_328, %dma_start3A_329] : memref<8x16x128xf32, #tpu.memory_space<vmem>> -> memref<1x16x128xf32, #tpu.memory_space<vmem>>
          %dma_start3A_331 = tpu.memref_squeeze %dma_start3A_330 : memref<1x16x128xf32, #tpu.memory_space<vmem>> -> memref<16x128xf32, #tpu.memory_space<vmem>>
          %dma_start3A_332 = arith.constant 0 : i32
          %dma_start3A_333 = arith.constant 0 : i32
          %dma_start3A_334 = tpu.memref_slice %arg4[%dma_start3A_332, %dma_start3A_333] : memref<20480x128xf32, #tpu.memory_space<hbm>> -> memref<20480x128xf32, #tpu.memory_space<hbm>>
          tpu.enqueue_indirect_dma source(%dma_start3A_334 : memref<20480x128xf32, #tpu.memory_space<hbm>>) target(%dma_start3A_331 : memref<16x128xf32, #tpu.memory_space<vmem>>) offsets(%add3A_327 : vector<16xi32>) semaphore(%arg12 : memref<!tpu.dma_semaphore, #tpu.memory_space<semaphore_mem>>)
        } else {
        }
        %get3A_142 = arith.index_cast %scan3A_19 : i32 to index
        %get3A_143 = arith.constant 64 : index
        %get3A_144 = tpu.vector_load %arg8[%get3A_142, %get3A_143] {strides = array<i32>} : memref<80x128xi32, #tpu.memory_space<vmem>>, vector<16xi32>,
        %gather3A_145 = tpu.vector_load_idx %arg9[%get3A_144] : memref<10240xf32, #tpu.memory_space<vmem>>[vector<16xi32>], vector<16xf32>,
        %gt3A_146 = arith.constant 0.000000e+00 : f32
        %gt3A_147 = vector.broadcast %gt3A_146 : f32 to vector<16xf32>
        %gt3A_148 = arith.cmpf ogt, %gather3A_145, %gt3A_147 : vector<16xf32>
        %all_reduce_population_count3A_149 = tpu.all_reduce %gt3A_148 {dim = 0 : i64, kind = #tpu.reduction_kind<sum>} : vector<16xi1> -> vector<16xi32>
        %slice3A_150 = vector.extract_strided_slice %all_reduce_population_count3A_149 {offsets = [0], sizes = [1], strides = [1]} : vector<16xi32> to vector<1xi32>
        %squeeze3A_151 = vector.extract %slice3A_150[0] : i32 from vector<1xi32>
        %gt3A_152 = arith.constant 0 : i32
        %gt3A_153 = arith.cmpi sgt, %squeeze3A_151, %gt3A_152 : i32
        %convert_element_type3A_154 = arith.extui %gt3A_153 : i1 to i32
        %cond3A_155 = arith.constant 0 : i32
        %cond3A_156 = arith.cmpi ne, %convert_element_type3A_154, %cond3A_155 : i32
        scf.if %cond3A_156 {
          %get3A_322 = arith.index_cast %scan3A_19 : i32 to index
          %get3A_323 = arith.constant 64 : index
          %get3A_324 = tpu.vector_load %arg7[%get3A_322, %get3A_323] {strides = array<i32>} : memref<80x128xi32, #tpu.memory_space<vmem>>, vector<16xi32>,
          %mul3A_325 = arith.constant 10240 : i32
          %mul3A_326 = arith.muli %arg0, %mul3A_325 : i32
          %add3A = vector.broadcast %mul3A_326 : i32 to vector<16xi32>
          %add3A_327 = arith.addi %add3A, %get3A_324 : vector<16xi32>
          %dma_start3A = arith.constant 4 : i32
          %dma_start3A_328 = arith.constant 0 : i32
          %dma_start3A_329 = arith.constant 0 : i32
          %dma_start3A_330 = tpu.memref_slice %arg10[%dma_start3A, %dma_start3A_328, %dma_start3A_329] : memref<8x16x128xf32, #tpu.memory_space<vmem>> -> memref<1x16x128xf32, #tpu.memory_space<vmem>>
          %dma_start3A_331 = tpu.memref_squeeze %dma_start3A_330 : memref<1x16x128xf32, #tpu.memory_space<vmem>> -> memref<16x128xf32, #tpu.memory_space<vmem>>
          %dma_start3A_332 = arith.constant 0 : i32
          %dma_start3A_333 = arith.constant 0 : i32
          %dma_start3A_334 = tpu.memref_slice %arg4[%dma_start3A_332, %dma_start3A_333] : memref<20480x128xf32, #tpu.memory_space<hbm>> -> memref<20480x128xf32, #tpu.memory_space<hbm>>
          tpu.enqueue_indirect_dma source(%dma_start3A_334 : memref<20480x128xf32, #tpu.memory_space<hbm>>) target(%dma_start3A_331 : memref<16x128xf32, #tpu.memory_space<vmem>>) offsets(%add3A_327 : vector<16xi32>) semaphore(%arg12 : memref<!tpu.dma_semaphore, #tpu.memory_space<semaphore_mem>>)
        } else {
        }
        %get3A_157 = arith.index_cast %scan3A_19 : i32 to index
        %get3A_158 = arith.constant 80 : index
        %get3A_159 = tpu.vector_load %arg8[%get3A_157, %get3A_158] {strides = array<i32>} : memref<80x128xi32, #tpu.memory_space<vmem>>, vector<16xi32>,
        %gather3A_160 = tpu.vector_load_idx %arg9[%get3A_159] : memref<10240xf32, #tpu.memory_space<vmem>>[vector<16xi32>], vector<16xf32>,
        %gt3A_161 = arith.constant 0.000000e+00 : f32
        %gt3A_162 = vector.broadcast %gt3A_161 : f32 to vector<16xf32>
        %gt3A_163 = arith.cmpf ogt, %gather3A_160, %gt3A_162 : vector<16xf32>
        %all_reduce_population_count3A_164 = tpu.all_reduce %gt3A_163 {dim = 0 : i64, kind = #tpu.reduction_kind<sum>} : vector<16xi1> -> vector<16xi32>
        %slice3A_165 = vector.extract_strided_slice %all_reduce_population_count3A_164 {offsets = [0], sizes = [1], strides = [1]} : vector<16xi32> to vector<1xi32>
        %squeeze3A_166 = vector.extract %slice3A_165[0] : i32 from vector<1xi32>
        %gt3A_167 = arith.constant 0 : i32
        %gt3A_168 = arith.cmpi sgt, %squeeze3A_166, %gt3A_167 : i32
        %convert_element_type3A_169 = arith.extui %gt3A_168 : i1 to i32
        %cond3A_170 = arith.constant 0 : i32
        %cond3A_171 = arith.cmpi ne, %convert_element_type3A_169, %cond3A_170 : i32
        scf.if %cond3A_171 {
          %get3A_322 = arith.index_cast %scan3A_19 : i32 to index
          %get3A_323 = arith.constant 80 : index
          %get3A_324 = tpu.vector_load %arg7[%get3A_322, %get3A_323] {strides = array<i32>} : memref<80x128xi32, #tpu.memory_space<vmem>>, vector<16xi32>,
          %mul3A_325 = arith.constant 10240 : i32
          %mul3A_326 = arith.muli %arg0, %mul3A_325 : i32
          %add3A = vector.broadcast %mul3A_326 : i32 to vector<16xi32>
          %add3A_327 = arith.addi %add3A, %get3A_324 : vector<16xi32>
          %dma_start3A = arith.constant 5 : i32
          %dma_start3A_328 = arith.constant 0 : i32
          %dma_start3A_329 = arith.constant 0 : i32
          %dma_start3A_330 = tpu.memref_slice %arg10[%dma_start3A, %dma_start3A_328, %dma_start3A_329] : memref<8x16x128xf32, #tpu.memory_space<vmem>> -> memref<1x16x128xf32, #tpu.memory_space<vmem>>
          %dma_start3A_331 = tpu.memref_squeeze %dma_start3A_330 : memref<1x16x128xf32, #tpu.memory_space<vmem>> -> memref<16x128xf32, #tpu.memory_space<vmem>>
          %dma_start3A_332 = arith.constant 0 : i32
          %dma_start3A_333 = arith.constant 0 : i32
          %dma_start3A_334 = tpu.memref_slice %arg4[%dma_start3A_332, %dma_start3A_333] : memref<20480x128xf32, #tpu.memory_space<hbm>> -> memref<20480x128xf32, #tpu.memory_space<hbm>>
          tpu.enqueue_indirect_dma source(%dma_start3A_334 : memref<20480x128xf32, #tpu.memory_space<hbm>>) target(%dma_start3A_331 : memref<16x128xf32, #tpu.memory_space<vmem>>) offsets(%add3A_327 : vector<16xi32>) semaphore(%arg12 : memref<!tpu.dma_semaphore, #tpu.memory_space<semaphore_mem>>)
        } else {
        }
        %get3A_172 = arith.index_cast %scan3A_19 : i32 to index
        %get3A_173 = arith.constant 96 : index
        %get3A_174 = tpu.vector_load %arg8[%get3A_172, %get3A_173] {strides = array<i32>} : memref<80x128xi32, #tpu.memory_space<vmem>>, vector<16xi32>,
        %gather3A_175 = tpu.vector_load_idx %arg9[%get3A_174] : memref<10240xf32, #tpu.memory_space<vmem>>[vector<16xi32>], vector<16xf32>,
        %gt3A_176 = arith.constant 0.000000e+00 : f32
        %gt3A_177 = vector.broadcast %gt3A_176 : f32 to vector<16xf32>
        %gt3A_178 = arith.cmpf ogt, %gather3A_175, %gt3A_177 : vector<16xf32>
        %all_reduce_population_count3A_179 = tpu.all_reduce %gt3A_178 {dim = 0 : i64, kind = #tpu.reduction_kind<sum>} : vector<16xi1> -> vector<16xi32>
        %slice3A_180 = vector.extract_strided_slice %all_reduce_population_count3A_179 {offsets = [0], sizes = [1], strides = [1]} : vector<16xi32> to vector<1xi32>
        %squeeze3A_181 = vector.extract %slice3A_180[0] : i32 from vector<1xi32>
        %gt3A_182 = arith.constant 0 : i32
        %gt3A_183 = arith.cmpi sgt, %squeeze3A_181, %gt3A_182 : i32
        %convert_element_type3A_184 = arith.extui %gt3A_183 : i1 to i32
        %cond3A_185 = arith.constant 0 : i32
        %cond3A_186 = arith.cmpi ne, %convert_element_type3A_184, %cond3A_185 : i32
        scf.if %cond3A_186 {
          %get3A_322 = arith.index_cast %scan3A_19 : i32 to index
          %get3A_323 = arith.constant 96 : index
          %get3A_324 = tpu.vector_load %arg7[%get3A_322, %get3A_323] {strides = array<i32>} : memref<80x128xi32, #tpu.memory_space<vmem>>, vector<16xi32>,
          %mul3A_325 = arith.constant 10240 : i32
          %mul3A_326 = arith.muli %arg0, %mul3A_325 : i32
          %add3A = vector.broadcast %mul3A_326 : i32 to vector<16xi32>
          %add3A_327 = arith.addi %add3A, %get3A_324 : vector<16xi32>
          %dma_start3A = arith.constant 6 : i32
          %dma_start3A_328 = arith.constant 0 : i32
          %dma_start3A_329 = arith.constant 0 : i32
          %dma_start3A_330 = tpu.memref_slice %arg10[%dma_start3A, %dma_start3A_328, %dma_start3A_329] : memref<8x16x128xf32, #tpu.memory_space<vmem>> -> memref<1x16x128xf32, #tpu.memory_space<vmem>>
          %dma_start3A_331 = tpu.memref_squeeze %dma_start3A_330 : memref<1x16x128xf32, #tpu.memory_space<vmem>> -> memref<16x128xf32, #tpu.memory_space<vmem>>
          %dma_start3A_332 = arith.constant 0 : i32
          %dma_start3A_333 = arith.constant 0 : i32
          %dma_start3A_334 = tpu.memref_slice %arg4[%dma_start3A_332, %dma_start3A_333] : memref<20480x128xf32, #tpu.memory_space<hbm>> -> memref<20480x128xf32, #tpu.memory_space<hbm>>
          tpu.enqueue_indirect_dma source(%dma_start3A_334 : memref<20480x128xf32, #tpu.memory_space<hbm>>) target(%dma_start3A_331 : memref<16x128xf32, #tpu.memory_space<vmem>>) offsets(%add3A_327 : vector<16xi32>) semaphore(%arg12 : memref<!tpu.dma_semaphore, #tpu.memory_space<semaphore_mem>>)
        } else {
        }
        %get3A_187 = arith.index_cast %scan3A_19 : i32 to index
        %get3A_188 = arith.constant 112 : index
        %get3A_189 = tpu.vector_load %arg8[%get3A_187, %get3A_188] {strides = array<i32>} : memref<80x128xi32, #tpu.memory_space<vmem>>, vector<16xi32>,
        %gather3A_190 = tpu.vector_load_idx %arg9[%get3A_189] : memref<10240xf32, #tpu.memory_space<vmem>>[vector<16xi32>], vector<16xf32>,
        %gt3A_191 = arith.constant 0.000000e+00 : f32
        %gt3A_192 = vector.broadcast %gt3A_191 : f32 to vector<16xf32>
        %gt3A_193 = arith.cmpf ogt, %gather3A_190, %gt3A_192 : vector<16xf32>
        %all_reduce_population_count3A_194 = tpu.all_reduce %gt3A_193 {dim = 0 : i64, kind = #tpu.reduction_kind<sum>} : vector<16xi1> -> vector<16xi32>
        %slice3A_195 = vector.extract_strided_slice %all_reduce_population_count3A_194 {offsets = [0], sizes = [1], strides = [1]} : vector<16xi32> to vector<1xi32>
        %squeeze3A_196 = vector.extract %slice3A_195[0] : i32 from vector<1xi32>
        %gt3A_197 = arith.constant 0 : i32
        %gt3A_198 = arith.cmpi sgt, %squeeze3A_196, %gt3A_197 : i32
        %convert_element_type3A_199 = arith.extui %gt3A_198 : i1 to i32
        %cond3A_200 = arith.constant 0 : i32
        %cond3A_201 = arith.cmpi ne, %convert_element_type3A_199, %cond3A_200 : i32
        scf.if %cond3A_201 {
          %get3A_322 = arith.index_cast %scan3A_19 : i32 to index
          %get3A_323 = arith.constant 112 : index
          %get3A_324 = tpu.vector_load %arg7[%get3A_322, %get3A_323] {strides = array<i32>} : memref<80x128xi32, #tpu.memory_space<vmem>>, vector<16xi32>,
          %mul3A_325 = arith.constant 10240 : i32
          %mul3A_326 = arith.muli %arg0, %mul3A_325 : i32
          %add3A = vector.broadcast %mul3A_326 : i32 to vector<16xi32>
          %add3A_327 = arith.addi %add3A, %get3A_324 : vector<16xi32>
          %dma_start3A = arith.constant 7 : i32
          %dma_start3A_328 = arith.constant 0 : i32
          %dma_start3A_329 = arith.constant 0 : i32
          %dma_start3A_330 = tpu.memref_slice %arg10[%dma_start3A, %dma_start3A_328, %dma_start3A_329] : memref<8x16x128xf32, #tpu.memory_space<vmem>> -> memref<1x16x128xf32, #tpu.memory_space<vmem>>
          %dma_start3A_331 = tpu.memref_squeeze %dma_start3A_330 : memref<1x16x128xf32, #tpu.memory_space<vmem>> -> memref<16x128xf32, #tpu.memory_space<vmem>>
          %dma_start3A_332 = arith.constant 0 : i32
          %dma_start3A_333 = arith.constant 0 : i32
          %dma_start3A_334 = tpu.memref_slice %arg4[%dma_start3A_332, %dma_start3A_333] : memref<20480x128xf32, #tpu.memory_space<hbm>> -> memref<20480x128xf32, #tpu.memory_space<hbm>>
          tpu.enqueue_indirect_dma source(%dma_start3A_334 : memref<20480x128xf32, #tpu.memory_space<hbm>>) target(%dma_start3A_331 : memref<16x128xf32, #tpu.memory_space<vmem>>) offsets(%add3A_327 : vector<16xi32>) semaphore(%arg12 : memref<!tpu.dma_semaphore, #tpu.memory_space<semaphore_mem>>)
        } else {
        }
        %get3A_202 = arith.index_cast %scan3A_19 : i32 to index
        %get3A_203 = arith.constant 0 : index
        %get3A_204 = tpu.vector_load %arg8[%get3A_202, %get3A_203] {strides = array<i32>} : memref<80x128xi32, #tpu.memory_space<vmem>>, vector<16xi32>,
        %gather3A_205 = tpu.vector_load_idx %arg9[%get3A_204] : memref<10240xf32, #tpu.memory_space<vmem>>[vector<16xi32>], vector<16xf32>,
        %gt3A_206 = arith.constant 0.000000e+00 : f32
        %gt3A_207 = vector.broadcast %gt3A_206 : f32 to vector<16xf32>
        %gt3A_208 = arith.cmpf ogt, %gather3A_205, %gt3A_207 : vector<16xf32>
        %all_reduce_population_count3A_209 = tpu.all_reduce %gt3A_208 {dim = 0 : i64, kind = #tpu.reduction_kind<sum>} : vector<16xi1> -> vector<16xi32>
        %slice3A_210 = vector.extract_strided_slice %all_reduce_population_count3A_209 {offsets = [0], sizes = [1], strides = [1]} : vector<16xi32> to vector<1xi32>
        %squeeze3A_211 = vector.extract %slice3A_210[0] : i32 from vector<1xi32>
        %gt3A_212 = arith.constant 0 : i32
        %gt3A_213 = arith.cmpi sgt, %squeeze3A_211, %gt3A_212 : i32
        %convert_element_type3A_214 = arith.extui %gt3A_213 : i1 to i32
        %cond3A_215 = arith.constant 0 : i32
        %cond3A_216 = arith.cmpi ne, %convert_element_type3A_214, %cond3A_215 : i32
        scf.if %cond3A_216 {
          %get3A_322 = arith.index_cast %scan3A_19 : i32 to index
          %get3A_323 = arith.constant 0 : index
          %get3A_324 = tpu.vector_load %arg7[%get3A_322, %get3A_323] {strides = array<i32>} : memref<80x128xi32, #tpu.memory_space<vmem>>, vector<16xi32>,
          %mul3A_325 = arith.constant 10240 : i32
          %mul3A_326 = arith.muli %arg0, %mul3A_325 : i32
          %add3A = vector.broadcast %mul3A_326 : i32 to vector<16xi32>
          %add3A_327 = arith.addi %add3A, %get3A_324 : vector<16xi32>
          %dma_wait3A = arith.constant 0 : i32
          %dma_wait3A_328 = arith.constant 0 : i32
          %dma_wait3A_329 = arith.constant 0 : i32
          %dma_wait3A_330 = tpu.memref_slice %arg10[%dma_wait3A, %dma_wait3A_328, %dma_wait3A_329] : memref<8x16x128xf32, #tpu.memory_space<vmem>> -> memref<1x16x128xf32, #tpu.memory_space<vmem>>
          %dma_wait3A_331 = tpu.memref_squeeze %dma_wait3A_330 : memref<1x16x128xf32, #tpu.memory_space<vmem>> -> memref<16x128xf32, #tpu.memory_space<vmem>>
          %dma_wait3A_332 = arith.constant 0 : i32
          %dma_wait3A_333 = arith.constant 0 : i32
          %dma_wait3A_334 = tpu.memref_slice %arg4[%dma_wait3A_332, %dma_wait3A_333] : memref<20480x128xf32, #tpu.memory_space<hbm>> -> memref<20480x128xf32, #tpu.memory_space<hbm>>
          tpu.wait_indirect_dma semaphore(%arg12 : memref<!tpu.dma_semaphore, #tpu.memory_space<semaphore_mem>>) src(%dma_wait3A_334 : memref<20480x128xf32, #tpu.memory_space<hbm>>) dst(%dma_wait3A_331 : memref<16x128xf32, #tpu.memory_space<vmem>>)
          %and3A = arith.constant 7 : i32
          %and3A_335 = vector.broadcast %and3A : i32 to vector<16xi32>
          %and3A_336 = arith.andi %iota3A, %and3A_335 : vector<16xi32>
          %add3A_337 = arith.constant 10000 : i32
          %add3A_338 = vector.broadcast %add3A_337 : i32 to vector<16xi32>
          %add3A_339 = arith.addi %add3A_338, %and3A_336 : vector<16xi32>
          %select_n3A = arith.select %gt3A_208, %get3A_204, %add3A_339 : vector<16xi1>, vector<16xi32>
          %run_scoped3A = arith.constant 0 : i32
          "tpu.region"() ({
            %run_scoped3A_340 = tpu.sem_alloc : memref<!tpu.dma_semaphore, #tpu.memory_space<semaphore_mem>>
            %dma_start3A = arith.constant 0 : i32
            %dma_start3A_341 = arith.constant 0 : i32
            %dma_start3A_342 = tpu.memref_slice %arg10[%run_scoped3A, %dma_start3A, %dma_start3A_341] : memref<8x16x128xf32, #tpu.memory_space<vmem>> -> memref<1x16x128xf32, #tpu.memory_space<vmem>>
            %dma_start3A_343 = tpu.memref_squeeze %dma_start3A_342 : memref<1x16x128xf32, #tpu.memory_space<vmem>> -> memref<16x128xf32, #tpu.memory_space<vmem>>
            %dma_start3A_344 = arith.constant 0 : i32
            %dma_start3A_345 = arith.constant 0 : i32
            %dma_start3A_346 = tpu.memref_slice %arg11[%dma_start3A_344, %dma_start3A_345] : memref<10240x128xf32, #tpu.memory_space<vmem_shared>> -> memref<10240x128xf32, #tpu.memory_space<vmem_shared>>
            tpu.enqueue_indirect_dma source(%dma_start3A_343 : memref<16x128xf32, #tpu.memory_space<vmem>>) target(%dma_start3A_346 : memref<10240x128xf32, #tpu.memory_space<vmem_shared>>) offsets(%select_n3A : vector<16xi32>) semaphore(%run_scoped3A_340 : memref<!tpu.dma_semaphore, #tpu.memory_space<semaphore_mem>>) {add = true}
            %dma_wait3A_347 = arith.constant 0 : i32
            %dma_wait3A_348 = arith.constant 0 : i32
            %dma_wait3A_349 = tpu.memref_slice %arg10[%run_scoped3A, %dma_wait3A_347, %dma_wait3A_348] : memref<8x16x128xf32, #tpu.memory_space<vmem>> -> memref<1x16x128xf32, #tpu.memory_space<vmem>>
            %dma_wait3A_350 = tpu.memref_squeeze %dma_wait3A_349 : memref<1x16x128xf32, #tpu.memory_space<vmem>> -> memref<16x128xf32, #tpu.memory_space<vmem>>
            %dma_wait3A_351 = arith.constant 0 : i32
            %dma_wait3A_352 = arith.constant 0 : i32
            %dma_wait3A_353 = tpu.memref_slice %arg11[%dma_wait3A_351, %dma_wait3A_352] : memref<10240x128xf32, #tpu.memory_space<vmem_shared>> -> memref<10240x128xf32, #tpu.memory_space<vmem_shared>>
            tpu.wait_indirect_dma semaphore(%run_scoped3A_340 : memref<!tpu.dma_semaphore, #tpu.memory_space<semaphore_mem>>) src(%dma_wait3A_350 : memref<16x128xf32, #tpu.memory_space<vmem>>) dst(%dma_wait3A_353 : memref<10240x128xf32, #tpu.memory_space<vmem_shared>>)
            tpu.yield
          }) : () -> ()
        } else {
        }
        %get3A_217 = arith.index_cast %scan3A_19 : i32 to index
        %get3A_218 = arith.constant 16 : index
        %get3A_219 = tpu.vector_load %arg8[%get3A_217, %get3A_218] {strides = array<i32>} : memref<80x128xi32, #tpu.memory_space<vmem>>, vector<16xi32>,
        %gather3A_220 = tpu.vector_load_idx %arg9[%get3A_219] : memref<10240xf32, #tpu.memory_space<vmem>>[vector<16xi32>], vector<16xf32>,
        %gt3A_221 = arith.constant 0.000000e+00 : f32
        %gt3A_222 = vector.broadcast %gt3A_221 : f32 to vector<16xf32>
        %gt3A_223 = arith.cmpf ogt, %gather3A_220, %gt3A_222 : vector<16xf32>
        %all_reduce_population_count3A_224 = tpu.all_reduce %gt3A_223 {dim = 0 : i64, kind = #tpu.reduction_kind<sum>} : vector<16xi1> -> vector<16xi32>
        %slice3A_225 = vector.extract_strided_slice %all_reduce_population_count3A_224 {offsets = [0], sizes = [1], strides = [1]} : vector<16xi32> to vector<1xi32>
        %squeeze3A_226 = vector.extract %slice3A_225[0] : i32 from vector<1xi32>
        %gt3A_227 = arith.constant 0 : i32
        %gt3A_228 = arith.cmpi sgt, %squeeze3A_226, %gt3A_227 : i32
        %convert_element_type3A_229 = arith.extui %gt3A_228 : i1 to i32
        %cond3A_230 = arith.constant 0 : i32
        %cond3A_231 = arith.cmpi ne, %convert_element_type3A_229, %cond3A_230 : i32
        scf.if %cond3A_231 {
          %get3A_322 = arith.index_cast %scan3A_19 : i32 to index
          %get3A_323 = arith.constant 16 : index
          %get3A_324 = tpu.vector_load %arg7[%get3A_322, %get3A_323] {strides = array<i32>} : memref<80x128xi32, #tpu.memory_space<vmem>>, vector<16xi32>,
          %mul3A_325 = arith.constant 10240 : i32
          %mul3A_326 = arith.muli %arg0, %mul3A_325 : i32
          %add3A = vector.broadcast %mul3A_326 : i32 to vector<16xi32>
          %add3A_327 = arith.addi %add3A, %get3A_324 : vector<16xi32>
          %dma_wait3A = arith.constant 1 : i32
          %dma_wait3A_328 = arith.constant 0 : i32
          %dma_wait3A_329 = arith.constant 0 : i32
          %dma_wait3A_330 = tpu.memref_slice %arg10[%dma_wait3A, %dma_wait3A_328, %dma_wait3A_329] : memref<8x16x128xf32, #tpu.memory_space<vmem>> -> memref<1x16x128xf32, #tpu.memory_space<vmem>>
          %dma_wait3A_331 = tpu.memref_squeeze %dma_wait3A_330 : memref<1x16x128xf32, #tpu.memory_space<vmem>> -> memref<16x128xf32, #tpu.memory_space<vmem>>
          %dma_wait3A_332 = arith.constant 0 : i32
          %dma_wait3A_333 = arith.constant 0 : i32
          %dma_wait3A_334 = tpu.memref_slice %arg4[%dma_wait3A_332, %dma_wait3A_333] : memref<20480x128xf32, #tpu.memory_space<hbm>> -> memref<20480x128xf32, #tpu.memory_space<hbm>>
          tpu.wait_indirect_dma semaphore(%arg12 : memref<!tpu.dma_semaphore, #tpu.memory_space<semaphore_mem>>) src(%dma_wait3A_334 : memref<20480x128xf32, #tpu.memory_space<hbm>>) dst(%dma_wait3A_331 : memref<16x128xf32, #tpu.memory_space<vmem>>)
          %and3A = arith.constant 7 : i32
          %and3A_335 = vector.broadcast %and3A : i32 to vector<16xi32>
          %and3A_336 = arith.andi %iota3A, %and3A_335 : vector<16xi32>
          %add3A_337 = arith.constant 10000 : i32
          %add3A_338 = vector.broadcast %add3A_337 : i32 to vector<16xi32>
          %add3A_339 = arith.addi %add3A_338, %and3A_336 : vector<16xi32>
          %select_n3A = arith.select %gt3A_223, %get3A_219, %add3A_339 : vector<16xi1>, vector<16xi32>
          %run_scoped3A = arith.constant 1 : i32
          "tpu.region"() ({
            %run_scoped3A_340 = tpu.sem_alloc : memref<!tpu.dma_semaphore, #tpu.memory_space<semaphore_mem>>
            %dma_start3A = arith.constant 0 : i32
            %dma_start3A_341 = arith.constant 0 : i32
            %dma_start3A_342 = tpu.memref_slice %arg10[%run_scoped3A, %dma_start3A, %dma_start3A_341] : memref<8x16x128xf32, #tpu.memory_space<vmem>> -> memref<1x16x128xf32, #tpu.memory_space<vmem>>
            %dma_start3A_343 = tpu.memref_squeeze %dma_start3A_342 : memref<1x16x128xf32, #tpu.memory_space<vmem>> -> memref<16x128xf32, #tpu.memory_space<vmem>>
            %dma_start3A_344 = arith.constant 0 : i32
            %dma_start3A_345 = arith.constant 0 : i32
            %dma_start3A_346 = tpu.memref_slice %arg11[%dma_start3A_344, %dma_start3A_345] : memref<10240x128xf32, #tpu.memory_space<vmem_shared>> -> memref<10240x128xf32, #tpu.memory_space<vmem_shared>>
            tpu.enqueue_indirect_dma source(%dma_start3A_343 : memref<16x128xf32, #tpu.memory_space<vmem>>) target(%dma_start3A_346 : memref<10240x128xf32, #tpu.memory_space<vmem_shared>>) offsets(%select_n3A : vector<16xi32>) semaphore(%run_scoped3A_340 : memref<!tpu.dma_semaphore, #tpu.memory_space<semaphore_mem>>) {add = true}
            %dma_wait3A_347 = arith.constant 0 : i32
            %dma_wait3A_348 = arith.constant 0 : i32
            %dma_wait3A_349 = tpu.memref_slice %arg10[%run_scoped3A, %dma_wait3A_347, %dma_wait3A_348] : memref<8x16x128xf32, #tpu.memory_space<vmem>> -> memref<1x16x128xf32, #tpu.memory_space<vmem>>
            %dma_wait3A_350 = tpu.memref_squeeze %dma_wait3A_349 : memref<1x16x128xf32, #tpu.memory_space<vmem>> -> memref<16x128xf32, #tpu.memory_space<vmem>>
            %dma_wait3A_351 = arith.constant 0 : i32
            %dma_wait3A_352 = arith.constant 0 : i32
            %dma_wait3A_353 = tpu.memref_slice %arg11[%dma_wait3A_351, %dma_wait3A_352] : memref<10240x128xf32, #tpu.memory_space<vmem_shared>> -> memref<10240x128xf32, #tpu.memory_space<vmem_shared>>
            tpu.wait_indirect_dma semaphore(%run_scoped3A_340 : memref<!tpu.dma_semaphore, #tpu.memory_space<semaphore_mem>>) src(%dma_wait3A_350 : memref<16x128xf32, #tpu.memory_space<vmem>>) dst(%dma_wait3A_353 : memref<10240x128xf32, #tpu.memory_space<vmem_shared>>)
            tpu.yield
          }) : () -> ()
        } else {
        }
        %get3A_232 = arith.index_cast %scan3A_19 : i32 to index
        %get3A_233 = arith.constant 32 : index
        %get3A_234 = tpu.vector_load %arg8[%get3A_232, %get3A_233] {strides = array<i32>} : memref<80x128xi32, #tpu.memory_space<vmem>>, vector<16xi32>,
        %gather3A_235 = tpu.vector_load_idx %arg9[%get3A_234] : memref<10240xf32, #tpu.memory_space<vmem>>[vector<16xi32>], vector<16xf32>,
        %gt3A_236 = arith.constant 0.000000e+00 : f32
        %gt3A_237 = vector.broadcast %gt3A_236 : f32 to vector<16xf32>
        %gt3A_238 = arith.cmpf ogt, %gather3A_235, %gt3A_237 : vector<16xf32>
        %all_reduce_population_count3A_239 = tpu.all_reduce %gt3A_238 {dim = 0 : i64, kind = #tpu.reduction_kind<sum>} : vector<16xi1> -> vector<16xi32>
        %slice3A_240 = vector.extract_strided_slice %all_reduce_population_count3A_239 {offsets = [0], sizes = [1], strides = [1]} : vector<16xi32> to vector<1xi32>
        %squeeze3A_241 = vector.extract %slice3A_240[0] : i32 from vector<1xi32>
        %gt3A_242 = arith.constant 0 : i32
        %gt3A_243 = arith.cmpi sgt, %squeeze3A_241, %gt3A_242 : i32
        %convert_element_type3A_244 = arith.extui %gt3A_243 : i1 to i32
        %cond3A_245 = arith.constant 0 : i32
        %cond3A_246 = arith.cmpi ne, %convert_element_type3A_244, %cond3A_245 : i32
        scf.if %cond3A_246 {
          %get3A_322 = arith.index_cast %scan3A_19 : i32 to index
          %get3A_323 = arith.constant 32 : index
          %get3A_324 = tpu.vector_load %arg7[%get3A_322, %get3A_323] {strides = array<i32>} : memref<80x128xi32, #tpu.memory_space<vmem>>, vector<16xi32>,
          %mul3A_325 = arith.constant 10240 : i32
          %mul3A_326 = arith.muli %arg0, %mul3A_325 : i32
          %add3A = vector.broadcast %mul3A_326 : i32 to vector<16xi32>
          %add3A_327 = arith.addi %add3A, %get3A_324 : vector<16xi32>
          %dma_wait3A = arith.constant 2 : i32
          %dma_wait3A_328 = arith.constant 0 : i32
          %dma_wait3A_329 = arith.constant 0 : i32
          %dma_wait3A_330 = tpu.memref_slice %arg10[%dma_wait3A, %dma_wait3A_328, %dma_wait3A_329] : memref<8x16x128xf32, #tpu.memory_space<vmem>> -> memref<1x16x128xf32, #tpu.memory_space<vmem>>
          %dma_wait3A_331 = tpu.memref_squeeze %dma_wait3A_330 : memref<1x16x128xf32, #tpu.memory_space<vmem>> -> memref<16x128xf32, #tpu.memory_space<vmem>>
          %dma_wait3A_332 = arith.constant 0 : i32
          %dma_wait3A_333 = arith.constant 0 : i32
          %dma_wait3A_334 = tpu.memref_slice %arg4[%dma_wait3A_332, %dma_wait3A_333] : memref<20480x128xf32, #tpu.memory_space<hbm>> -> memref<20480x128xf32, #tpu.memory_space<hbm>>
          tpu.wait_indirect_dma semaphore(%arg12 : memref<!tpu.dma_semaphore, #tpu.memory_space<semaphore_mem>>) src(%dma_wait3A_334 : memref<20480x128xf32, #tpu.memory_space<hbm>>) dst(%dma_wait3A_331 : memref<16x128xf32, #tpu.memory_space<vmem>>)
          %and3A = arith.constant 7 : i32
          %and3A_335 = vector.broadcast %and3A : i32 to vector<16xi32>
          %and3A_336 = arith.andi %iota3A, %and3A_335 : vector<16xi32>
          %add3A_337 = arith.constant 10000 : i32
          %add3A_338 = vector.broadcast %add3A_337 : i32 to vector<16xi32>
          %add3A_339 = arith.addi %add3A_338, %and3A_336 : vector<16xi32>
          %select_n3A = arith.select %gt3A_238, %get3A_234, %add3A_339 : vector<16xi1>, vector<16xi32>
          %run_scoped3A = arith.constant 2 : i32
          "tpu.region"() ({
            %run_scoped3A_340 = tpu.sem_alloc : memref<!tpu.dma_semaphore, #tpu.memory_space<semaphore_mem>>
            %dma_start3A = arith.constant 0 : i32
            %dma_start3A_341 = arith.constant 0 : i32
            %dma_start3A_342 = tpu.memref_slice %arg10[%run_scoped3A, %dma_start3A, %dma_start3A_341] : memref<8x16x128xf32, #tpu.memory_space<vmem>> -> memref<1x16x128xf32, #tpu.memory_space<vmem>>
            %dma_start3A_343 = tpu.memref_squeeze %dma_start3A_342 : memref<1x16x128xf32, #tpu.memory_space<vmem>> -> memref<16x128xf32, #tpu.memory_space<vmem>>
            %dma_start3A_344 = arith.constant 0 : i32
            %dma_start3A_345 = arith.constant 0 : i32
            %dma_start3A_346 = tpu.memref_slice %arg11[%dma_start3A_344, %dma_start3A_345] : memref<10240x128xf32, #tpu.memory_space<vmem_shared>> -> memref<10240x128xf32, #tpu.memory_space<vmem_shared>>
            tpu.enqueue_indirect_dma source(%dma_start3A_343 : memref<16x128xf32, #tpu.memory_space<vmem>>) target(%dma_start3A_346 : memref<10240x128xf32, #tpu.memory_space<vmem_shared>>) offsets(%select_n3A : vector<16xi32>) semaphore(%run_scoped3A_340 : memref<!tpu.dma_semaphore, #tpu.memory_space<semaphore_mem>>) {add = true}
            %dma_wait3A_347 = arith.constant 0 : i32
            %dma_wait3A_348 = arith.constant 0 : i32
            %dma_wait3A_349 = tpu.memref_slice %arg10[%run_scoped3A, %dma_wait3A_347, %dma_wait3A_348] : memref<8x16x128xf32, #tpu.memory_space<vmem>> -> memref<1x16x128xf32, #tpu.memory_space<vmem>>
            %dma_wait3A_350 = tpu.memref_squeeze %dma_wait3A_349 : memref<1x16x128xf32, #tpu.memory_space<vmem>> -> memref<16x128xf32, #tpu.memory_space<vmem>>
            %dma_wait3A_351 = arith.constant 0 : i32
            %dma_wait3A_352 = arith.constant 0 : i32
            %dma_wait3A_353 = tpu.memref_slice %arg11[%dma_wait3A_351, %dma_wait3A_352] : memref<10240x128xf32, #tpu.memory_space<vmem_shared>> -> memref<10240x128xf32, #tpu.memory_space<vmem_shared>>
            tpu.wait_indirect_dma semaphore(%run_scoped3A_340 : memref<!tpu.dma_semaphore, #tpu.memory_space<semaphore_mem>>) src(%dma_wait3A_350 : memref<16x128xf32, #tpu.memory_space<vmem>>) dst(%dma_wait3A_353 : memref<10240x128xf32, #tpu.memory_space<vmem_shared>>)
            tpu.yield
          }) : () -> ()
        } else {
        }
        %get3A_247 = arith.index_cast %scan3A_19 : i32 to index
        %get3A_248 = arith.constant 48 : index
        %get3A_249 = tpu.vector_load %arg8[%get3A_247, %get3A_248] {strides = array<i32>} : memref<80x128xi32, #tpu.memory_space<vmem>>, vector<16xi32>,
        %gather3A_250 = tpu.vector_load_idx %arg9[%get3A_249] : memref<10240xf32, #tpu.memory_space<vmem>>[vector<16xi32>], vector<16xf32>,
        %gt3A_251 = arith.constant 0.000000e+00 : f32
        %gt3A_252 = vector.broadcast %gt3A_251 : f32 to vector<16xf32>
        %gt3A_253 = arith.cmpf ogt, %gather3A_250, %gt3A_252 : vector<16xf32>
        %all_reduce_population_count3A_254 = tpu.all_reduce %gt3A_253 {dim = 0 : i64, kind = #tpu.reduction_kind<sum>} : vector<16xi1> -> vector<16xi32>
        %slice3A_255 = vector.extract_strided_slice %all_reduce_population_count3A_254 {offsets = [0], sizes = [1], strides = [1]} : vector<16xi32> to vector<1xi32>
        %squeeze3A_256 = vector.extract %slice3A_255[0] : i32 from vector<1xi32>
        %gt3A_257 = arith.constant 0 : i32
        %gt3A_258 = arith.cmpi sgt, %squeeze3A_256, %gt3A_257 : i32
        %convert_element_type3A_259 = arith.extui %gt3A_258 : i1 to i32
        %cond3A_260 = arith.constant 0 : i32
        %cond3A_261 = arith.cmpi ne, %convert_element_type3A_259, %cond3A_260 : i32
        scf.if %cond3A_261 {
          %get3A_322 = arith.index_cast %scan3A_19 : i32 to index
          %get3A_323 = arith.constant 48 : index
          %get3A_324 = tpu.vector_load %arg7[%get3A_322, %get3A_323] {strides = array<i32>} : memref<80x128xi32, #tpu.memory_space<vmem>>, vector<16xi32>,
          %mul3A_325 = arith.constant 10240 : i32
          %mul3A_326 = arith.muli %arg0, %mul3A_325 : i32
          %add3A = vector.broadcast %mul3A_326 : i32 to vector<16xi32>
          %add3A_327 = arith.addi %add3A, %get3A_324 : vector<16xi32>
          %dma_wait3A = arith.constant 3 : i32
          %dma_wait3A_328 = arith.constant 0 : i32
          %dma_wait3A_329 = arith.constant 0 : i32
          %dma_wait3A_330 = tpu.memref_slice %arg10[%dma_wait3A, %dma_wait3A_328, %dma_wait3A_329] : memref<8x16x128xf32, #tpu.memory_space<vmem>> -> memref<1x16x128xf32, #tpu.memory_space<vmem>>
          %dma_wait3A_331 = tpu.memref_squeeze %dma_wait3A_330 : memref<1x16x128xf32, #tpu.memory_space<vmem>> -> memref<16x128xf32, #tpu.memory_space<vmem>>
          %dma_wait3A_332 = arith.constant 0 : i32
          %dma_wait3A_333 = arith.constant 0 : i32
          %dma_wait3A_334 = tpu.memref_slice %arg4[%dma_wait3A_332, %dma_wait3A_333] : memref<20480x128xf32, #tpu.memory_space<hbm>> -> memref<20480x128xf32, #tpu.memory_space<hbm>>
          tpu.wait_indirect_dma semaphore(%arg12 : memref<!tpu.dma_semaphore, #tpu.memory_space<semaphore_mem>>) src(%dma_wait3A_334 : memref<20480x128xf32, #tpu.memory_space<hbm>>) dst(%dma_wait3A_331 : memref<16x128xf32, #tpu.memory_space<vmem>>)
          %and3A = arith.constant 7 : i32
          %and3A_335 = vector.broadcast %and3A : i32 to vector<16xi32>
          %and3A_336 = arith.andi %iota3A, %and3A_335 : vector<16xi32>
          %add3A_337 = arith.constant 10000 : i32
          %add3A_338 = vector.broadcast %add3A_337 : i32 to vector<16xi32>
          %add3A_339 = arith.addi %add3A_338, %and3A_336 : vector<16xi32>
          %select_n3A = arith.select %gt3A_253, %get3A_249, %add3A_339 : vector<16xi1>, vector<16xi32>
          %run_scoped3A = arith.constant 3 : i32
          "tpu.region"() ({
            %run_scoped3A_340 = tpu.sem_alloc : memref<!tpu.dma_semaphore, #tpu.memory_space<semaphore_mem>>
            %dma_start3A = arith.constant 0 : i32
            %dma_start3A_341 = arith.constant 0 : i32
            %dma_start3A_342 = tpu.memref_slice %arg10[%run_scoped3A, %dma_start3A, %dma_start3A_341] : memref<8x16x128xf32, #tpu.memory_space<vmem>> -> memref<1x16x128xf32, #tpu.memory_space<vmem>>
            %dma_start3A_343 = tpu.memref_squeeze %dma_start3A_342 : memref<1x16x128xf32, #tpu.memory_space<vmem>> -> memref<16x128xf32, #tpu.memory_space<vmem>>
            %dma_start3A_344 = arith.constant 0 : i32
            %dma_start3A_345 = arith.constant 0 : i32
            %dma_start3A_346 = tpu.memref_slice %arg11[%dma_start3A_344, %dma_start3A_345] : memref<10240x128xf32, #tpu.memory_space<vmem_shared>> -> memref<10240x128xf32, #tpu.memory_space<vmem_shared>>
            tpu.enqueue_indirect_dma source(%dma_start3A_343 : memref<16x128xf32, #tpu.memory_space<vmem>>) target(%dma_start3A_346 : memref<10240x128xf32, #tpu.memory_space<vmem_shared>>) offsets(%select_n3A : vector<16xi32>) semaphore(%run_scoped3A_340 : memref<!tpu.dma_semaphore, #tpu.memory_space<semaphore_mem>>) {add = true}
            %dma_wait3A_347 = arith.constant 0 : i32
            %dma_wait3A_348 = arith.constant 0 : i32
            %dma_wait3A_349 = tpu.memref_slice %arg10[%run_scoped3A, %dma_wait3A_347, %dma_wait3A_348] : memref<8x16x128xf32, #tpu.memory_space<vmem>> -> memref<1x16x128xf32, #tpu.memory_space<vmem>>
            %dma_wait3A_350 = tpu.memref_squeeze %dma_wait3A_349 : memref<1x16x128xf32, #tpu.memory_space<vmem>> -> memref<16x128xf32, #tpu.memory_space<vmem>>
            %dma_wait3A_351 = arith.constant 0 : i32
            %dma_wait3A_352 = arith.constant 0 : i32
            %dma_wait3A_353 = tpu.memref_slice %arg11[%dma_wait3A_351, %dma_wait3A_352] : memref<10240x128xf32, #tpu.memory_space<vmem_shared>> -> memref<10240x128xf32, #tpu.memory_space<vmem_shared>>
            tpu.wait_indirect_dma semaphore(%run_scoped3A_340 : memref<!tpu.dma_semaphore, #tpu.memory_space<semaphore_mem>>) src(%dma_wait3A_350 : memref<16x128xf32, #tpu.memory_space<vmem>>) dst(%dma_wait3A_353 : memref<10240x128xf32, #tpu.memory_space<vmem_shared>>)
            tpu.yield
          }) : () -> ()
        } else {
        }
        %get3A_262 = arith.index_cast %scan3A_19 : i32 to index
        %get3A_263 = arith.constant 64 : index
        %get3A_264 = tpu.vector_load %arg8[%get3A_262, %get3A_263] {strides = array<i32>} : memref<80x128xi32, #tpu.memory_space<vmem>>, vector<16xi32>,
        %gather3A_265 = tpu.vector_load_idx %arg9[%get3A_264] : memref<10240xf32, #tpu.memory_space<vmem>>[vector<16xi32>], vector<16xf32>,
        %gt3A_266 = arith.constant 0.000000e+00 : f32
        %gt3A_267 = vector.broadcast %gt3A_266 : f32 to vector<16xf32>
        %gt3A_268 = arith.cmpf ogt, %gather3A_265, %gt3A_267 : vector<16xf32>
        %all_reduce_population_count3A_269 = tpu.all_reduce %gt3A_268 {dim = 0 : i64, kind = #tpu.reduction_kind<sum>} : vector<16xi1> -> vector<16xi32>
        %slice3A_270 = vector.extract_strided_slice %all_reduce_population_count3A_269 {offsets = [0], sizes = [1], strides = [1]} : vector<16xi32> to vector<1xi32>
        %squeeze3A_271 = vector.extract %slice3A_270[0] : i32 from vector<1xi32>
        %gt3A_272 = arith.constant 0 : i32
        %gt3A_273 = arith.cmpi sgt, %squeeze3A_271, %gt3A_272 : i32
        %convert_element_type3A_274 = arith.extui %gt3A_273 : i1 to i32
        %cond3A_275 = arith.constant 0 : i32
        %cond3A_276 = arith.cmpi ne, %convert_element_type3A_274, %cond3A_275 : i32
        scf.if %cond3A_276 {
          %get3A_322 = arith.index_cast %scan3A_19 : i32 to index
          %get3A_323 = arith.constant 64 : index
          %get3A_324 = tpu.vector_load %arg7[%get3A_322, %get3A_323] {strides = array<i32>} : memref<80x128xi32, #tpu.memory_space<vmem>>, vector<16xi32>,
          %mul3A_325 = arith.constant 10240 : i32
          %mul3A_326 = arith.muli %arg0, %mul3A_325 : i32
          %add3A = vector.broadcast %mul3A_326 : i32 to vector<16xi32>
          %add3A_327 = arith.addi %add3A, %get3A_324 : vector<16xi32>
          %dma_wait3A = arith.constant 4 : i32
          %dma_wait3A_328 = arith.constant 0 : i32
          %dma_wait3A_329 = arith.constant 0 : i32
          %dma_wait3A_330 = tpu.memref_slice %arg10[%dma_wait3A, %dma_wait3A_328, %dma_wait3A_329] : memref<8x16x128xf32, #tpu.memory_space<vmem>> -> memref<1x16x128xf32, #tpu.memory_space<vmem>>
          %dma_wait3A_331 = tpu.memref_squeeze %dma_wait3A_330 : memref<1x16x128xf32, #tpu.memory_space<vmem>> -> memref<16x128xf32, #tpu.memory_space<vmem>>
          %dma_wait3A_332 = arith.constant 0 : i32
          %dma_wait3A_333 = arith.constant 0 : i32
          %dma_wait3A_334 = tpu.memref_slice %arg4[%dma_wait3A_332, %dma_wait3A_333] : memref<20480x128xf32, #tpu.memory_space<hbm>> -> memref<20480x128xf32, #tpu.memory_space<hbm>>
          tpu.wait_indirect_dma semaphore(%arg12 : memref<!tpu.dma_semaphore, #tpu.memory_space<semaphore_mem>>) src(%dma_wait3A_334 : memref<20480x128xf32, #tpu.memory_space<hbm>>) dst(%dma_wait3A_331 : memref<16x128xf32, #tpu.memory_space<vmem>>)
          %and3A = arith.constant 7 : i32
          %and3A_335 = vector.broadcast %and3A : i32 to vector<16xi32>
          %and3A_336 = arith.andi %iota3A, %and3A_335 : vector<16xi32>
          %add3A_337 = arith.constant 10000 : i32
          %add3A_338 = vector.broadcast %add3A_337 : i32 to vector<16xi32>
          %add3A_339 = arith.addi %add3A_338, %and3A_336 : vector<16xi32>
          %select_n3A = arith.select %gt3A_268, %get3A_264, %add3A_339 : vector<16xi1>, vector<16xi32>
          %run_scoped3A = arith.constant 4 : i32
          "tpu.region"() ({
            %run_scoped3A_340 = tpu.sem_alloc : memref<!tpu.dma_semaphore, #tpu.memory_space<semaphore_mem>>
            %dma_start3A = arith.constant 0 : i32
            %dma_start3A_341 = arith.constant 0 : i32
            %dma_start3A_342 = tpu.memref_slice %arg10[%run_scoped3A, %dma_start3A, %dma_start3A_341] : memref<8x16x128xf32, #tpu.memory_space<vmem>> -> memref<1x16x128xf32, #tpu.memory_space<vmem>>
            %dma_start3A_343 = tpu.memref_squeeze %dma_start3A_342 : memref<1x16x128xf32, #tpu.memory_space<vmem>> -> memref<16x128xf32, #tpu.memory_space<vmem>>
            %dma_start3A_344 = arith.constant 0 : i32
            %dma_start3A_345 = arith.constant 0 : i32
            %dma_start3A_346 = tpu.memref_slice %arg11[%dma_start3A_344, %dma_start3A_345] : memref<10240x128xf32, #tpu.memory_space<vmem_shared>> -> memref<10240x128xf32, #tpu.memory_space<vmem_shared>>
            tpu.enqueue_indirect_dma source(%dma_start3A_343 : memref<16x128xf32, #tpu.memory_space<vmem>>) target(%dma_start3A_346 : memref<10240x128xf32, #tpu.memory_space<vmem_shared>>) offsets(%select_n3A : vector<16xi32>) semaphore(%run_scoped3A_340 : memref<!tpu.dma_semaphore, #tpu.memory_space<semaphore_mem>>) {add = true}
            %dma_wait3A_347 = arith.constant 0 : i32
            %dma_wait3A_348 = arith.constant 0 : i32
            %dma_wait3A_349 = tpu.memref_slice %arg10[%run_scoped3A, %dma_wait3A_347, %dma_wait3A_348] : memref<8x16x128xf32, #tpu.memory_space<vmem>> -> memref<1x16x128xf32, #tpu.memory_space<vmem>>
            %dma_wait3A_350 = tpu.memref_squeeze %dma_wait3A_349 : memref<1x16x128xf32, #tpu.memory_space<vmem>> -> memref<16x128xf32, #tpu.memory_space<vmem>>
            %dma_wait3A_351 = arith.constant 0 : i32
            %dma_wait3A_352 = arith.constant 0 : i32
            %dma_wait3A_353 = tpu.memref_slice %arg11[%dma_wait3A_351, %dma_wait3A_352] : memref<10240x128xf32, #tpu.memory_space<vmem_shared>> -> memref<10240x128xf32, #tpu.memory_space<vmem_shared>>
            tpu.wait_indirect_dma semaphore(%run_scoped3A_340 : memref<!tpu.dma_semaphore, #tpu.memory_space<semaphore_mem>>) src(%dma_wait3A_350 : memref<16x128xf32, #tpu.memory_space<vmem>>) dst(%dma_wait3A_353 : memref<10240x128xf32, #tpu.memory_space<vmem_shared>>)
            tpu.yield
          }) : () -> ()
        } else {
        }
        %get3A_277 = arith.index_cast %scan3A_19 : i32 to index
        %get3A_278 = arith.constant 80 : index
        %get3A_279 = tpu.vector_load %arg8[%get3A_277, %get3A_278] {strides = array<i32>} : memref<80x128xi32, #tpu.memory_space<vmem>>, vector<16xi32>,
        %gather3A_280 = tpu.vector_load_idx %arg9[%get3A_279] : memref<10240xf32, #tpu.memory_space<vmem>>[vector<16xi32>], vector<16xf32>,
        %gt3A_281 = arith.constant 0.000000e+00 : f32
        %gt3A_282 = vector.broadcast %gt3A_281 : f32 to vector<16xf32>
        %gt3A_283 = arith.cmpf ogt, %gather3A_280, %gt3A_282 : vector<16xf32>
        %all_reduce_population_count3A_284 = tpu.all_reduce %gt3A_283 {dim = 0 : i64, kind = #tpu.reduction_kind<sum>} : vector<16xi1> -> vector<16xi32>
        %slice3A_285 = vector.extract_strided_slice %all_reduce_population_count3A_284 {offsets = [0], sizes = [1], strides = [1]} : vector<16xi32> to vector<1xi32>
        %squeeze3A_286 = vector.extract %slice3A_285[0] : i32 from vector<1xi32>
        %gt3A_287 = arith.constant 0 : i32
        %gt3A_288 = arith.cmpi sgt, %squeeze3A_286, %gt3A_287 : i32
        %convert_element_type3A_289 = arith.extui %gt3A_288 : i1 to i32
        %cond3A_290 = arith.constant 0 : i32
        %cond3A_291 = arith.cmpi ne, %convert_element_type3A_289, %cond3A_290 : i32
        scf.if %cond3A_291 {
          %get3A_322 = arith.index_cast %scan3A_19 : i32 to index
          %get3A_323 = arith.constant 80 : index
          %get3A_324 = tpu.vector_load %arg7[%get3A_322, %get3A_323] {strides = array<i32>} : memref<80x128xi32, #tpu.memory_space<vmem>>, vector<16xi32>,
          %mul3A_325 = arith.constant 10240 : i32
          %mul3A_326 = arith.muli %arg0, %mul3A_325 : i32
          %add3A = vector.broadcast %mul3A_326 : i32 to vector<16xi32>
          %add3A_327 = arith.addi %add3A, %get3A_324 : vector<16xi32>
          %dma_wait3A = arith.constant 5 : i32
          %dma_wait3A_328 = arith.constant 0 : i32
          %dma_wait3A_329 = arith.constant 0 : i32
          %dma_wait3A_330 = tpu.memref_slice %arg10[%dma_wait3A, %dma_wait3A_328, %dma_wait3A_329] : memref<8x16x128xf32, #tpu.memory_space<vmem>> -> memref<1x16x128xf32, #tpu.memory_space<vmem>>
          %dma_wait3A_331 = tpu.memref_squeeze %dma_wait3A_330 : memref<1x16x128xf32, #tpu.memory_space<vmem>> -> memref<16x128xf32, #tpu.memory_space<vmem>>
          %dma_wait3A_332 = arith.constant 0 : i32
          %dma_wait3A_333 = arith.constant 0 : i32
          %dma_wait3A_334 = tpu.memref_slice %arg4[%dma_wait3A_332, %dma_wait3A_333] : memref<20480x128xf32, #tpu.memory_space<hbm>> -> memref<20480x128xf32, #tpu.memory_space<hbm>>
          tpu.wait_indirect_dma semaphore(%arg12 : memref<!tpu.dma_semaphore, #tpu.memory_space<semaphore_mem>>) src(%dma_wait3A_334 : memref<20480x128xf32, #tpu.memory_space<hbm>>) dst(%dma_wait3A_331 : memref<16x128xf32, #tpu.memory_space<vmem>>)
          %and3A = arith.constant 7 : i32
          %and3A_335 = vector.broadcast %and3A : i32 to vector<16xi32>
          %and3A_336 = arith.andi %iota3A, %and3A_335 : vector<16xi32>
          %add3A_337 = arith.constant 10000 : i32
          %add3A_338 = vector.broadcast %add3A_337 : i32 to vector<16xi32>
          %add3A_339 = arith.addi %add3A_338, %and3A_336 : vector<16xi32>
          %select_n3A = arith.select %gt3A_283, %get3A_279, %add3A_339 : vector<16xi1>, vector<16xi32>
          %run_scoped3A = arith.constant 5 : i32
          "tpu.region"() ({
            %run_scoped3A_340 = tpu.sem_alloc : memref<!tpu.dma_semaphore, #tpu.memory_space<semaphore_mem>>
            %dma_start3A = arith.constant 0 : i32
            %dma_start3A_341 = arith.constant 0 : i32
            %dma_start3A_342 = tpu.memref_slice %arg10[%run_scoped3A, %dma_start3A, %dma_start3A_341] : memref<8x16x128xf32, #tpu.memory_space<vmem>> -> memref<1x16x128xf32, #tpu.memory_space<vmem>>
            %dma_start3A_343 = tpu.memref_squeeze %dma_start3A_342 : memref<1x16x128xf32, #tpu.memory_space<vmem>> -> memref<16x128xf32, #tpu.memory_space<vmem>>
            %dma_start3A_344 = arith.constant 0 : i32
            %dma_start3A_345 = arith.constant 0 : i32
            %dma_start3A_346 = tpu.memref_slice %arg11[%dma_start3A_344, %dma_start3A_345] : memref<10240x128xf32, #tpu.memory_space<vmem_shared>> -> memref<10240x128xf32, #tpu.memory_space<vmem_shared>>
            tpu.enqueue_indirect_dma source(%dma_start3A_343 : memref<16x128xf32, #tpu.memory_space<vmem>>) target(%dma_start3A_346 : memref<10240x128xf32, #tpu.memory_space<vmem_shared>>) offsets(%select_n3A : vector<16xi32>) semaphore(%run_scoped3A_340 : memref<!tpu.dma_semaphore, #tpu.memory_space<semaphore_mem>>) {add = true}
            %dma_wait3A_347 = arith.constant 0 : i32
            %dma_wait3A_348 = arith.constant 0 : i32
            %dma_wait3A_349 = tpu.memref_slice %arg10[%run_scoped3A, %dma_wait3A_347, %dma_wait3A_348] : memref<8x16x128xf32, #tpu.memory_space<vmem>> -> memref<1x16x128xf32, #tpu.memory_space<vmem>>
            %dma_wait3A_350 = tpu.memref_squeeze %dma_wait3A_349 : memref<1x16x128xf32, #tpu.memory_space<vmem>> -> memref<16x128xf32, #tpu.memory_space<vmem>>
            %dma_wait3A_351 = arith.constant 0 : i32
            %dma_wait3A_352 = arith.constant 0 : i32
            %dma_wait3A_353 = tpu.memref_slice %arg11[%dma_wait3A_351, %dma_wait3A_352] : memref<10240x128xf32, #tpu.memory_space<vmem_shared>> -> memref<10240x128xf32, #tpu.memory_space<vmem_shared>>
            tpu.wait_indirect_dma semaphore(%run_scoped3A_340 : memref<!tpu.dma_semaphore, #tpu.memory_space<semaphore_mem>>) src(%dma_wait3A_350 : memref<16x128xf32, #tpu.memory_space<vmem>>) dst(%dma_wait3A_353 : memref<10240x128xf32, #tpu.memory_space<vmem_shared>>)
            tpu.yield
          }) : () -> ()
        } else {
        }
        %get3A_292 = arith.index_cast %scan3A_19 : i32 to index
        %get3A_293 = arith.constant 96 : index
        %get3A_294 = tpu.vector_load %arg8[%get3A_292, %get3A_293] {strides = array<i32>} : memref<80x128xi32, #tpu.memory_space<vmem>>, vector<16xi32>,
        %gather3A_295 = tpu.vector_load_idx %arg9[%get3A_294] : memref<10240xf32, #tpu.memory_space<vmem>>[vector<16xi32>], vector<16xf32>,
        %gt3A_296 = arith.constant 0.000000e+00 : f32
        %gt3A_297 = vector.broadcast %gt3A_296 : f32 to vector<16xf32>
        %gt3A_298 = arith.cmpf ogt, %gather3A_295, %gt3A_297 : vector<16xf32>
        %all_reduce_population_count3A_299 = tpu.all_reduce %gt3A_298 {dim = 0 : i64, kind = #tpu.reduction_kind<sum>} : vector<16xi1> -> vector<16xi32>
        %slice3A_300 = vector.extract_strided_slice %all_reduce_population_count3A_299 {offsets = [0], sizes = [1], strides = [1]} : vector<16xi32> to vector<1xi32>
        %squeeze3A_301 = vector.extract %slice3A_300[0] : i32 from vector<1xi32>
        %gt3A_302 = arith.constant 0 : i32
        %gt3A_303 = arith.cmpi sgt, %squeeze3A_301, %gt3A_302 : i32
        %convert_element_type3A_304 = arith.extui %gt3A_303 : i1 to i32
        %cond3A_305 = arith.constant 0 : i32
        %cond3A_306 = arith.cmpi ne, %convert_element_type3A_304, %cond3A_305 : i32
        scf.if %cond3A_306 {
          %get3A_322 = arith.index_cast %scan3A_19 : i32 to index
          %get3A_323 = arith.constant 96 : index
          %get3A_324 = tpu.vector_load %arg7[%get3A_322, %get3A_323] {strides = array<i32>} : memref<80x128xi32, #tpu.memory_space<vmem>>, vector<16xi32>,
          %mul3A_325 = arith.constant 10240 : i32
          %mul3A_326 = arith.muli %arg0, %mul3A_325 : i32
          %add3A = vector.broadcast %mul3A_326 : i32 to vector<16xi32>
          %add3A_327 = arith.addi %add3A, %get3A_324 : vector<16xi32>
          %dma_wait3A = arith.constant 6 : i32
          %dma_wait3A_328 = arith.constant 0 : i32
          %dma_wait3A_329 = arith.constant 0 : i32
          %dma_wait3A_330 = tpu.memref_slice %arg10[%dma_wait3A, %dma_wait3A_328, %dma_wait3A_329] : memref<8x16x128xf32, #tpu.memory_space<vmem>> -> memref<1x16x128xf32, #tpu.memory_space<vmem>>
          %dma_wait3A_331 = tpu.memref_squeeze %dma_wait3A_330 : memref<1x16x128xf32, #tpu.memory_space<vmem>> -> memref<16x128xf32, #tpu.memory_space<vmem>>
          %dma_wait3A_332 = arith.constant 0 : i32
          %dma_wait3A_333 = arith.constant 0 : i32
          %dma_wait3A_334 = tpu.memref_slice %arg4[%dma_wait3A_332, %dma_wait3A_333] : memref<20480x128xf32, #tpu.memory_space<hbm>> -> memref<20480x128xf32, #tpu.memory_space<hbm>>
          tpu.wait_indirect_dma semaphore(%arg12 : memref<!tpu.dma_semaphore, #tpu.memory_space<semaphore_mem>>) src(%dma_wait3A_334 : memref<20480x128xf32, #tpu.memory_space<hbm>>) dst(%dma_wait3A_331 : memref<16x128xf32, #tpu.memory_space<vmem>>)
          %and3A = arith.constant 7 : i32
          %and3A_335 = vector.broadcast %and3A : i32 to vector<16xi32>
          %and3A_336 = arith.andi %iota3A, %and3A_335 : vector<16xi32>
          %add3A_337 = arith.constant 10000 : i32
          %add3A_338 = vector.broadcast %add3A_337 : i32 to vector<16xi32>
          %add3A_339 = arith.addi %add3A_338, %and3A_336 : vector<16xi32>
          %select_n3A = arith.select %gt3A_298, %get3A_294, %add3A_339 : vector<16xi1>, vector<16xi32>
          %run_scoped3A = arith.constant 6 : i32
          "tpu.region"() ({
            %run_scoped3A_340 = tpu.sem_alloc : memref<!tpu.dma_semaphore, #tpu.memory_space<semaphore_mem>>
            %dma_start3A = arith.constant 0 : i32
            %dma_start3A_341 = arith.constant 0 : i32
            %dma_start3A_342 = tpu.memref_slice %arg10[%run_scoped3A, %dma_start3A, %dma_start3A_341] : memref<8x16x128xf32, #tpu.memory_space<vmem>> -> memref<1x16x128xf32, #tpu.memory_space<vmem>>
            %dma_start3A_343 = tpu.memref_squeeze %dma_start3A_342 : memref<1x16x128xf32, #tpu.memory_space<vmem>> -> memref<16x128xf32, #tpu.memory_space<vmem>>
            %dma_start3A_344 = arith.constant 0 : i32
            %dma_start3A_345 = arith.constant 0 : i32
            %dma_start3A_346 = tpu.memref_slice %arg11[%dma_start3A_344, %dma_start3A_345] : memref<10240x128xf32, #tpu.memory_space<vmem_shared>> -> memref<10240x128xf32, #tpu.memory_space<vmem_shared>>
            tpu.enqueue_indirect_dma source(%dma_start3A_343 : memref<16x128xf32, #tpu.memory_space<vmem>>) target(%dma_start3A_346 : memref<10240x128xf32, #tpu.memory_space<vmem_shared>>) offsets(%select_n3A : vector<16xi32>) semaphore(%run_scoped3A_340 : memref<!tpu.dma_semaphore, #tpu.memory_space<semaphore_mem>>) {add = true}
            %dma_wait3A_347 = arith.constant 0 : i32
            %dma_wait3A_348 = arith.constant 0 : i32
            %dma_wait3A_349 = tpu.memref_slice %arg10[%run_scoped3A, %dma_wait3A_347, %dma_wait3A_348] : memref<8x16x128xf32, #tpu.memory_space<vmem>> -> memref<1x16x128xf32, #tpu.memory_space<vmem>>
            %dma_wait3A_350 = tpu.memref_squeeze %dma_wait3A_349 : memref<1x16x128xf32, #tpu.memory_space<vmem>> -> memref<16x128xf32, #tpu.memory_space<vmem>>
            %dma_wait3A_351 = arith.constant 0 : i32
            %dma_wait3A_352 = arith.constant 0 : i32
            %dma_wait3A_353 = tpu.memref_slice %arg11[%dma_wait3A_351, %dma_wait3A_352] : memref<10240x128xf32, #tpu.memory_space<vmem_shared>> -> memref<10240x128xf32, #tpu.memory_space<vmem_shared>>
            tpu.wait_indirect_dma semaphore(%run_scoped3A_340 : memref<!tpu.dma_semaphore, #tpu.memory_space<semaphore_mem>>) src(%dma_wait3A_350 : memref<16x128xf32, #tpu.memory_space<vmem>>) dst(%dma_wait3A_353 : memref<10240x128xf32, #tpu.memory_space<vmem_shared>>)
            tpu.yield
          }) : () -> ()
        } else {
        }
        %get3A_307 = arith.index_cast %scan3A_19 : i32 to index
        %get3A_308 = arith.constant 112 : index
        %get3A_309 = tpu.vector_load %arg8[%get3A_307, %get3A_308] {strides = array<i32>} : memref<80x128xi32, #tpu.memory_space<vmem>>, vector<16xi32>,
        %gather3A_310 = tpu.vector_load_idx %arg9[%get3A_309] : memref<10240xf32, #tpu.memory_space<vmem>>[vector<16xi32>], vector<16xf32>,
        %gt3A_311 = arith.constant 0.000000e+00 : f32
        %gt3A_312 = vector.broadcast %gt3A_311 : f32 to vector<16xf32>
        %gt3A_313 = arith.cmpf ogt, %gather3A_310, %gt3A_312 : vector<16xf32>
        %all_reduce_population_count3A_314 = tpu.all_reduce %gt3A_313 {dim = 0 : i64, kind = #tpu.reduction_kind<sum>} : vector<16xi1> -> vector<16xi32>
        %slice3A_315 = vector.extract_strided_slice %all_reduce_population_count3A_314 {offsets = [0], sizes = [1], strides = [1]} : vector<16xi32> to vector<1xi32>
        %squeeze3A_316 = vector.extract %slice3A_315[0] : i32 from vector<1xi32>
        %gt3A_317 = arith.constant 0 : i32
        %gt3A_318 = arith.cmpi sgt, %squeeze3A_316, %gt3A_317 : i32
        %convert_element_type3A_319 = arith.extui %gt3A_318 : i1 to i32
        %cond3A_320 = arith.constant 0 : i32
        %cond3A_321 = arith.cmpi ne, %convert_element_type3A_319, %cond3A_320 : i32
        scf.if %cond3A_321 {
          %get3A_322 = arith.index_cast %scan3A_19 : i32 to index
          %get3A_323 = arith.constant 112 : index
          %get3A_324 = tpu.vector_load %arg7[%get3A_322, %get3A_323] {strides = array<i32>} : memref<80x128xi32, #tpu.memory_space<vmem>>, vector<16xi32>,
          %mul3A_325 = arith.constant 10240 : i32
          %mul3A_326 = arith.muli %arg0, %mul3A_325 : i32
          %add3A = vector.broadcast %mul3A_326 : i32 to vector<16xi32>
          %add3A_327 = arith.addi %add3A, %get3A_324 : vector<16xi32>
          %dma_wait3A = arith.constant 7 : i32
          %dma_wait3A_328 = arith.constant 0 : i32
          %dma_wait3A_329 = arith.constant 0 : i32
          %dma_wait3A_330 = tpu.memref_slice %arg10[%dma_wait3A, %dma_wait3A_328, %dma_wait3A_329] : memref<8x16x128xf32, #tpu.memory_space<vmem>> -> memref<1x16x128xf32, #tpu.memory_space<vmem>>
          %dma_wait3A_331 = tpu.memref_squeeze %dma_wait3A_330 : memref<1x16x128xf32, #tpu.memory_space<vmem>> -> memref<16x128xf32, #tpu.memory_space<vmem>>
          %dma_wait3A_332 = arith.constant 0 : i32
          %dma_wait3A_333 = arith.constant 0 : i32
          %dma_wait3A_334 = tpu.memref_slice %arg4[%dma_wait3A_332, %dma_wait3A_333] : memref<20480x128xf32, #tpu.memory_space<hbm>> -> memref<20480x128xf32, #tpu.memory_space<hbm>>
          tpu.wait_indirect_dma semaphore(%arg12 : memref<!tpu.dma_semaphore, #tpu.memory_space<semaphore_mem>>) src(%dma_wait3A_334 : memref<20480x128xf32, #tpu.memory_space<hbm>>) dst(%dma_wait3A_331 : memref<16x128xf32, #tpu.memory_space<vmem>>)
          %and3A = arith.constant 7 : i32
          %and3A_335 = vector.broadcast %and3A : i32 to vector<16xi32>
          %and3A_336 = arith.andi %iota3A, %and3A_335 : vector<16xi32>
          %add3A_337 = arith.constant 10000 : i32
          %add3A_338 = vector.broadcast %add3A_337 : i32 to vector<16xi32>
          %add3A_339 = arith.addi %add3A_338, %and3A_336 : vector<16xi32>
          %select_n3A = arith.select %gt3A_313, %get3A_309, %add3A_339 : vector<16xi1>, vector<16xi32>
          %run_scoped3A = arith.constant 7 : i32
          "tpu.region"() ({
            %run_scoped3A_340 = tpu.sem_alloc : memref<!tpu.dma_semaphore, #tpu.memory_space<semaphore_mem>>
            %dma_start3A = arith.constant 0 : i32
            %dma_start3A_341 = arith.constant 0 : i32
            %dma_start3A_342 = tpu.memref_slice %arg10[%run_scoped3A, %dma_start3A, %dma_start3A_341] : memref<8x16x128xf32, #tpu.memory_space<vmem>> -> memref<1x16x128xf32, #tpu.memory_space<vmem>>
            %dma_start3A_343 = tpu.memref_squeeze %dma_start3A_342 : memref<1x16x128xf32, #tpu.memory_space<vmem>> -> memref<16x128xf32, #tpu.memory_space<vmem>>
            %dma_start3A_344 = arith.constant 0 : i32
            %dma_start3A_345 = arith.constant 0 : i32
            %dma_start3A_346 = tpu.memref_slice %arg11[%dma_start3A_344, %dma_start3A_345] : memref<10240x128xf32, #tpu.memory_space<vmem_shared>> -> memref<10240x128xf32, #tpu.memory_space<vmem_shared>>
            tpu.enqueue_indirect_dma source(%dma_start3A_343 : memref<16x128xf32, #tpu.memory_space<vmem>>) target(%dma_start3A_346 : memref<10240x128xf32, #tpu.memory_space<vmem_shared>>) offsets(%select_n3A : vector<16xi32>) semaphore(%run_scoped3A_340 : memref<!tpu.dma_semaphore, #tpu.memory_space<semaphore_mem>>) {add = true}
            %dma_wait3A_347 = arith.constant 0 : i32
            %dma_wait3A_348 = arith.constant 0 : i32
            %dma_wait3A_349 = tpu.memref_slice %arg10[%run_scoped3A, %dma_wait3A_347, %dma_wait3A_348] : memref<8x16x128xf32, #tpu.memory_space<vmem>> -> memref<1x16x128xf32, #tpu.memory_space<vmem>>
            %dma_wait3A_350 = tpu.memref_squeeze %dma_wait3A_349 : memref<1x16x128xf32, #tpu.memory_space<vmem>> -> memref<16x128xf32, #tpu.memory_space<vmem>>
            %dma_wait3A_351 = arith.constant 0 : i32
            %dma_wait3A_352 = arith.constant 0 : i32
            %dma_wait3A_353 = tpu.memref_slice %arg11[%dma_wait3A_351, %dma_wait3A_352] : memref<10240x128xf32, #tpu.memory_space<vmem_shared>> -> memref<10240x128xf32, #tpu.memory_space<vmem_shared>>
            tpu.wait_indirect_dma semaphore(%run_scoped3A_340 : memref<!tpu.dma_semaphore, #tpu.memory_space<semaphore_mem>>) src(%dma_wait3A_350 : memref<16x128xf32, #tpu.memory_space<vmem>>) dst(%dma_wait3A_353 : memref<10240x128xf32, #tpu.memory_space<vmem_shared>>)
            tpu.yield
          }) : () -> ()
        } else {
        }
      } else {
      }
    }
    %scan3A_11 = arith.constant 80 : i32
    %barrier3A_12 = arith.constant 0 : index
    tpu.barrier barrier_id(%barrier3A_12)
    %scan3A_13 = arith.constant 0 : i32
    %scan3A_14 = arith.constant 0 : i32
    %scan3A_15 = arith.constant 40 : i32
    %scan3A_16 = arith.addi %scan3A_14, %scan3A_15 : i32
    %scan3A_17 = arith.constant 1 : i32
    scf.for %scan3A_19 = %scan3A_14 to %scan3A_16 step %scan3A_17  : i32 {
      %mul3A_20 = arith.constant 16 : i32
      %mul3A_21 = arith.muli %mul3A_20, %scan3A_19 : i32
      %add3A = arith.addi %mul3A_0, %mul3A_21 : i32
      %get3A = arith.index_cast %add3A : i32 to index
      %get3A_22 = tpu.vector_load %arg9[%get3A] {strides = array<i32>} : memref<10240xf32, #tpu.memory_space<vmem>>, vector<16xf32>,
      %gt3A = arith.constant 0.000000e+00 : f32
      %gt3A_23 = vector.broadcast %gt3A : f32 to vector<16xf32>
      %gt3A_24 = arith.cmpf ogt, %get3A_22, %gt3A_23 : vector<16xf32>
      %all_reduce_population_count3A = tpu.all_reduce %gt3A_24 {dim = 0 : i64, kind = #tpu.reduction_kind<sum>} : vector<16xi1> -> vector<16xi32>
      %slice3A = vector.extract_strided_slice %all_reduce_population_count3A {offsets = [0], sizes = [1], strides = [1]} : vector<16xi32> to vector<1xi32>
      %squeeze3A = vector.extract %slice3A[0] : i32 from vector<1xi32>
      %gt3A_25 = arith.constant 0 : i32
      %gt3A_26 = arith.cmpi sgt, %squeeze3A, %gt3A_25 : i32
      %convert_element_type3A = arith.extui %gt3A_26 : i1 to i32
      %cond3A = arith.constant 0 : i32
      %cond3A_27 = arith.cmpi ne, %convert_element_type3A, %cond3A : i32
      scf.if %cond3A_27 {
        "tpu.region"() ({
          %run_scoped3A = tpu.sem_alloc : memref<!tpu.dma_semaphore, #tpu.memory_space<semaphore_mem>>
          %dma_start3A = arith.constant 0 : i32
          %dma_start3A_28 = tpu.memref_slice %arg6[%arg0, %add3A, %dma_start3A] : memref<2x10240x128xf32, #tpu.memory_space<hbm>> -> memref<1x16x128xf32, #tpu.memory_space<hbm>>
          %dma_start3A_29 = tpu.memref_squeeze %dma_start3A_28 : memref<1x16x128xf32, #tpu.memory_space<hbm>> -> memref<16x128xf32, #tpu.memory_space<hbm>>
          %dma_start3A_30 = arith.constant 0 : i32
          %dma_start3A_31 = tpu.memref_slice %arg11[%add3A, %dma_start3A_30] : memref<10240x128xf32, #tpu.memory_space<vmem_shared>> -> memref<16x128xf32, #tpu.memory_space<vmem_shared>>
          tpu.enqueue_dma source(%dma_start3A_31 : memref<16x128xf32, #tpu.memory_space<vmem_shared>>) target(%dma_start3A_29 : memref<16x128xf32, #tpu.memory_space<hbm>>) target_semaphore(%run_scoped3A : memref<!tpu.dma_semaphore, #tpu.memory_space<semaphore_mem>>)
          %dma_wait3A = arith.constant 0 : i32
          %dma_wait3A_32 = tpu.memref_slice %arg6[%arg0, %add3A, %dma_wait3A] : memref<2x10240x128xf32, #tpu.memory_space<hbm>> -> memref<1x16x128xf32, #tpu.memory_space<hbm>>
          %dma_wait3A_33 = tpu.memref_squeeze %dma_wait3A_32 : memref<1x16x128xf32, #tpu.memory_space<hbm>> -> memref<16x128xf32, #tpu.memory_space<hbm>>
          %dma_wait3A_34 = arith.constant 0 : i32
          %dma_wait3A_35 = tpu.memref_slice %arg11[%add3A, %dma_wait3A_34] : memref<10240x128xf32, #tpu.memory_space<vmem_shared>> -> memref<16x128xf32, #tpu.memory_space<vmem_shared>>
          tpu.wait_dma2 semaphore(%run_scoped3A : memref<!tpu.dma_semaphore, #tpu.memory_space<semaphore_mem>>) src(%dma_wait3A_35 : memref<16x128xf32, #tpu.memory_space<vmem_shared>>) dst(%dma_wait3A_33 : memref<16x128xf32, #tpu.memory_space<hbm>>)
          tpu.yield
        }) : () -> ()
      } else {
      }
    }
    %scan3A_18 = arith.constant 40 : i32
    return
  }
}

module attributes {stable_mosaic.version = 14 : i64} {
  func.func @_tc_prep_body(%arg0: i32, %arg1: i32, %arg2: memref<1x1280x256xf32, #tpu.memory_space<vmem>>, %arg3: memref<256x128xf32, #tpu.memory_space<vmem>>, %arg4: memref<1x1280x1xf32, #tpu.memory_space<vmem>>, %arg5: memref<1x1280x1xf32, #tpu.memory_space<vmem>>, %arg6: memref<1x1280x1xf32, #tpu.memory_space<vmem>>, %arg7: memref<1x1280x128xf32, #tpu.memory_space<vmem>>, %arg8: memref<1x1280x1xf32, #tpu.memory_space<vmem>>, %arg9: memref<1x1280x1xf32, #tpu.memory_space<vmem>>, %arg10: memref<1x1280x1xf32, #tpu.memory_space<vmem>>, %arg11: memref<1x1280x1xf32, #tpu.memory_space<vmem>>) attributes {dimension_semantics = [#tpu.dimension_semantics<arbitrary>, #tpu.dimension_semantics<arbitrary>], iteration_bounds = array<i64: 2, 8>, scalar_prefetch = 0 : i64, scratch_operands = 0 : i64, tpu.core_type = #tpu.core_type<tc>, window_params = [{transform_indices = @transform_0, window_bounds = array<i64: 1, 1280, 256>}, {pipeline_mode = #tpu.pipeline_mode<synchronous>, transform_indices = @transform_1, window_bounds = array<i64: 256, 128>}, {transform_indices = @transform_2, window_bounds = array<i64: 1, 1280, 1>}, {transform_indices = @transform_3, window_bounds = array<i64: 1, 1280, 1>}, {transform_indices = @transform_4, window_bounds = array<i64: 1, 1280, 1>}, {transform_indices = @transform_5, window_bounds = array<i64: 1, 1280, 128>}, {transform_indices = @transform_6, window_bounds = array<i64: 1, 1280, 1>}, {transform_indices = @transform_7, window_bounds = array<i64: 1, 1280, 1>}, {transform_indices = @transform_8, window_bounds = array<i64: 1, 1280, 1>}, {transform_indices = @transform_9, window_bounds = array<i64: 1, 1280, 1>}]} {
    %mul3A = arith.constant 1280 : i32
    %mul3A_0 = arith.muli %arg1, %mul3A : i32
    %iota3A = tpu.iota {dimensions = array<i32: 0>} : vector<1280x1xi32>
    %add3A = vector.broadcast %mul3A_0 : i32 to vector<1280x1xi32>
    %add3A_1 = arith.addi %add3A, %iota3A : vector<1280x1xi32>
    %get3A = arith.constant 0 : index
    %get3A_2 = arith.constant 0 : index
    %get3A_3 = arith.constant 0 : index
    %get3A_4 = vector.load %arg4[%get3A, %get3A_2, %get3A_3] : memref<1x1280x1xf32, #tpu.memory_space<vmem>>, vector<1x1280x1xf32>
    %get3A_5 = vector.shape_cast %get3A_4 : vector<1x1280x1xf32> to vector<1280x1xf32>
    %gt3A = arith.constant 0.000000e+00 : f32
    %gt3A_6 = vector.broadcast %gt3A : f32 to vector<1280x1xf32>
    %gt3A_7 = arith.cmpf ogt, %get3A_5, %gt3A_6 : vector<1280x1xf32>
    %rsqrt3A = math.rsqrt %get3A_5 : vector<1280x1xf32>
    %jit3A = arith.constant 0.000000e+00 : f32
    %broadcast_in_dim3A = vector.broadcast %jit3A : f32 to vector<1280x1xf32>
    %select_n3A = arith.select %gt3A_7, %rsqrt3A, %broadcast_in_dim3A : vector<1280x1xi1>, vector<1280x1xf32>
    %get3A_8 = arith.constant 0 : index
    %get3A_9 = arith.constant 0 : index
    %get3A_10 = arith.constant 0 : index
    %get3A_11 = vector.load %arg5[%get3A_8, %get3A_9, %get3A_10] : memref<1x1280x1xf32, #tpu.memory_space<vmem>>, vector<1x1280x1xf32>
    %get3A_12 = vector.shape_cast %get3A_11 : vector<1x1280x1xf32> to vector<1280x1xf32>
    %get3A_13 = arith.constant 0 : index
    %get3A_14 = arith.constant 0 : index
    %get3A_15 = arith.constant 0 : index
    %get3A_16 = vector.load %arg6[%get3A_13, %get3A_14, %get3A_15] : memref<1x1280x1xf32, #tpu.memory_space<vmem>>, vector<1x1280x1xf32>
    %get3A_17 = vector.shape_cast %get3A_16 : vector<1x1280x1xf32> to vector<1280x1xf32>
    %get3A_18 = arith.constant 0 : index
    %get3A_19 = arith.constant 0 : index
    %get3A_20 = arith.constant 0 : index
    %get3A_21 = vector.load %arg2[%get3A_18, %get3A_19, %get3A_20] : memref<1x1280x256xf32, #tpu.memory_space<vmem>>, vector<1x1280x256xf32>
    %get3A_22 = vector.shape_cast %get3A_21 : vector<1x1280x256xf32> to vector<1280x256xf32>
    %get3A_23 = arith.constant 0 : index
    %get3A_24 = arith.constant 0 : index
    %get3A_25 = vector.load %arg3[%get3A_23, %get3A_24] : memref<256x128xf32, #tpu.memory_space<vmem>>, vector<256x128xf32>
    %dot_general3A = arith.constant dense<0.000000e+00> : vector<1280x128xf32>
    %dot_general3A_26 = tpu.matmul %get3A_22, %get3A_25, %dot_general3A {dimension_numbers = #tpu.dot_dimension_numbers<[1], [0], [0], [1], [0, 0, 1, 1], [], []>, transpose_lhs_hint = false} : vector<1280x256xf32>, vector<256x128xf32>, vector<1280x128xf32> -> vector<1280x128xf32>
    %mul3A_27 = vector.broadcast %select_n3A : vector<1280x1xf32> to vector<1280x128xf32>
    %mul3A_28 = arith.mulf %dot_general3A_26, %mul3A_27 : vector<1280x128xf32>
    %swap3A = arith.constant 0 : index
    %swap3A_29 = arith.constant 0 : index
    %swap3A_30 = arith.constant 0 : index
    %swap3A_31 = vector.load %arg7[%swap3A, %swap3A_29, %swap3A_30] : memref<1x1280x128xf32, #tpu.memory_space<vmem>>, vector<1x1280x128xf32>
    %swap3A_32 = vector.shape_cast %swap3A_31 : vector<1x1280x128xf32> to vector<1280x128xf32>
    %swap3A_33 = vector.shape_cast %mul3A_28 : vector<1280x128xf32> to vector<1x1280x128xf32>
    tpu.vector_store %arg7[%swap3A, %swap3A_29, %swap3A_30], %swap3A_33 {strides = array<i32>} : memref<1x1280x128xf32, #tpu.memory_space<vmem>>, vector<1x1280x128xf32>,
    %swap3A_34 = arith.constant 0 : index
    %swap3A_35 = arith.constant 0 : index
    %swap3A_36 = arith.constant 0 : index
    %swap3A_37 = vector.load %arg8[%swap3A_34, %swap3A_35, %swap3A_36] : memref<1x1280x1xf32, #tpu.memory_space<vmem>>, vector<1x1280x1xf32>
    %swap3A_38 = vector.shape_cast %swap3A_37 : vector<1x1280x1xf32> to vector<1280x1xf32>
    %swap3A_39 = vector.shape_cast %select_n3A : vector<1280x1xf32> to vector<1x1280x1xf32>
    tpu.vector_store %arg8[%swap3A_34, %swap3A_35, %swap3A_36], %swap3A_39 {strides = array<i32>} : memref<1x1280x1xf32, #tpu.memory_space<vmem>>, vector<1x1280x1xf32>,
    %eq3A = arith.constant 0 : i32
    %eq3A_40 = vector.broadcast %eq3A : i32 to vector<1280x1xi32>
    %eq3A_41 = arith.cmpi eq, %add3A_1, %eq3A_40 : vector<1280x1xi32>
    %convert_element_type3A = arith.extui %eq3A_41 : vector<1280x1xi1> to vector<1280x1xi32>
    %convert_element_type3A_42 = arith.sitofp %convert_element_type3A : vector<1280x1xi32> to vector<1280x1xf32>
    %add3A_43 = arith.addf %get3A_12, %convert_element_type3A_42 : vector<1280x1xf32>
    %mul3A_44 = arith.mulf %select_n3A, %add3A_43 : vector<1280x1xf32>
    %swap3A_45 = arith.constant 0 : index
    %swap3A_46 = arith.constant 0 : index
    %swap3A_47 = arith.constant 0 : index
    %swap3A_48 = vector.load %arg9[%swap3A_45, %swap3A_46, %swap3A_47] : memref<1x1280x1xf32, #tpu.memory_space<vmem>>, vector<1x1280x1xf32>
    %swap3A_49 = vector.shape_cast %swap3A_48 : vector<1x1280x1xf32> to vector<1280x1xf32>
    %swap3A_50 = vector.shape_cast %mul3A_44 : vector<1280x1xf32> to vector<1x1280x1xf32>
    tpu.vector_store %arg9[%swap3A_45, %swap3A_46, %swap3A_47], %swap3A_50 {strides = array<i32>} : memref<1x1280x1xf32, #tpu.memory_space<vmem>>, vector<1x1280x1xf32>,
    %eq3A_51 = arith.constant 1 : i32
    %eq3A_52 = vector.broadcast %eq3A_51 : i32 to vector<1280x1xi32>
    %eq3A_53 = arith.cmpi eq, %add3A_1, %eq3A_52 : vector<1280x1xi32>
    %convert_element_type3A_54 = arith.extui %eq3A_53 : vector<1280x1xi1> to vector<1280x1xi32>
    %convert_element_type3A_55 = arith.sitofp %convert_element_type3A_54 : vector<1280x1xi32> to vector<1280x1xf32>
    %add3A_56 = arith.addf %get3A_17, %convert_element_type3A_55 : vector<1280x1xf32>
    %mul3A_57 = arith.mulf %select_n3A, %add3A_56 : vector<1280x1xf32>
    %swap3A_58 = arith.constant 0 : index
    %swap3A_59 = arith.constant 0 : index
    %swap3A_60 = arith.constant 0 : index
    %swap3A_61 = vector.load %arg10[%swap3A_58, %swap3A_59, %swap3A_60] : memref<1x1280x1xf32, #tpu.memory_space<vmem>>, vector<1x1280x1xf32>
    %swap3A_62 = vector.shape_cast %swap3A_61 : vector<1x1280x1xf32> to vector<1280x1xf32>
    %swap3A_63 = vector.shape_cast %mul3A_57 : vector<1280x1xf32> to vector<1x1280x1xf32>
    tpu.vector_store %arg10[%swap3A_58, %swap3A_59, %swap3A_60], %swap3A_63 {strides = array<i32>} : memref<1x1280x1xf32, #tpu.memory_space<vmem>>, vector<1x1280x1xf32>,
    %add3A_64 = arith.addf %get3A_12, %get3A_17 : vector<1280x1xf32>
    %gt3A_65 = arith.constant 0.000000e+00 : f32
    %gt3A_66 = vector.broadcast %gt3A_65 : f32 to vector<1280x1xf32>
    %gt3A_67 = arith.cmpf ogt, %add3A_64, %gt3A_66 : vector<1280x1xf32>
    %lt3A = arith.constant 2 : i32
    %lt3A_68 = vector.broadcast %lt3A : i32 to vector<1280x1xi32>
    %lt3A_69 = arith.cmpi slt, %add3A_1, %lt3A_68 : vector<1280x1xi32>
    %or3A = arith.ori %gt3A_67, %lt3A_69 : vector<1280x1xi1>
    %jit3A_70 = arith.constant 1.000000e+00 : f32
    %jit3A_71 = arith.constant 0.000000e+00 : f32
    %broadcast_in_dim3A_72 = vector.broadcast %jit3A_70 : f32 to vector<1280x1xf32>
    %broadcast_in_dim3A_73 = vector.broadcast %jit3A_71 : f32 to vector<1280x1xf32>
    %select_n3A_74 = arith.select %or3A, %broadcast_in_dim3A_72, %broadcast_in_dim3A_73 : vector<1280x1xi1>, vector<1280x1xf32>
    %swap3A_75 = arith.constant 0 : index
    %swap3A_76 = arith.constant 0 : index
    %swap3A_77 = arith.constant 0 : index
    %swap3A_78 = vector.load %arg11[%swap3A_75, %swap3A_76, %swap3A_77] : memref<1x1280x1xf32, #tpu.memory_space<vmem>>, vector<1x1280x1xf32>
    %swap3A_79 = vector.shape_cast %swap3A_78 : vector<1x1280x1xf32> to vector<1280x1xf32>
    %swap3A_80 = vector.shape_cast %select_n3A_74 : vector<1280x1xf32> to vector<1x1280x1xf32>
    tpu.vector_store %arg11[%swap3A_75, %swap3A_76, %swap3A_77], %swap3A_80 {strides = array<i32>} : memref<1x1280x1xf32, #tpu.memory_space<vmem>>, vector<1x1280x1xf32>,
    return
  }
  func.func @transform_0(%arg0: i32, %arg1: i32) -> (i32, i32, i32) {
    %c0_i32 = arith.constant 0 : i32
    %c0_i32_0 = arith.constant 0 : i32
    return %arg0, %arg1, %c0_i32 : i32, i32, i32
  }
  func.func @transform_1(%arg0: i32, %arg1: i32) -> (i32, i32) {
    %c0_i32 = arith.constant 0 : i32
    %c0_i32_0 = arith.constant 0 : i32
    %c0_i32_1 = arith.constant 0 : i32
    return %c0_i32, %c0_i32_0 : i32, i32
  }
  func.func @transform_2(%arg0: i32, %arg1: i32) -> (i32, i32, i32) {
    %c0_i32 = arith.constant 0 : i32
    %c0_i32_0 = arith.constant 0 : i32
    return %arg0, %arg1, %c0_i32 : i32, i32, i32
  }
  func.func @transform_3(%arg0: i32, %arg1: i32) -> (i32, i32, i32) {
    %c0_i32 = arith.constant 0 : i32
    %c0_i32_0 = arith.constant 0 : i32
    return %arg0, %arg1, %c0_i32 : i32, i32, i32
  }
  func.func @transform_4(%arg0: i32, %arg1: i32) -> (i32, i32, i32) {
    %c0_i32 = arith.constant 0 : i32
    %c0_i32_0 = arith.constant 0 : i32
    return %arg0, %arg1, %c0_i32 : i32, i32, i32
  }
  func.func @transform_5(%arg0: i32, %arg1: i32) -> (i32, i32, i32) {
    %c0_i32 = arith.constant 0 : i32
    %c0_i32_0 = arith.constant 0 : i32
    return %arg0, %arg1, %c0_i32 : i32, i32, i32
  }
  func.func @transform_6(%arg0: i32, %arg1: i32) -> (i32, i32, i32) {
    %c0_i32 = arith.constant 0 : i32
    %c0_i32_0 = arith.constant 0 : i32
    return %arg0, %arg1, %c0_i32 : i32, i32, i32
  }
  func.func @transform_7(%arg0: i32, %arg1: i32) -> (i32, i32, i32) {
    %c0_i32 = arith.constant 0 : i32
    %c0_i32_0 = arith.constant 0 : i32
    return %arg0, %arg1, %c0_i32 : i32, i32, i32
  }
  func.func @transform_8(%arg0: i32, %arg1: i32) -> (i32, i32, i32) {
    %c0_i32 = arith.constant 0 : i32
    %c0_i32_0 = arith.constant 0 : i32
    return %arg0, %arg1, %c0_i32 : i32, i32, i32
  }
  func.func @transform_9(%arg0: i32, %arg1: i32) -> (i32, i32, i32) {
    %c0_i32 = arith.constant 0 : i32
    %c0_i32_0 = arith.constant 0 : i32
    return %arg0, %arg1, %c0_i32 : i32, i32, i32
  }
}

module attributes {stable_mosaic.version = 14 : i64} {
  func.func @_tc_final_body(%arg0: i32, %arg1: i32, %arg2: memref<1x1280x128xf32, #tpu.memory_space<vmem>>, %arg3: memref<1x1280x1xf32, #tpu.memory_space<vmem>>, %arg4: memref<1x1280x1xf32, #tpu.memory_space<vmem>>, %arg5: memref<1x1280x1xf32, #tpu.memory_space<vmem>>, %arg6: memref<1x1280x1xf32, #tpu.memory_space<vmem>>, %arg7: memref<1x128xf32, #tpu.memory_space<vmem>>, %arg8: memref<128x128xf32, #tpu.memory_space<vmem>>, %arg9: memref<1x128xf32, #tpu.memory_space<vmem>>, %arg10: memref<2x128xf32, #tpu.memory_space<vmem>>, %arg11: memref<1x1xf32, #tpu.memory_space<vmem>>, %arg12: memref<1x128xf32, #tpu.memory_space<vmem>>, %arg13: memref<1x1xf32, #tpu.memory_space<vmem>>, %arg14: memref<32x128xf32, #tpu.memory_space<vmem>>, %arg15: memref<32x128xf32, #tpu.memory_space<vmem>>, %arg16: memref<32x128xf32, #tpu.memory_space<vmem>>, %arg17: memref<32x128xf32, #tpu.memory_space<vmem>>, %arg18: memref<32x128xf32, #tpu.memory_space<vmem>>, %arg19: memref<32x128xf32, #tpu.memory_space<vmem>>, %arg20: memref<8x128xf32, #tpu.memory_space<vmem>>, %arg21: memref<4x128xf32, #tpu.memory_space<vmem>>, %arg22: memref<4x1xf32, #tpu.memory_space<vmem>>) attributes {dimension_semantics = [#tpu.dimension_semantics<arbitrary>, #tpu.dimension_semantics<arbitrary>], iteration_bounds = array<i64: 2, 8>, scalar_prefetch = 0 : i64, scratch_operands = 2 : i64, tpu.core_type = #tpu.core_type<tc>, window_params = [{transform_indices = @transform_0, window_bounds = array<i64: 1, 1280, 128>}, {transform_indices = @transform_1, window_bounds = array<i64: 1, 1280, 1>}, {transform_indices = @transform_2, window_bounds = array<i64: 1, 1280, 1>}, {transform_indices = @transform_3, window_bounds = array<i64: 1, 1280, 1>}, {transform_indices = @transform_4, window_bounds = array<i64: 1, 1280, 1>}, {pipeline_mode = #tpu.pipeline_mode<synchronous>, transform_indices = @transform_5, window_bounds = array<i64: 1, 128>}, {pipeline_mode = #tpu.pipeline_mode<synchronous>, transform_indices = @transform_6, window_bounds = array<i64: 128, 128>}, {pipeline_mode = #tpu.pipeline_mode<synchronous>, transform_indices = @transform_7, window_bounds = array<i64: 1, 128>}, {pipeline_mode = #tpu.pipeline_mode<synchronous>, transform_indices = @transform_8, window_bounds = array<i64: 2, 128>}, {pipeline_mode = #tpu.pipeline_mode<synchronous>, transform_indices = @transform_9, window_bounds = array<i64: 1, 1>}, {pipeline_mode = #tpu.pipeline_mode<synchronous>, transform_indices = @transform_10, window_bounds = array<i64: 1, 128>}, {pipeline_mode = #tpu.pipeline_mode<synchronous>, transform_indices = @transform_11, window_bounds = array<i64: 1, 1>}, {pipeline_mode = #tpu.pipeline_mode<synchronous>, transform_indices = @transform_12, window_bounds = array<i64: 32, 128>}, {pipeline_mode = #tpu.pipeline_mode<synchronous>, transform_indices = @transform_13, window_bounds = array<i64: 32, 128>}, {pipeline_mode = #tpu.pipeline_mode<synchronous>, transform_indices = @transform_14, window_bounds = array<i64: 32, 128>}, {pipeline_mode = #tpu.pipeline_mode<synchronous>, transform_indices = @transform_15, window_bounds = array<i64: 32, 128>}, {pipeline_mode = #tpu.pipeline_mode<synchronous>, transform_indices = @transform_16, window_bounds = array<i64: 32, 128>}, {pipeline_mode = #tpu.pipeline_mode<synchronous>, transform_indices = @transform_17, window_bounds = array<i64: 32, 128>}, {pipeline_mode = #tpu.pipeline_mode<synchronous>, transform_indices = @transform_18, window_bounds = array<i64: 8, 128>}]} {
    %mul3A = arith.constant 2 : i32
    %mul3A_0 = arith.muli %arg0, %mul3A : i32
    %eq3A = arith.constant 0 : i32
    %eq3A_1 = arith.cmpi eq, %arg1, %eq3A : i32
    %convert_element_type3A = arith.extui %eq3A_1 : i1 to i32
    %cond3A = arith.constant 0 : i32
    %cond3A_2 = arith.cmpi ne, %convert_element_type3A, %cond3A : i32
    scf.if %cond3A_2 {
      %broadcast_in_dim3A_55 = arith.constant 0.000000e+00 : f32
      %broadcast_in_dim3A_56 = vector.broadcast %broadcast_in_dim3A_55 : f32 to vector<2x128xf32>
      %swap3A_57 = arith.index_cast %mul3A_0 : i32 to index
      %swap3A_58 = arith.constant 0 : index
      %swap3A_59 = vector.load %arg21[%swap3A_57, %swap3A_58] : memref<4x128xf32, #tpu.memory_space<vmem>>, vector<2x128xf32>
      tpu.vector_store %arg21[%swap3A_57, %swap3A_58], %broadcast_in_dim3A_56 {strides = array<i32>} : memref<4x128xf32, #tpu.memory_space<vmem>>, vector<2x128xf32>,
      %get3A_60 = arith.constant 0 : index
      %get3A_61 = arith.constant 0 : index
      %get3A_62 = arith.constant 0 : index
      %get3A_63 = vector.load %arg3[%get3A_60, %get3A_61, %get3A_62] : memref<1x1280x1xf32, #tpu.memory_space<vmem>>, vector<1x2x1xf32>
      %get3A_64 = vector.shape_cast %get3A_63 : vector<1x2x1xf32> to vector<2x1xf32>
      %swap3A_65 = arith.index_cast %mul3A_0 : i32 to index
      %swap3A_66 = arith.constant 0 : index
      %swap3A_67 = vector.load %arg22[%swap3A_65, %swap3A_66] : memref<4x1xf32, #tpu.memory_space<vmem>>, vector<2x1xf32>
      tpu.vector_store %arg22[%swap3A_65, %swap3A_66], %get3A_64 {strides = array<i32>} : memref<4x1xf32, #tpu.memory_space<vmem>>, vector<2x1xf32>,
    } else {
    }
    %get3A = arith.constant 0 : index
    %get3A_3 = arith.constant 0 : index
    %get3A_4 = arith.constant 0 : index
    %get3A_5 = vector.load %arg6[%get3A, %get3A_3, %get3A_4] : memref<1x1280x1xf32, #tpu.memory_space<vmem>>, vector<1x1280x1xf32>
    %get3A_6 = vector.shape_cast %get3A_5 : vector<1x1280x1xf32> to vector<1280x1xf32>
    %gt3A = arith.constant 0.000000e+00 : f32
    %gt3A_7 = vector.broadcast %gt3A : f32 to vector<1280x1xf32>
    %gt3A_8 = arith.cmpf ogt, %get3A_6, %gt3A_7 : vector<1280x1xf32>
    %get3A_9 = arith.constant 0 : index
    %get3A_10 = arith.constant 0 : index
    %get3A_11 = vector.load %arg7[%get3A_9, %get3A_10] : memref<1x128xf32, #tpu.memory_space<vmem>>, vector<1x128xf32>
    %get3A_12 = arith.constant 0 : index
    %get3A_13 = arith.constant 0 : index
    %get3A_14 = arith.constant 0 : index
    %get3A_15 = vector.load %arg3[%get3A_12, %get3A_13, %get3A_14] : memref<1x1280x1xf32, #tpu.memory_space<vmem>>, vector<1x1280x1xf32>
    %get3A_16 = vector.shape_cast %get3A_15 : vector<1x1280x1xf32> to vector<1280x1xf32>
    %get3A_17 = arith.constant 0 : index
    %get3A_18 = arith.constant 0 : index
    %get3A_19 = arith.constant 0 : index
    %get3A_20 = vector.load %arg2[%get3A_17, %get3A_18, %get3A_19] : memref<1x1280x128xf32, #tpu.memory_space<vmem>>, vector<1x1280x128xf32>
    %get3A_21 = vector.shape_cast %get3A_20 : vector<1x1280x128xf32> to vector<1280x128xf32>
    %mul3A_22 = vector.broadcast %get3A_16 : vector<1280x1xf32> to vector<1280x128xf32>
    %mul3A_23 = arith.mulf %mul3A_22, %get3A_21 : vector<1280x128xf32>
    %add3A = vector.broadcast %get3A_11 : vector<1x128xf32> to vector<1280x128xf32>
    %add3A_24 = arith.addf %add3A, %mul3A_23 : vector<1280x128xf32>
    %max3A = arith.constant 0.000000e+00 : f32
    %max3A_25 = vector.broadcast %max3A : f32 to vector<1280x128xf32>
    %max3A_26 = arith.maximumf %add3A_24, %max3A_25 : vector<1280x128xf32>
    %jit3A = arith.constant 0.000000e+00 : f32
    %broadcast_in_dim3A = vector.shape_cast %gt3A_8 : vector<1280x1xi1> to vector<1280x1xi1>
    %broadcast_in_dim3A_27 = vector.broadcast %broadcast_in_dim3A : vector<1280x1xi1> to vector<1280x128xi1>
    %broadcast_in_dim3A_28 = vector.broadcast %jit3A : f32 to vector<1280x128xf32>
    %select_n3A = arith.select %broadcast_in_dim3A_27, %max3A_26, %broadcast_in_dim3A_28 : vector<1280x128xi1>, vector<1280x128xf32>
    %get3A_29 = arith.constant 0 : index
    %get3A_30 = arith.constant 0 : index
    %get3A_31 = arith.constant 0 : index
    %get3A_32 = vector.load %arg4[%get3A_29, %get3A_30, %get3A_31] : memref<1x1280x1xf32, #tpu.memory_space<vmem>>, vector<1x1280x1xf32>
    %get3A_33 = vector.shape_cast %get3A_32 : vector<1x1280x1xf32> to vector<1280x1xf32>
    %dot_general3A = arith.constant dense<0.000000e+00> : vector<1x128xf32>
    %dot_general3A_34 = tpu.matmul %get3A_33, %select_n3A, %dot_general3A {dimension_numbers = #tpu.dot_dimension_numbers<[0], [0], [1], [1], [0, 1, 1, 1], [], []>, transpose_lhs_hint = false} : vector<1280x1xf32>, vector<1280x128xf32>, vector<1x128xf32> -> vector<1x128xf32>
    %get3A_35 = arith.constant 0 : index
    %get3A_36 = arith.constant 0 : index
    %get3A_37 = arith.constant 0 : index
    %get3A_38 = vector.load %arg5[%get3A_35, %get3A_36, %get3A_37] : memref<1x1280x1xf32, #tpu.memory_space<vmem>>, vector<1x1280x1xf32>
    %get3A_39 = vector.shape_cast %get3A_38 : vector<1x1280x1xf32> to vector<1280x1xf32>
    %dot_general3A_40 = arith.constant dense<0.000000e+00> : vector<1x128xf32>
    %dot_general3A_41 = tpu.matmul %get3A_39, %select_n3A, %dot_general3A_40 {dimension_numbers = #tpu.dot_dimension_numbers<[0], [0], [1], [1], [0, 1, 1, 1], [], []>, transpose_lhs_hint = false} : vector<1280x1xf32>, vector<1280x128xf32>, vector<1x128xf32> -> vector<1x128xf32>
    %concatenate3A = tpu.concatenate %dot_general3A_34, %dot_general3A_41 in 0 : vector<1x128xf32>, vector<1x128xf32> -> vector<2x128xf32>
    %get3A_42 = arith.index_cast %mul3A_0 : i32 to index
    %get3A_43 = arith.constant 0 : index
    %get3A_44 = vector.load %arg21[%get3A_42, %get3A_43] : memref<4x128xf32, #tpu.memory_space<vmem>>, vector<2x128xf32>
    %add3A_45 = arith.addf %get3A_44, %concatenate3A : vector<2x128xf32>
    %swap3A = arith.index_cast %mul3A_0 : i32 to index
    %swap3A_46 = arith.constant 0 : index
    %swap3A_47 = vector.load %arg21[%swap3A, %swap3A_46] : memref<4x128xf32, #tpu.memory_space<vmem>>, vector<2x128xf32>
    tpu.vector_store %arg21[%swap3A, %swap3A_46], %add3A_45 {strides = array<i32>} : memref<4x128xf32, #tpu.memory_space<vmem>>, vector<2x128xf32>,
    %eq3A_48 = arith.constant 1 : i32
    %eq3A_49 = arith.cmpi eq, %arg0, %eq3A_48 : i32
    %eq3A_50 = arith.constant 7 : i32
    %eq3A_51 = arith.cmpi eq, %arg1, %eq3A_50 : i32
    %and3A = arith.andi %eq3A_49, %eq3A_51 : i1
    %convert_element_type3A_52 = arith.extui %and3A : i1 to i32
    %cond3A_53 = arith.constant 0 : i32
    %cond3A_54 = arith.cmpi ne, %convert_element_type3A_52, %cond3A_53 : i32
    scf.if %cond3A_54 {
      %get3A_55 = arith.constant 0 : index
      %get3A_56 = arith.constant 0 : index
      %get3A_57 = vector.load %arg22[%get3A_55, %get3A_56] : memref<4x1xf32, #tpu.memory_space<vmem>>, vector<4x1xf32>
      %get3A_58 = arith.constant 0 : index
      %get3A_59 = arith.constant 0 : index
      %get3A_60 = vector.load %arg21[%get3A_58, %get3A_59] : memref<4x128xf32, #tpu.memory_space<vmem>>, vector<4x128xf32>
      %get3A_61 = arith.constant 0 : index
      %get3A_62 = arith.constant 0 : index
      %get3A_63 = vector.load %arg8[%get3A_61, %get3A_62] : memref<128x128xf32, #tpu.memory_space<vmem>>, vector<128x128xf32>
      %dot_general3A_64 = arith.constant dense<0.000000e+00> : vector<4x128xf32>
      %dot_general3A_65 = tpu.matmul %get3A_60, %get3A_63, %dot_general3A_64 {dimension_numbers = #tpu.dot_dimension_numbers<[1], [0], [0], [1], [0, 0, 1, 1], [], []>, transpose_lhs_hint = false} : vector<4x128xf32>, vector<128x128xf32>, vector<4x128xf32> -> vector<4x128xf32>
      %mul3A_66 = vector.broadcast %get3A_57 : vector<4x1xf32> to vector<4x128xf32>
      %mul3A_67 = arith.mulf %mul3A_66, %dot_general3A_65 : vector<4x128xf32>
      %get3A_68 = arith.constant 0 : index
      %get3A_69 = arith.constant 0 : index
      %get3A_70 = vector.load %arg9[%get3A_68, %get3A_69] : memref<1x128xf32, #tpu.memory_space<vmem>>, vector<1x128xf32>
      %add3A_71 = vector.broadcast %get3A_70 : vector<1x128xf32> to vector<4x128xf32>
      %add3A_72 = arith.addf %mul3A_67, %add3A_71 : vector<4x128xf32>
      %get3A_73 = arith.constant 0 : index
      %get3A_74 = arith.constant 0 : index
      %get3A_75 = vector.load %arg10[%get3A_73, %get3A_74] : memref<2x128xf32, #tpu.memory_space<vmem>>, vector<1x128xf32>
      %mul3A_76 = vector.broadcast %get3A_75 : vector<1x128xf32> to vector<4x128xf32>
      %mul3A_77 = arith.mulf %add3A_72, %mul3A_76 : vector<4x128xf32>
      %reduce_sum3A = arith.constant dense<0.000000e+00> : vector<4xf32>
      %reduce_sum3A_78 = vector.multi_reduction <add>, %mul3A_77, %reduce_sum3A [1] : vector<4x128xf32> to vector<4xf32>
      %broadcast_in_dim3A_79 = vector.shape_cast %reduce_sum3A_78 : vector<4xf32> to vector<4x1xf32>
      %get3A_80 = arith.constant 1 : index
      %get3A_81 = arith.constant 0 : index
      %get3A_82 = vector.load %arg10[%get3A_80, %get3A_81] : memref<2x128xf32, #tpu.memory_space<vmem>>, vector<1x128xf32>
      %mul3A_83 = vector.broadcast %get3A_82 : vector<1x128xf32> to vector<4x128xf32>
      %mul3A_84 = arith.mulf %add3A_72, %mul3A_83 : vector<4x128xf32>
      %reduce_sum3A_85 = arith.constant dense<0.000000e+00> : vector<4xf32>
      %reduce_sum3A_86 = vector.multi_reduction <add>, %mul3A_84, %reduce_sum3A_85 [1] : vector<4x128xf32> to vector<4xf32>
      %broadcast_in_dim3A_87 = vector.shape_cast %reduce_sum3A_86 : vector<4xf32> to vector<4x1xf32>
      %get3A_88 = arith.constant 0 : index
      %get3A_89 = arith.constant 0 : index
      %get3A_90 = vector.load %arg12[%get3A_88, %get3A_89] : memref<1x128xf32, #tpu.memory_space<vmem>>, vector<1x128xf32>
      %mul3A_91 = vector.broadcast %get3A_90 : vector<1x128xf32> to vector<4x128xf32>
      %mul3A_92 = arith.mulf %add3A_72, %mul3A_91 : vector<4x128xf32>
      %reduce_sum3A_93 = arith.constant dense<0.000000e+00> : vector<4xf32>
      %reduce_sum3A_94 = vector.multi_reduction <add>, %mul3A_92, %reduce_sum3A_93 [1] : vector<4x128xf32> to vector<4xf32>
      %broadcast_in_dim3A_95 = vector.shape_cast %reduce_sum3A_94 : vector<4xf32> to vector<4x1xf32>
      %get3A_96 = arith.constant 0 : index
      %get3A_97 = arith.constant 0 : index
      %get3A_98 = vector.load %arg13[%get3A_96, %get3A_97] : memref<1x1xf32, #tpu.memory_space<vmem>>, vector<1x1xf32>
      %add3A_99 = vector.broadcast %get3A_98 : vector<1x1xf32> to vector<4x1xf32>
      %add3A_100 = arith.addf %broadcast_in_dim3A_95, %add3A_99 : vector<4x1xf32>
      %logistic3A = arith.negf %add3A_100 : vector<4x1xf32>
      %logistic3A_101 = math.exp %logistic3A : vector<4x1xf32>
      %logistic3A_102 = arith.constant 1.000000e+00 : f32
      %logistic3A_103 = vector.broadcast %logistic3A_102 : f32 to vector<4x1xf32>
      %logistic3A_104 = arith.addf %logistic3A_103, %logistic3A_101 : vector<4x1xf32>
      %logistic3A_105 = arith.divf %logistic3A_103, %logistic3A_104 : vector<4x1xf32>
      %jit3A_106 = arith.constant 9.99999996E-13 : f32
      %jit3A_107 = arith.constant 1.000000e+00 : f32
      %max3A_108 = vector.broadcast %jit3A_106 : f32 to vector<4x1xf32>
      %max3A_109 = arith.maximumf %max3A_108, %logistic3A_105 : vector<4x1xf32>
      %min3A = vector.broadcast %jit3A_107 : f32 to vector<4x1xf32>
      %min3A_110 = arith.minimumf %min3A, %max3A_109 : vector<4x1xf32>
      %log3A = math.log %min3A_110 : vector<4x1xf32>
      %sub3A = arith.constant 1.000000e+00 : f32
      %sub3A_111 = vector.broadcast %sub3A : f32 to vector<4x1xf32>
      %sub3A_112 = arith.subf %sub3A_111, %logistic3A_105 : vector<4x1xf32>
      %jit3A_113 = arith.constant 9.99999996E-13 : f32
      %jit3A_114 = arith.constant 1.000000e+00 : f32
      %max3A_115 = vector.broadcast %jit3A_113 : f32 to vector<4x1xf32>
      %max3A_116 = arith.maximumf %max3A_115, %sub3A_112 : vector<4x1xf32>
      %min3A_117 = vector.broadcast %jit3A_114 : f32 to vector<4x1xf32>
      %min3A_118 = arith.minimumf %min3A_117, %max3A_116 : vector<4x1xf32>
      %log3A_119 = math.log %min3A_118 : vector<4x1xf32>
      %get3A_120 = arith.constant 0 : index
      %get3A_121 = arith.constant 0 : index
      %get3A_122 = vector.load %arg14[%get3A_120, %get3A_121] : memref<32x128xf32, #tpu.memory_space<vmem>>, vector<32x128xf32>
      %get3A_123 = arith.constant 0 : index
      %get3A_124 = arith.constant 0 : index
      %get3A_125 = vector.load %arg15[%get3A_123, %get3A_124] : memref<32x128xf32, #tpu.memory_space<vmem>>, vector<32x128xf32>
      %get3A_126 = arith.constant 0 : index
      %get3A_127 = arith.constant 0 : index
      %get3A_128 = vector.load %arg16[%get3A_126, %get3A_127] : memref<32x128xf32, #tpu.memory_space<vmem>>, vector<32x128xf32>
      %slice3A = vector.extract_strided_slice %broadcast_in_dim3A_79 {offsets = [0, 0], sizes = [1, 1], strides = [1, 1]} : vector<4x1xf32> to vector<1x1xf32>
      %slice3A_129 = vector.extract_strided_slice %broadcast_in_dim3A_79 {offsets = [1, 0], sizes = [1, 1], strides = [1, 1]} : vector<4x1xf32> to vector<1x1xf32>
      %slice3A_130 = vector.extract_strided_slice %broadcast_in_dim3A_87 {offsets = [0, 0], sizes = [1, 1], strides = [1, 1]} : vector<4x1xf32> to vector<1x1xf32>
      %slice3A_131 = vector.extract_strided_slice %broadcast_in_dim3A_87 {offsets = [1, 0], sizes = [1, 1], strides = [1, 1]} : vector<4x1xf32> to vector<1x1xf32>
      %add3A_132 = arith.addf %slice3A, %slice3A_130 : vector<1x1xf32>
      %add3A_133 = arith.addf %slice3A, %slice3A_131 : vector<1x1xf32>
      %add3A_134 = arith.addf %slice3A_129, %slice3A_130 : vector<1x1xf32>
      %add3A_135 = arith.addf %slice3A_129, %slice3A_131 : vector<1x1xf32>
      %concatenate3A_136 = tpu.concatenate %add3A_132, %add3A_133, %add3A_134, %add3A_135 in 0 : vector<1x1xf32>, vector<1x1xf32>, vector<1x1xf32>, vector<1x1xf32> -> vector<4x1xf32>
      %get3A_137 = arith.constant 0 : index
      %get3A_138 = arith.constant 0 : index
      %get3A_139 = vector.load %arg11[%get3A_137, %get3A_138] : memref<1x1xf32, #tpu.memory_space<vmem>>, vector<1x1xf32>
      %add3A_140 = vector.broadcast %get3A_139 : vector<1x1xf32> to vector<4x1xf32>
      %add3A_141 = arith.addf %concatenate3A_136, %add3A_140 : vector<4x1xf32>
      %logistic3A_142 = arith.negf %add3A_141 : vector<4x1xf32>
      %logistic3A_143 = math.exp %logistic3A_142 : vector<4x1xf32>
      %logistic3A_144 = arith.constant 1.000000e+00 : f32
      %logistic3A_145 = vector.broadcast %logistic3A_144 : f32 to vector<4x1xf32>
      %logistic3A_146 = arith.addf %logistic3A_145, %logistic3A_143 : vector<4x1xf32>
      %logistic3A_147 = arith.divf %logistic3A_145, %logistic3A_146 : vector<4x1xf32>
      %jit3A_148 = arith.constant 9.99999996E-13 : f32
      %jit3A_149 = arith.constant 1.000000e+00 : f32
      %max3A_150 = vector.broadcast %jit3A_148 : f32 to vector<4x1xf32>
      %max3A_151 = arith.maximumf %max3A_150, %logistic3A_147 : vector<4x1xf32>
      %min3A_152 = vector.broadcast %jit3A_149 : f32 to vector<4x1xf32>
      %min3A_153 = arith.minimumf %min3A_152, %max3A_151 : vector<4x1xf32>
      %log3A_154 = math.log %min3A_153 : vector<4x1xf32>
      %sub3A_155 = arith.constant 1.000000e+00 : f32
      %sub3A_156 = vector.broadcast %sub3A_155 : f32 to vector<4x1xf32>
      %sub3A_157 = arith.subf %sub3A_156, %logistic3A_147 : vector<4x1xf32>
      %jit3A_158 = arith.constant 9.99999996E-13 : f32
      %jit3A_159 = arith.constant 1.000000e+00 : f32
      %max3A_160 = vector.broadcast %jit3A_158 : f32 to vector<4x1xf32>
      %max3A_161 = arith.maximumf %max3A_160, %sub3A_157 : vector<4x1xf32>
      %min3A_162 = vector.broadcast %jit3A_159 : f32 to vector<4x1xf32>
      %min3A_163 = arith.minimumf %min3A_162, %max3A_161 : vector<4x1xf32>
      %log3A_164 = math.log %min3A_163 : vector<4x1xf32>
      %sub3A_165 = arith.constant 1.000000e+00 : f32
      %sub3A_166 = vector.broadcast %sub3A_165 : f32 to vector<32x128xf32>
      %sub3A_167 = arith.subf %sub3A_166, %get3A_122 : vector<32x128xf32>
      %sub3A_168 = arith.constant 1.000000e+00 : f32
      %sub3A_169 = vector.broadcast %sub3A_168 : f32 to vector<32x128xf32>
      %sub3A_170 = arith.subf %sub3A_169, %get3A_125 : vector<32x128xf32>
      %mul3A_171 = arith.mulf %sub3A_167, %sub3A_170 : vector<32x128xf32>
      %mul3A_172 = arith.mulf %mul3A_171, %get3A_128 : vector<32x128xf32>
      %reduce_sum3A_173 = vector.shape_cast %mul3A_172 : vector<32x128xf32> to vector<1x32x128xf32>
      %reduce_sum3A_174 = arith.constant dense<0.000000e+00> : vector<1xf32>
      %reduce_sum3A_175 = vector.multi_reduction <add>, %reduce_sum3A_173, %reduce_sum3A_174 [1, 2] : vector<1x32x128xf32> to vector<1xf32>
      %reduce_sum3A_176 = vector.shape_cast %reduce_sum3A_175 : vector<1xf32> to vector<1x1x1xf32>
      %reduce_sum3A_177 = vector.extract %reduce_sum3A_176[0, 0, 0] : f32 from vector<1x1x1xf32>
      %broadcast_in_dim3A_178 = vector.broadcast %reduce_sum3A_177 : f32 to vector<1x1xf32>
      %sub3A_179 = arith.constant 1.000000e+00 : f32
      %sub3A_180 = vector.broadcast %sub3A_179 : f32 to vector<32x128xf32>
      %sub3A_181 = arith.subf %sub3A_180, %get3A_122 : vector<32x128xf32>
      %mul3A_182 = arith.mulf %sub3A_181, %get3A_125 : vector<32x128xf32>
      %mul3A_183 = arith.mulf %mul3A_182, %get3A_128 : vector<32x128xf32>
      %reduce_sum3A_184 = vector.shape_cast %mul3A_183 : vector<32x128xf32> to vector<1x32x128xf32>
      %reduce_sum3A_185 = arith.constant dense<0.000000e+00> : vector<1xf32>
      %reduce_sum3A_186 = vector.multi_reduction <add>, %reduce_sum3A_184, %reduce_sum3A_185 [1, 2] : vector<1x32x128xf32> to vector<1xf32>
      %reduce_sum3A_187 = vector.shape_cast %reduce_sum3A_186 : vector<1xf32> to vector<1x1x1xf32>
      %reduce_sum3A_188 = vector.extract %reduce_sum3A_187[0, 0, 0] : f32 from vector<1x1x1xf32>
      %broadcast_in_dim3A_189 = vector.broadcast %reduce_sum3A_188 : f32 to vector<1x1xf32>
      %sub3A_190 = arith.constant 1.000000e+00 : f32
      %sub3A_191 = vector.broadcast %sub3A_190 : f32 to vector<32x128xf32>
      %sub3A_192 = arith.subf %sub3A_191, %get3A_125 : vector<32x128xf32>
      %mul3A_193 = arith.mulf %get3A_122, %sub3A_192 : vector<32x128xf32>
      %mul3A_194 = arith.mulf %mul3A_193, %get3A_128 : vector<32x128xf32>
      %reduce_sum3A_195 = vector.shape_cast %mul3A_194 : vector<32x128xf32> to vector<1x32x128xf32>
      %reduce_sum3A_196 = arith.constant dense<0.000000e+00> : vector<1xf32>
      %reduce_sum3A_197 = vector.multi_reduction <add>, %reduce_sum3A_195, %reduce_sum3A_196 [1, 2] : vector<1x32x128xf32> to vector<1xf32>
      %reduce_sum3A_198 = vector.shape_cast %reduce_sum3A_197 : vector<1xf32> to vector<1x1x1xf32>
      %reduce_sum3A_199 = vector.extract %reduce_sum3A_198[0, 0, 0] : f32 from vector<1x1x1xf32>
      %broadcast_in_dim3A_200 = vector.broadcast %reduce_sum3A_199 : f32 to vector<1x1xf32>
      %mul3A_201 = arith.mulf %get3A_122, %get3A_125 : vector<32x128xf32>
      %mul3A_202 = arith.mulf %mul3A_201, %get3A_128 : vector<32x128xf32>
      %reduce_sum3A_203 = vector.shape_cast %mul3A_202 : vector<32x128xf32> to vector<1x32x128xf32>
      %reduce_sum3A_204 = arith.constant dense<0.000000e+00> : vector<1xf32>
      %reduce_sum3A_205 = vector.multi_reduction <add>, %reduce_sum3A_203, %reduce_sum3A_204 [1, 2] : vector<1x32x128xf32> to vector<1xf32>
      %reduce_sum3A_206 = vector.shape_cast %reduce_sum3A_205 : vector<1xf32> to vector<1x1x1xf32>
      %reduce_sum3A_207 = vector.extract %reduce_sum3A_206[0, 0, 0] : f32 from vector<1x1x1xf32>
      %broadcast_in_dim3A_208 = vector.broadcast %reduce_sum3A_207 : f32 to vector<1x1xf32>
      %concatenate3A_209 = tpu.concatenate %broadcast_in_dim3A_178, %broadcast_in_dim3A_189, %broadcast_in_dim3A_200, %broadcast_in_dim3A_208 in 0 : vector<1x1xf32>, vector<1x1xf32>, vector<1x1xf32>, vector<1x1xf32> -> vector<4x1xf32>
      %sub3A_210 = arith.constant 1.000000e+00 : f32
      %sub3A_211 = vector.broadcast %sub3A_210 : f32 to vector<32x128xf32>
      %sub3A_212 = arith.subf %sub3A_211, %get3A_122 : vector<32x128xf32>
      %sub3A_213 = arith.constant 1.000000e+00 : f32
      %sub3A_214 = vector.broadcast %sub3A_213 : f32 to vector<32x128xf32>
      %sub3A_215 = arith.subf %sub3A_214, %get3A_125 : vector<32x128xf32>
      %mul3A_216 = arith.mulf %sub3A_212, %sub3A_215 : vector<32x128xf32>
      %sub3A_217 = arith.constant 1.000000e+00 : f32
      %sub3A_218 = vector.broadcast %sub3A_217 : f32 to vector<32x128xf32>
      %sub3A_219 = arith.subf %sub3A_218, %get3A_128 : vector<32x128xf32>
      %mul3A_220 = arith.mulf %mul3A_216, %sub3A_219 : vector<32x128xf32>
      %reduce_sum3A_221 = vector.shape_cast %mul3A_220 : vector<32x128xf32> to vector<1x32x128xf32>
      %reduce_sum3A_222 = arith.constant dense<0.000000e+00> : vector<1xf32>
      %reduce_sum3A_223 = vector.multi_reduction <add>, %reduce_sum3A_221, %reduce_sum3A_222 [1, 2] : vector<1x32x128xf32> to vector<1xf32>
      %reduce_sum3A_224 = vector.shape_cast %reduce_sum3A_223 : vector<1xf32> to vector<1x1x1xf32>
      %reduce_sum3A_225 = vector.extract %reduce_sum3A_224[0, 0, 0] : f32 from vector<1x1x1xf32>
      %broadcast_in_dim3A_226 = vector.broadcast %reduce_sum3A_225 : f32 to vector<1x1xf32>
      %sub3A_227 = arith.constant 1.000000e+00 : f32
      %sub3A_228 = vector.broadcast %sub3A_227 : f32 to vector<32x128xf32>
      %sub3A_229 = arith.subf %sub3A_228, %get3A_122 : vector<32x128xf32>
      %mul3A_230 = arith.mulf %sub3A_229, %get3A_125 : vector<32x128xf32>
      %sub3A_231 = arith.constant 1.000000e+00 : f32
      %sub3A_232 = vector.broadcast %sub3A_231 : f32 to vector<32x128xf32>
      %sub3A_233 = arith.subf %sub3A_232, %get3A_128 : vector<32x128xf32>
      %mul3A_234 = arith.mulf %mul3A_230, %sub3A_233 : vector<32x128xf32>
      %reduce_sum3A_235 = vector.shape_cast %mul3A_234 : vector<32x128xf32> to vector<1x32x128xf32>
      %reduce_sum3A_236 = arith.constant dense<0.000000e+00> : vector<1xf32>
      %reduce_sum3A_237 = vector.multi_reduction <add>, %reduce_sum3A_235, %reduce_sum3A_236 [1, 2] : vector<1x32x128xf32> to vector<1xf32>
      %reduce_sum3A_238 = vector.shape_cast %reduce_sum3A_237 : vector<1xf32> to vector<1x1x1xf32>
      %reduce_sum3A_239 = vector.extract %reduce_sum3A_238[0, 0, 0] : f32 from vector<1x1x1xf32>
      %broadcast_in_dim3A_240 = vector.broadcast %reduce_sum3A_239 : f32 to vector<1x1xf32>
      %sub3A_241 = arith.constant 1.000000e+00 : f32
      %sub3A_242 = vector.broadcast %sub3A_241 : f32 to vector<32x128xf32>
      %sub3A_243 = arith.subf %sub3A_242, %get3A_125 : vector<32x128xf32>
      %mul3A_244 = arith.mulf %get3A_122, %sub3A_243 : vector<32x128xf32>
      %sub3A_245 = arith.constant 1.000000e+00 : f32
      %sub3A_246 = vector.broadcast %sub3A_245 : f32 to vector<32x128xf32>
      %sub3A_247 = arith.subf %sub3A_246, %get3A_128 : vector<32x128xf32>
      %mul3A_248 = arith.mulf %mul3A_244, %sub3A_247 : vector<32x128xf32>
      %reduce_sum3A_249 = vector.shape_cast %mul3A_248 : vector<32x128xf32> to vector<1x32x128xf32>
      %reduce_sum3A_250 = arith.constant dense<0.000000e+00> : vector<1xf32>
      %reduce_sum3A_251 = vector.multi_reduction <add>, %reduce_sum3A_249, %reduce_sum3A_250 [1, 2] : vector<1x32x128xf32> to vector<1xf32>
      %reduce_sum3A_252 = vector.shape_cast %reduce_sum3A_251 : vector<1xf32> to vector<1x1x1xf32>
      %reduce_sum3A_253 = vector.extract %reduce_sum3A_252[0, 0, 0] : f32 from vector<1x1x1xf32>
      %broadcast_in_dim3A_254 = vector.broadcast %reduce_sum3A_253 : f32 to vector<1x1xf32>
      %mul3A_255 = arith.mulf %get3A_122, %get3A_125 : vector<32x128xf32>
      %sub3A_256 = arith.constant 1.000000e+00 : f32
      %sub3A_257 = vector.broadcast %sub3A_256 : f32 to vector<32x128xf32>
      %sub3A_258 = arith.subf %sub3A_257, %get3A_128 : vector<32x128xf32>
      %mul3A_259 = arith.mulf %mul3A_255, %sub3A_258 : vector<32x128xf32>
      %reduce_sum3A_260 = vector.shape_cast %mul3A_259 : vector<32x128xf32> to vector<1x32x128xf32>
      %reduce_sum3A_261 = arith.constant dense<0.000000e+00> : vector<1xf32>
      %reduce_sum3A_262 = vector.multi_reduction <add>, %reduce_sum3A_260, %reduce_sum3A_261 [1, 2] : vector<1x32x128xf32> to vector<1xf32>
      %reduce_sum3A_263 = vector.shape_cast %reduce_sum3A_262 : vector<1xf32> to vector<1x1x1xf32>
      %reduce_sum3A_264 = vector.extract %reduce_sum3A_263[0, 0, 0] : f32 from vector<1x1x1xf32>
      %broadcast_in_dim3A_265 = vector.broadcast %reduce_sum3A_264 : f32 to vector<1x1xf32>
      %concatenate3A_266 = tpu.concatenate %broadcast_in_dim3A_226, %broadcast_in_dim3A_240, %broadcast_in_dim3A_254, %broadcast_in_dim3A_265 in 0 : vector<1x1xf32>, vector<1x1xf32>, vector<1x1xf32>, vector<1x1xf32> -> vector<4x1xf32>
      %mul3A_267 = arith.mulf %concatenate3A_209, %log3A_154 : vector<4x1xf32>
      %mul3A_268 = arith.mulf %concatenate3A_266, %log3A_164 : vector<4x1xf32>
      %add3A_269 = arith.addf %mul3A_267, %mul3A_268 : vector<4x1xf32>
      %reduce_sum3A_270 = vector.shape_cast %add3A_269 : vector<4x1xf32> to vector<1x4x1xf32>
      %reduce_sum3A_271 = arith.constant dense<0.000000e+00> : vector<1xf32>
      %reduce_sum3A_272 = vector.multi_reduction <add>, %reduce_sum3A_270, %reduce_sum3A_271 [1, 2] : vector<1x4x1xf32> to vector<1xf32>
      %reduce_sum3A_273 = vector.shape_cast %reduce_sum3A_272 : vector<1xf32> to vector<1x1x1xf32>
      %reduce_sum3A_274 = vector.extract %reduce_sum3A_273[0, 0, 0] : f32 from vector<1x1x1xf32>
      %div3A = arith.constant 4.096000e+03 : f32
      %div3A_275 = arith.divf %reduce_sum3A_274, %div3A : f32
      %sub3A_276 = arith.constant 0.000000e+00 : f32
      %sub3A_277 = arith.subf %sub3A_276, %div3A_275 : f32
      %sub3A_278 = arith.constant 1.000000e+00 : f32
      %sub3A_279 = vector.broadcast %sub3A_278 : f32 to vector<32x128xf32>
      %sub3A_280 = arith.subf %sub3A_279, %get3A_122 : vector<32x128xf32>
      %reduce_sum3A_281 = vector.shape_cast %sub3A_280 : vector<32x128xf32> to vector<1x32x128xf32>
      %reduce_sum3A_282 = arith.constant dense<0.000000e+00> : vector<1xf32>
      %reduce_sum3A_283 = vector.multi_reduction <add>, %reduce_sum3A_281, %reduce_sum3A_282 [1, 2] : vector<1x32x128xf32> to vector<1xf32>
      %reduce_sum3A_284 = vector.shape_cast %reduce_sum3A_283 : vector<1xf32> to vector<1x1x1xf32>
      %reduce_sum3A_285 = vector.extract %reduce_sum3A_284[0, 0, 0] : f32 from vector<1x1x1xf32>
      %sub3A_286 = arith.constant 1.000000e+00 : f32
      %sub3A_287 = vector.broadcast %sub3A_286 : f32 to vector<32x128xf32>
      %sub3A_288 = arith.subf %sub3A_287, %get3A_125 : vector<32x128xf32>
      %reduce_sum3A_289 = vector.shape_cast %sub3A_288 : vector<32x128xf32> to vector<1x32x128xf32>
      %reduce_sum3A_290 = arith.constant dense<0.000000e+00> : vector<1xf32>
      %reduce_sum3A_291 = vector.multi_reduction <add>, %reduce_sum3A_289, %reduce_sum3A_290 [1, 2] : vector<1x32x128xf32> to vector<1xf32>
      %reduce_sum3A_292 = vector.shape_cast %reduce_sum3A_291 : vector<1xf32> to vector<1x1x1xf32>
      %reduce_sum3A_293 = vector.extract %reduce_sum3A_292[0, 0, 0] : f32 from vector<1x1x1xf32>
      %add3A_294 = arith.addf %reduce_sum3A_285, %reduce_sum3A_293 : f32
      %reduce_sum3A_295 = vector.shape_cast %get3A_122 : vector<32x128xf32> to vector<1x32x128xf32>
      %reduce_sum3A_296 = arith.constant dense<0.000000e+00> : vector<1xf32>
      %reduce_sum3A_297 = vector.multi_reduction <add>, %reduce_sum3A_295, %reduce_sum3A_296 [1, 2] : vector<1x32x128xf32> to vector<1xf32>
      %reduce_sum3A_298 = vector.shape_cast %reduce_sum3A_297 : vector<1xf32> to vector<1x1x1xf32>
      %reduce_sum3A_299 = vector.extract %reduce_sum3A_298[0, 0, 0] : f32 from vector<1x1x1xf32>
      %reduce_sum3A_300 = vector.shape_cast %get3A_125 : vector<32x128xf32> to vector<1x32x128xf32>
      %reduce_sum3A_301 = arith.constant dense<0.000000e+00> : vector<1xf32>
      %reduce_sum3A_302 = vector.multi_reduction <add>, %reduce_sum3A_300, %reduce_sum3A_301 [1, 2] : vector<1x32x128xf32> to vector<1xf32>
      %reduce_sum3A_303 = vector.shape_cast %reduce_sum3A_302 : vector<1xf32> to vector<1x1x1xf32>
      %reduce_sum3A_304 = vector.extract %reduce_sum3A_303[0, 0, 0] : f32 from vector<1x1x1xf32>
      %add3A_305 = arith.addf %reduce_sum3A_299, %reduce_sum3A_304 : f32
      %broadcast_in_dim3A_306 = vector.broadcast %add3A_294 : f32 to vector<1x1xf32>
      %broadcast_in_dim3A_307 = vector.broadcast %add3A_305 : f32 to vector<1x1xf32>
      %concatenate3A_308 = tpu.concatenate %broadcast_in_dim3A_306, %broadcast_in_dim3A_307 in 0 : vector<1x1xf32>, vector<1x1xf32> -> vector<2x1xf32>
      %slice3A_309 = vector.extract_strided_slice %log3A_119 {offsets = [0, 0], sizes = [2, 1], strides = [1, 1]} : vector<4x1xf32> to vector<2x1xf32>
      %mul3A_310 = arith.mulf %concatenate3A_308, %slice3A_309 : vector<2x1xf32>
      %reduce_sum3A_311 = vector.shape_cast %mul3A_310 : vector<2x1xf32> to vector<1x2x1xf32>
      %reduce_sum3A_312 = arith.constant dense<0.000000e+00> : vector<1xf32>
      %reduce_sum3A_313 = vector.multi_reduction <add>, %reduce_sum3A_311, %reduce_sum3A_312 [1, 2] : vector<1x2x1xf32> to vector<1xf32>
      %reduce_sum3A_314 = vector.shape_cast %reduce_sum3A_313 : vector<1xf32> to vector<1x1x1xf32>
      %reduce_sum3A_315 = vector.extract %reduce_sum3A_314[0, 0, 0] : f32 from vector<1x1x1xf32>
      %neg3A = arith.constant 0.000000e+00 : f32
      %neg3A_316 = arith.subf %neg3A, %reduce_sum3A_315 : f32
      %div3A_317 = arith.constant 8.192000e+03 : f32
      %div3A_318 = arith.divf %neg3A_316, %div3A_317 : f32
      %mul3A_319 = arith.constant 1.000000e-01 : f32
      %mul3A_320 = arith.mulf %mul3A_319, %div3A_318 : f32
      %add3A_321 = arith.addf %sub3A_277, %mul3A_320 : f32
      %get3A_322 = arith.constant 0 : index
      %get3A_323 = arith.constant 0 : index
      %get3A_324 = vector.load %arg17[%get3A_322, %get3A_323] : memref<32x128xf32, #tpu.memory_space<vmem>>, vector<32x128xf32>
      %get3A_325 = arith.constant 0 : index
      %get3A_326 = arith.constant 0 : index
      %get3A_327 = vector.load %arg18[%get3A_325, %get3A_326] : memref<32x128xf32, #tpu.memory_space<vmem>>, vector<32x128xf32>
      %get3A_328 = arith.constant 0 : index
      %get3A_329 = arith.constant 0 : index
      %get3A_330 = vector.load %arg19[%get3A_328, %get3A_329] : memref<32x128xf32, #tpu.memory_space<vmem>>, vector<32x128xf32>
      %slice3A_331 = vector.extract_strided_slice %broadcast_in_dim3A_79 {offsets = [2, 0], sizes = [1, 1], strides = [1, 1]} : vector<4x1xf32> to vector<1x1xf32>
      %slice3A_332 = vector.extract_strided_slice %broadcast_in_dim3A_79 {offsets = [3, 0], sizes = [1, 1], strides = [1, 1]} : vector<4x1xf32> to vector<1x1xf32>
      %slice3A_333 = vector.extract_strided_slice %broadcast_in_dim3A_87 {offsets = [2, 0], sizes = [1, 1], strides = [1, 1]} : vector<4x1xf32> to vector<1x1xf32>
      %slice3A_334 = vector.extract_strided_slice %broadcast_in_dim3A_87 {offsets = [3, 0], sizes = [1, 1], strides = [1, 1]} : vector<4x1xf32> to vector<1x1xf32>
      %add3A_335 = arith.addf %slice3A_331, %slice3A_333 : vector<1x1xf32>
      %add3A_336 = arith.addf %slice3A_331, %slice3A_334 : vector<1x1xf32>
      %add3A_337 = arith.addf %slice3A_332, %slice3A_333 : vector<1x1xf32>
      %add3A_338 = arith.addf %slice3A_332, %slice3A_334 : vector<1x1xf32>
      %concatenate3A_339 = tpu.concatenate %add3A_335, %add3A_336, %add3A_337, %add3A_338 in 0 : vector<1x1xf32>, vector<1x1xf32>, vector<1x1xf32>, vector<1x1xf32> -> vector<4x1xf32>
      %get3A_340 = arith.constant 0 : index
      %get3A_341 = arith.constant 0 : index
      %get3A_342 = vector.load %arg11[%get3A_340, %get3A_341] : memref<1x1xf32, #tpu.memory_space<vmem>>, vector<1x1xf32>
      %add3A_343 = vector.broadcast %get3A_342 : vector<1x1xf32> to vector<4x1xf32>
      %add3A_344 = arith.addf %concatenate3A_339, %add3A_343 : vector<4x1xf32>
      %logistic3A_345 = arith.negf %add3A_344 : vector<4x1xf32>
      %logistic3A_346 = math.exp %logistic3A_345 : vector<4x1xf32>
      %logistic3A_347 = arith.constant 1.000000e+00 : f32
      %logistic3A_348 = vector.broadcast %logistic3A_347 : f32 to vector<4x1xf32>
      %logistic3A_349 = arith.addf %logistic3A_348, %logistic3A_346 : vector<4x1xf32>
      %logistic3A_350 = arith.divf %logistic3A_348, %logistic3A_349 : vector<4x1xf32>
      %jit3A_351 = arith.constant 9.99999996E-13 : f32
      %jit3A_352 = arith.constant 1.000000e+00 : f32
      %max3A_353 = vector.broadcast %jit3A_351 : f32 to vector<4x1xf32>
      %max3A_354 = arith.maximumf %max3A_353, %logistic3A_350 : vector<4x1xf32>
      %min3A_355 = vector.broadcast %jit3A_352 : f32 to vector<4x1xf32>
      %min3A_356 = arith.minimumf %min3A_355, %max3A_354 : vector<4x1xf32>
      %log3A_357 = math.log %min3A_356 : vector<4x1xf32>
      %sub3A_358 = arith.constant 1.000000e+00 : f32
      %sub3A_359 = vector.broadcast %sub3A_358 : f32 to vector<4x1xf32>
      %sub3A_360 = arith.subf %sub3A_359, %logistic3A_350 : vector<4x1xf32>
      %jit3A_361 = arith.constant 9.99999996E-13 : f32
      %jit3A_362 = arith.constant 1.000000e+00 : f32
      %max3A_363 = vector.broadcast %jit3A_361 : f32 to vector<4x1xf32>
      %max3A_364 = arith.maximumf %max3A_363, %sub3A_360 : vector<4x1xf32>
      %min3A_365 = vector.broadcast %jit3A_362 : f32 to vector<4x1xf32>
      %min3A_366 = arith.minimumf %min3A_365, %max3A_364 : vector<4x1xf32>
      %log3A_367 = math.log %min3A_366 : vector<4x1xf32>
      %sub3A_368 = arith.constant 1.000000e+00 : f32
      %sub3A_369 = vector.broadcast %sub3A_368 : f32 to vector<32x128xf32>
      %sub3A_370 = arith.subf %sub3A_369, %get3A_324 : vector<32x128xf32>
      %sub3A_371 = arith.constant 1.000000e+00 : f32
      %sub3A_372 = vector.broadcast %sub3A_371 : f32 to vector<32x128xf32>
      %sub3A_373 = arith.subf %sub3A_372, %get3A_327 : vector<32x128xf32>
      %mul3A_374 = arith.mulf %sub3A_370, %sub3A_373 : vector<32x128xf32>
      %mul3A_375 = arith.mulf %mul3A_374, %get3A_330 : vector<32x128xf32>
      %reduce_sum3A_376 = vector.shape_cast %mul3A_375 : vector<32x128xf32> to vector<1x32x128xf32>
      %reduce_sum3A_377 = arith.constant dense<0.000000e+00> : vector<1xf32>
      %reduce_sum3A_378 = vector.multi_reduction <add>, %reduce_sum3A_376, %reduce_sum3A_377 [1, 2] : vector<1x32x128xf32> to vector<1xf32>
      %reduce_sum3A_379 = vector.shape_cast %reduce_sum3A_378 : vector<1xf32> to vector<1x1x1xf32>
      %reduce_sum3A_380 = vector.extract %reduce_sum3A_379[0, 0, 0] : f32 from vector<1x1x1xf32>
      %broadcast_in_dim3A_381 = vector.broadcast %reduce_sum3A_380 : f32 to vector<1x1xf32>
      %sub3A_382 = arith.constant 1.000000e+00 : f32
      %sub3A_383 = vector.broadcast %sub3A_382 : f32 to vector<32x128xf32>
      %sub3A_384 = arith.subf %sub3A_383, %get3A_324 : vector<32x128xf32>
      %mul3A_385 = arith.mulf %sub3A_384, %get3A_327 : vector<32x128xf32>
      %mul3A_386 = arith.mulf %mul3A_385, %get3A_330 : vector<32x128xf32>
      %reduce_sum3A_387 = vector.shape_cast %mul3A_386 : vector<32x128xf32> to vector<1x32x128xf32>
      %reduce_sum3A_388 = arith.constant dense<0.000000e+00> : vector<1xf32>
      %reduce_sum3A_389 = vector.multi_reduction <add>, %reduce_sum3A_387, %reduce_sum3A_388 [1, 2] : vector<1x32x128xf32> to vector<1xf32>
      %reduce_sum3A_390 = vector.shape_cast %reduce_sum3A_389 : vector<1xf32> to vector<1x1x1xf32>
      %reduce_sum3A_391 = vector.extract %reduce_sum3A_390[0, 0, 0] : f32 from vector<1x1x1xf32>
      %broadcast_in_dim3A_392 = vector.broadcast %reduce_sum3A_391 : f32 to vector<1x1xf32>
      %sub3A_393 = arith.constant 1.000000e+00 : f32
      %sub3A_394 = vector.broadcast %sub3A_393 : f32 to vector<32x128xf32>
      %sub3A_395 = arith.subf %sub3A_394, %get3A_327 : vector<32x128xf32>
      %mul3A_396 = arith.mulf %get3A_324, %sub3A_395 : vector<32x128xf32>
      %mul3A_397 = arith.mulf %mul3A_396, %get3A_330 : vector<32x128xf32>
      %reduce_sum3A_398 = vector.shape_cast %mul3A_397 : vector<32x128xf32> to vector<1x32x128xf32>
      %reduce_sum3A_399 = arith.constant dense<0.000000e+00> : vector<1xf32>
      %reduce_sum3A_400 = vector.multi_reduction <add>, %reduce_sum3A_398, %reduce_sum3A_399 [1, 2] : vector<1x32x128xf32> to vector<1xf32>
      %reduce_sum3A_401 = vector.shape_cast %reduce_sum3A_400 : vector<1xf32> to vector<1x1x1xf32>
      %reduce_sum3A_402 = vector.extract %reduce_sum3A_401[0, 0, 0] : f32 from vector<1x1x1xf32>
      %broadcast_in_dim3A_403 = vector.broadcast %reduce_sum3A_402 : f32 to vector<1x1xf32>
      %mul3A_404 = arith.mulf %get3A_324, %get3A_327 : vector<32x128xf32>
      %mul3A_405 = arith.mulf %mul3A_404, %get3A_330 : vector<32x128xf32>
      %reduce_sum3A_406 = vector.shape_cast %mul3A_405 : vector<32x128xf32> to vector<1x32x128xf32>
      %reduce_sum3A_407 = arith.constant dense<0.000000e+00> : vector<1xf32>
      %reduce_sum3A_408 = vector.multi_reduction <add>, %reduce_sum3A_406, %reduce_sum3A_407 [1, 2] : vector<1x32x128xf32> to vector<1xf32>
      %reduce_sum3A_409 = vector.shape_cast %reduce_sum3A_408 : vector<1xf32> to vector<1x1x1xf32>
      %reduce_sum3A_410 = vector.extract %reduce_sum3A_409[0, 0, 0] : f32 from vector<1x1x1xf32>
      %broadcast_in_dim3A_411 = vector.broadcast %reduce_sum3A_410 : f32 to vector<1x1xf32>
      %concatenate3A_412 = tpu.concatenate %broadcast_in_dim3A_381, %broadcast_in_dim3A_392, %broadcast_in_dim3A_403, %broadcast_in_dim3A_411 in 0 : vector<1x1xf32>, vector<1x1xf32>, vector<1x1xf32>, vector<1x1xf32> -> vector<4x1xf32>
      %sub3A_413 = arith.constant 1.000000e+00 : f32
      %sub3A_414 = vector.broadcast %sub3A_413 : f32 to vector<32x128xf32>
      %sub3A_415 = arith.subf %sub3A_414, %get3A_324 : vector<32x128xf32>
      %sub3A_416 = arith.constant 1.000000e+00 : f32
      %sub3A_417 = vector.broadcast %sub3A_416 : f32 to vector<32x128xf32>
      %sub3A_418 = arith.subf %sub3A_417, %get3A_327 : vector<32x128xf32>
      %mul3A_419 = arith.mulf %sub3A_415, %sub3A_418 : vector<32x128xf32>
      %sub3A_420 = arith.constant 1.000000e+00 : f32
      %sub3A_421 = vector.broadcast %sub3A_420 : f32 to vector<32x128xf32>
      %sub3A_422 = arith.subf %sub3A_421, %get3A_330 : vector<32x128xf32>
      %mul3A_423 = arith.mulf %mul3A_419, %sub3A_422 : vector<32x128xf32>
      %reduce_sum3A_424 = vector.shape_cast %mul3A_423 : vector<32x128xf32> to vector<1x32x128xf32>
      %reduce_sum3A_425 = arith.constant dense<0.000000e+00> : vector<1xf32>
      %reduce_sum3A_426 = vector.multi_reduction <add>, %reduce_sum3A_424, %reduce_sum3A_425 [1, 2] : vector<1x32x128xf32> to vector<1xf32>
      %reduce_sum3A_427 = vector.shape_cast %reduce_sum3A_426 : vector<1xf32> to vector<1x1x1xf32>
      %reduce_sum3A_428 = vector.extract %reduce_sum3A_427[0, 0, 0] : f32 from vector<1x1x1xf32>
      %broadcast_in_dim3A_429 = vector.broadcast %reduce_sum3A_428 : f32 to vector<1x1xf32>
      %sub3A_430 = arith.constant 1.000000e+00 : f32
      %sub3A_431 = vector.broadcast %sub3A_430 : f32 to vector<32x128xf32>
      %sub3A_432 = arith.subf %sub3A_431, %get3A_324 : vector<32x128xf32>
      %mul3A_433 = arith.mulf %sub3A_432, %get3A_327 : vector<32x128xf32>
      %sub3A_434 = arith.constant 1.000000e+00 : f32
      %sub3A_435 = vector.broadcast %sub3A_434 : f32 to vector<32x128xf32>
      %sub3A_436 = arith.subf %sub3A_435, %get3A_330 : vector<32x128xf32>
      %mul3A_437 = arith.mulf %mul3A_433, %sub3A_436 : vector<32x128xf32>
      %reduce_sum3A_438 = vector.shape_cast %mul3A_437 : vector<32x128xf32> to vector<1x32x128xf32>
      %reduce_sum3A_439 = arith.constant dense<0.000000e+00> : vector<1xf32>
      %reduce_sum3A_440 = vector.multi_reduction <add>, %reduce_sum3A_438, %reduce_sum3A_439 [1, 2] : vector<1x32x128xf32> to vector<1xf32>
      %reduce_sum3A_441 = vector.shape_cast %reduce_sum3A_440 : vector<1xf32> to vector<1x1x1xf32>
      %reduce_sum3A_442 = vector.extract %reduce_sum3A_441[0, 0, 0] : f32 from vector<1x1x1xf32>
      %broadcast_in_dim3A_443 = vector.broadcast %reduce_sum3A_442 : f32 to vector<1x1xf32>
      %sub3A_444 = arith.constant 1.000000e+00 : f32
      %sub3A_445 = vector.broadcast %sub3A_444 : f32 to vector<32x128xf32>
      %sub3A_446 = arith.subf %sub3A_445, %get3A_327 : vector<32x128xf32>
      %mul3A_447 = arith.mulf %get3A_324, %sub3A_446 : vector<32x128xf32>
      %sub3A_448 = arith.constant 1.000000e+00 : f32
      %sub3A_449 = vector.broadcast %sub3A_448 : f32 to vector<32x128xf32>
      %sub3A_450 = arith.subf %sub3A_449, %get3A_330 : vector<32x128xf32>
      %mul3A_451 = arith.mulf %mul3A_447, %sub3A_450 : vector<32x128xf32>
      %reduce_sum3A_452 = vector.shape_cast %mul3A_451 : vector<32x128xf32> to vector<1x32x128xf32>
      %reduce_sum3A_453 = arith.constant dense<0.000000e+00> : vector<1xf32>
      %reduce_sum3A_454 = vector.multi_reduction <add>, %reduce_sum3A_452, %reduce_sum3A_453 [1, 2] : vector<1x32x128xf32> to vector<1xf32>
      %reduce_sum3A_455 = vector.shape_cast %reduce_sum3A_454 : vector<1xf32> to vector<1x1x1xf32>
      %reduce_sum3A_456 = vector.extract %reduce_sum3A_455[0, 0, 0] : f32 from vector<1x1x1xf32>
      %broadcast_in_dim3A_457 = vector.broadcast %reduce_sum3A_456 : f32 to vector<1x1xf32>
      %mul3A_458 = arith.mulf %get3A_324, %get3A_327 : vector<32x128xf32>
      %sub3A_459 = arith.constant 1.000000e+00 : f32
      %sub3A_460 = vector.broadcast %sub3A_459 : f32 to vector<32x128xf32>
      %sub3A_461 = arith.subf %sub3A_460, %get3A_330 : vector<32x128xf32>
      %mul3A_462 = arith.mulf %mul3A_458, %sub3A_461 : vector<32x128xf32>
      %reduce_sum3A_463 = vector.shape_cast %mul3A_462 : vector<32x128xf32> to vector<1x32x128xf32>
      %reduce_sum3A_464 = arith.constant dense<0.000000e+00> : vector<1xf32>
      %reduce_sum3A_465 = vector.multi_reduction <add>, %reduce_sum3A_463, %reduce_sum3A_464 [1, 2] : vector<1x32x128xf32> to vector<1xf32>
      %reduce_sum3A_466 = vector.shape_cast %reduce_sum3A_465 : vector<1xf32> to vector<1x1x1xf32>
      %reduce_sum3A_467 = vector.extract %reduce_sum3A_466[0, 0, 0] : f32 from vector<1x1x1xf32>
      %broadcast_in_dim3A_468 = vector.broadcast %reduce_sum3A_467 : f32 to vector<1x1xf32>
      %concatenate3A_469 = tpu.concatenate %broadcast_in_dim3A_429, %broadcast_in_dim3A_443, %broadcast_in_dim3A_457, %broadcast_in_dim3A_468 in 0 : vector<1x1xf32>, vector<1x1xf32>, vector<1x1xf32>, vector<1x1xf32> -> vector<4x1xf32>
      %mul3A_470 = arith.mulf %concatenate3A_412, %log3A_357 : vector<4x1xf32>
      %mul3A_471 = arith.mulf %concatenate3A_469, %log3A_367 : vector<4x1xf32>
      %add3A_472 = arith.addf %mul3A_470, %mul3A_471 : vector<4x1xf32>
      %reduce_sum3A_473 = vector.shape_cast %add3A_472 : vector<4x1xf32> to vector<1x4x1xf32>
      %reduce_sum3A_474 = arith.constant dense<0.000000e+00> : vector<1xf32>
      %reduce_sum3A_475 = vector.multi_reduction <add>, %reduce_sum3A_473, %reduce_sum3A_474 [1, 2] : vector<1x4x1xf32> to vector<1xf32>
      %reduce_sum3A_476 = vector.shape_cast %reduce_sum3A_475 : vector<1xf32> to vector<1x1x1xf32>
      %reduce_sum3A_477 = vector.extract %reduce_sum3A_476[0, 0, 0] : f32 from vector<1x1x1xf32>
      %div3A_478 = arith.constant 4.096000e+03 : f32
      %div3A_479 = arith.divf %reduce_sum3A_477, %div3A_478 : f32
      %sub3A_480 = arith.subf %add3A_321, %div3A_479 : f32
      %sub3A_481 = arith.constant 1.000000e+00 : f32
      %sub3A_482 = vector.broadcast %sub3A_481 : f32 to vector<32x128xf32>
      %sub3A_483 = arith.subf %sub3A_482, %get3A_324 : vector<32x128xf32>
      %reduce_sum3A_484 = vector.shape_cast %sub3A_483 : vector<32x128xf32> to vector<1x32x128xf32>
      %reduce_sum3A_485 = arith.constant dense<0.000000e+00> : vector<1xf32>
      %reduce_sum3A_486 = vector.multi_reduction <add>, %reduce_sum3A_484, %reduce_sum3A_485 [1, 2] : vector<1x32x128xf32> to vector<1xf32>
      %reduce_sum3A_487 = vector.shape_cast %reduce_sum3A_486 : vector<1xf32> to vector<1x1x1xf32>
      %reduce_sum3A_488 = vector.extract %reduce_sum3A_487[0, 0, 0] : f32 from vector<1x1x1xf32>
      %sub3A_489 = arith.constant 1.000000e+00 : f32
      %sub3A_490 = vector.broadcast %sub3A_489 : f32 to vector<32x128xf32>
      %sub3A_491 = arith.subf %sub3A_490, %get3A_327 : vector<32x128xf32>
      %reduce_sum3A_492 = vector.shape_cast %sub3A_491 : vector<32x128xf32> to vector<1x32x128xf32>
      %reduce_sum3A_493 = arith.constant dense<0.000000e+00> : vector<1xf32>
      %reduce_sum3A_494 = vector.multi_reduction <add>, %reduce_sum3A_492, %reduce_sum3A_493 [1, 2] : vector<1x32x128xf32> to vector<1xf32>
      %reduce_sum3A_495 = vector.shape_cast %reduce_sum3A_494 : vector<1xf32> to vector<1x1x1xf32>
      %reduce_sum3A_496 = vector.extract %reduce_sum3A_495[0, 0, 0] : f32 from vector<1x1x1xf32>
      %add3A_497 = arith.addf %reduce_sum3A_488, %reduce_sum3A_496 : f32
      %reduce_sum3A_498 = vector.shape_cast %get3A_324 : vector<32x128xf32> to vector<1x32x128xf32>
      %reduce_sum3A_499 = arith.constant dense<0.000000e+00> : vector<1xf32>
      %reduce_sum3A_500 = vector.multi_reduction <add>, %reduce_sum3A_498, %reduce_sum3A_499 [1, 2] : vector<1x32x128xf32> to vector<1xf32>
      %reduce_sum3A_501 = vector.shape_cast %reduce_sum3A_500 : vector<1xf32> to vector<1x1x1xf32>
      %reduce_sum3A_502 = vector.extract %reduce_sum3A_501[0, 0, 0] : f32 from vector<1x1x1xf32>
      %reduce_sum3A_503 = vector.shape_cast %get3A_327 : vector<32x128xf32> to vector<1x32x128xf32>
      %reduce_sum3A_504 = arith.constant dense<0.000000e+00> : vector<1xf32>
      %reduce_sum3A_505 = vector.multi_reduction <add>, %reduce_sum3A_503, %reduce_sum3A_504 [1, 2] : vector<1x32x128xf32> to vector<1xf32>
      %reduce_sum3A_506 = vector.shape_cast %reduce_sum3A_505 : vector<1xf32> to vector<1x1x1xf32>
      %reduce_sum3A_507 = vector.extract %reduce_sum3A_506[0, 0, 0] : f32 from vector<1x1x1xf32>
      %add3A_508 = arith.addf %reduce_sum3A_502, %reduce_sum3A_507 : f32
      %broadcast_in_dim3A_509 = vector.broadcast %add3A_497 : f32 to vector<1x1xf32>
      %broadcast_in_dim3A_510 = vector.broadcast %add3A_508 : f32 to vector<1x1xf32>
      %concatenate3A_511 = tpu.concatenate %broadcast_in_dim3A_509, %broadcast_in_dim3A_510 in 0 : vector<1x1xf32>, vector<1x1xf32> -> vector<2x1xf32>
      %slice3A_512 = vector.extract_strided_slice %log3A {offsets = [2, 0], sizes = [2, 1], strides = [1, 1]} : vector<4x1xf32> to vector<2x1xf32>
      %mul3A_513 = arith.mulf %concatenate3A_511, %slice3A_512 : vector<2x1xf32>
      %reduce_sum3A_514 = vector.shape_cast %mul3A_513 : vector<2x1xf32> to vector<1x2x1xf32>
      %reduce_sum3A_515 = arith.constant dense<0.000000e+00> : vector<1xf32>
      %reduce_sum3A_516 = vector.multi_reduction <add>, %reduce_sum3A_514, %reduce_sum3A_515 [1, 2] : vector<1x2x1xf32> to vector<1xf32>
      %reduce_sum3A_517 = vector.shape_cast %reduce_sum3A_516 : vector<1xf32> to vector<1x1x1xf32>
      %reduce_sum3A_518 = vector.extract %reduce_sum3A_517[0, 0, 0] : f32 from vector<1x1x1xf32>
      %neg3A_519 = arith.constant 0.000000e+00 : f32
      %neg3A_520 = arith.subf %neg3A_519, %reduce_sum3A_518 : f32
      %div3A_521 = arith.constant 8.192000e+03 : f32
      %div3A_522 = arith.divf %neg3A_520, %div3A_521 : f32
      %mul3A_523 = arith.constant 1.000000e-01 : f32
      %mul3A_524 = arith.mulf %mul3A_523, %div3A_522 : f32
      %add3A_525 = arith.addf %sub3A_480, %mul3A_524 : f32
      %broadcast_in_dim3A_526 = vector.broadcast %add3A_525 : f32 to vector<8x128xf32>
      %swap3A_527 = arith.constant 0 : index
      %swap3A_528 = arith.constant 0 : index
      %swap3A_529 = vector.load %arg20[%swap3A_527, %swap3A_528] : memref<8x128xf32, #tpu.memory_space<vmem>>, vector<8x128xf32>
      tpu.vector_store %arg20[%swap3A_527, %swap3A_528], %broadcast_in_dim3A_526 {strides = array<i32>} : memref<8x128xf32, #tpu.memory_space<vmem>>, vector<8x128xf32>,
    } else {
    }
    return
  }
  func.func @transform_0(%arg0: i32, %arg1: i32) -> (i32, i32, i32) {
    %c0_i32 = arith.constant 0 : i32
    %c0_i32_0 = arith.constant 0 : i32
    return %arg0, %arg1, %c0_i32 : i32, i32, i32
  }
  func.func @transform_1(%arg0: i32, %arg1: i32) -> (i32, i32, i32) {
    %c0_i32 = arith.constant 0 : i32
    %c0_i32_0 = arith.constant 0 : i32
    return %arg0, %arg1, %c0_i32 : i32, i32, i32
  }
  func.func @transform_2(%arg0: i32, %arg1: i32) -> (i32, i32, i32) {
    %c0_i32 = arith.constant 0 : i32
    %c0_i32_0 = arith.constant 0 : i32
    return %arg0, %arg1, %c0_i32 : i32, i32, i32
  }
  func.func @transform_3(%arg0: i32, %arg1: i32) -> (i32, i32, i32) {
    %c0_i32 = arith.constant 0 : i32
    %c0_i32_0 = arith.constant 0 : i32
    return %arg0, %arg1, %c0_i32 : i32, i32, i32
  }
  func.func @transform_4(%arg0: i32, %arg1: i32) -> (i32, i32, i32) {
    %c0_i32 = arith.constant 0 : i32
    %c0_i32_0 = arith.constant 0 : i32
    return %arg0, %arg1, %c0_i32 : i32, i32, i32
  }
  func.func @transform_5(%arg0: i32, %arg1: i32) -> (i32, i32) {
    %c0_i32 = arith.constant 0 : i32
    %c0_i32_0 = arith.constant 0 : i32
    %c0_i32_1 = arith.constant 0 : i32
    return %c0_i32, %c0_i32_0 : i32, i32
  }
  func.func @transform_6(%arg0: i32, %arg1: i32) -> (i32, i32) {
    %c0_i32 = arith.constant 0 : i32
    %c0_i32_0 = arith.constant 0 : i32
    %c0_i32_1 = arith.constant 0 : i32
    return %c0_i32, %c0_i32_0 : i32, i32
  }
  func.func @transform_7(%arg0: i32, %arg1: i32) -> (i32, i32) {
    %c0_i32 = arith.constant 0 : i32
    %c0_i32_0 = arith.constant 0 : i32
    %c0_i32_1 = arith.constant 0 : i32
    return %c0_i32, %c0_i32_0 : i32, i32
  }
  func.func @transform_8(%arg0: i32, %arg1: i32) -> (i32, i32) {
    %c0_i32 = arith.constant 0 : i32
    %c0_i32_0 = arith.constant 0 : i32
    %c0_i32_1 = arith.constant 0 : i32
    return %c0_i32, %c0_i32_0 : i32, i32
  }
  func.func @transform_9(%arg0: i32, %arg1: i32) -> (i32, i32) {
    %c0_i32 = arith.constant 0 : i32
    %c0_i32_0 = arith.constant 0 : i32
    %c0_i32_1 = arith.constant 0 : i32
    return %c0_i32, %c0_i32_0 : i32, i32
  }
  func.func @transform_10(%arg0: i32, %arg1: i32) -> (i32, i32) {
    %c0_i32 = arith.constant 0 : i32
    %c0_i32_0 = arith.constant 0 : i32
    %c0_i32_1 = arith.constant 0 : i32
    return %c0_i32, %c0_i32_0 : i32, i32
  }
  func.func @transform_11(%arg0: i32, %arg1: i32) -> (i32, i32) {
    %c0_i32 = arith.constant 0 : i32
    %c0_i32_0 = arith.constant 0 : i32
    %c0_i32_1 = arith.constant 0 : i32
    return %c0_i32, %c0_i32_0 : i32, i32
  }
  func.func @transform_12(%arg0: i32, %arg1: i32) -> (i32, i32) {
    %c0_i32 = arith.constant 0 : i32
    %c0_i32_0 = arith.constant 0 : i32
    %c0_i32_1 = arith.constant 0 : i32
    return %c0_i32, %c0_i32_0 : i32, i32
  }
  func.func @transform_13(%arg0: i32, %arg1: i32) -> (i32, i32) {
    %c0_i32 = arith.constant 0 : i32
    %c0_i32_0 = arith.constant 0 : i32
    %c0_i32_1 = arith.constant 0 : i32
    return %c0_i32, %c0_i32_0 : i32, i32
  }
  func.func @transform_14(%arg0: i32, %arg1: i32) -> (i32, i32) {
    %c0_i32 = arith.constant 0 : i32
    %c0_i32_0 = arith.constant 0 : i32
    %c0_i32_1 = arith.constant 0 : i32
    return %c0_i32, %c0_i32_0 : i32, i32
  }
  func.func @transform_15(%arg0: i32, %arg1: i32) -> (i32, i32) {
    %c0_i32 = arith.constant 0 : i32
    %c0_i32_0 = arith.constant 0 : i32
    %c0_i32_1 = arith.constant 0 : i32
    return %c0_i32, %c0_i32_0 : i32, i32
  }
  func.func @transform_16(%arg0: i32, %arg1: i32) -> (i32, i32) {
    %c0_i32 = arith.constant 0 : i32
    %c0_i32_0 = arith.constant 0 : i32
    %c0_i32_1 = arith.constant 0 : i32
    return %c0_i32, %c0_i32_0 : i32, i32
  }
  func.func @transform_17(%arg0: i32, %arg1: i32) -> (i32, i32) {
    %c0_i32 = arith.constant 0 : i32
    %c0_i32_0 = arith.constant 0 : i32
    %c0_i32_1 = arith.constant 0 : i32
    return %c0_i32, %c0_i32_0 : i32, i32
  }
  func.func @transform_18(%arg0: i32, %arg1: i32) -> (i32, i32) {
    %c0_i32 = arith.constant 0 : i32
    %c0_i32_0 = arith.constant 0 : i32
    %c0_i32_1 = arith.constant 0 : i32
    return %c0_i32, %c0_i32_0 : i32, i32
  }
}

</mosaic_0001>

<sc_bundles>
// kernel: kernel.6.cloned.1.call-start
scs
__scs_entry_jumppad:
0x0: {  	(pc) =	sbr.rel $0x88, $3  }
0x1: {  	(tag) =	ssettag $0x0;
	lr =	simm.s32 $0x1  }
0x2: {  	[smem:$0x3F93] =	sst lr;
	_ =	strace $0xD0000000  }
0x3: {  	_ = 	snop  }
0x4: {  	_ = 	snop  }
0x5: {  	_ = 	snop  }
0x6: {  	_ = 	snop  }
0x7: {  	_ = 	snop  }
__scs_overlays_trampoline_lowered:
0x8: {  	[smem:$0x3FA2] =	sst s0  }
0x9: {  	[smem:$0x3FA3] =	sst s1  }
0xa: {  	[smem:$0x3FA4] =	sst s2  }
0xb: {  	[smem:$0x3FA5] =	sst s3  }
0xc: {  	[smem:$0x3FA6] =	sst s4  }
0xd: {  	[smem:$0x3FA7] =	sst s5  }
0xe: {  	[smem:$0x3FA8] =	sst s6  }
0xf: {  	[smem:$0x3FA9] =	sst s7  }
0x10: {  	[smem:$0x3FAA] =	sst s8  }
0x11: {  	[smem:$0x3FAB] =	sst s9;
	s0 =	simm.s32 @!p0 $0x0  }
0x12: {  	s1 =	sld [smem:$0x3F91];
	s0 =	simm.s32 @p0 $0x1  }
0x13: {  	[smem:$0x3FAC] =	sst s0;
	s0 =	simm.s32 @!p1 $0x0  }
0x14: {  	s2 =	sld [smem:$0x3F90];
	s0 =	simm.s32 @p1 $0x1  }
0x15: {  	[smem:$0x3FAD] =	sst s0;
	s0 =	simm.s32 @!p2 $0x0  }
0x16: {  	s3 =	sld [smem:$0x3FDB];
	s0 =	simm.s32 @p2 $0x1  }
0x17: {  	s4 =	simm.s32 $0x1BF5;
	[smem:$0x3FAF] =	sst s0  }
0x18: {  	s0 =	sld [smem:$0x3F92];
	_ =	swait.ge [sflag:s4], $0x0  }
0x19: {  	s7 =	sld [smem:$0x3F93]  }
0x1a: {  	s8 =	sadd.s32 $0xFFFFE003, lr  }
0x1b: {  	s9 =	sadd.s32 $0xFFFFFEF7, lr;
	s5 =	simm.s32 $0xFFFFFFFF;
	p2 =	slt.u32 s8, $0xFFFFF086  }
0x1c: {  	p1 =	slt.u32 s9, $0xF7A;
	s5 =	simm.s32 @!p2 $0x0  }
0x1d: {  	s5 =	simm.s32 @p1 $0x1;
	p0 =	seq.s32 s7, s2  }
0x1e: {  	s7 =	smul.u32 @!p0 $0xF7A, s2;
	p2 =	seq.s32 @!p0 s5, $0x0  }
0x1f: {  	s9 =	smul.u32 $0xF7A, s1;
	s8 =	simm.s32 @!p0 $0x1BF5;
	p2 =	por !p2, p0  }
0x20: {  	[sflag:s8] =	ssyncset.s32 @!p0 $0xFFFFF086;
	s6 =	sadd.s32 @!p0 s3, s7;
	s7 =	simm.s32 @!p0 $0x108  }
0x21: {  	s3 =	sadd.s32 s3, s9;
	s6 =	sadd.s32 @!p0 $0x88, s6;
	s7 =	simm.s32 @p2 $0x1082  }
0x22: {  	[simem:s7], [sflag:s8] =	dma.local @!p0 [hbm:s6], $0xF7A  }
0x23: {  	s9 =	sor.u32 $0xD0000000, s2;
	s6 =	simm.s32 $0x108;
	_ =	swait.ge @!p0 [sflag:s8], $0x0  }
0x24: {  	s3 =	sadd.s32 $0x88, s3;
	s6 =	simm.s32 @!p1 $0x1082;
	[sflag:s4] =	ssyncset.s32 $0xFFFFF086  }
0x25: {  	[simem:s6], [sflag:s4] =	dma.local [hbm:s3], $0xF7A  }
0x26: {  	[smem:$0x3F93] =	sst s1;
	(tag) =	ssettag s2;
	_ =	strace s9  }
0x27: {  	s1 =	sld [smem:$0x3FA3]  }
0x28: {  	s2 =	sld [smem:$0x3FA4]  }
0x29: {  	s4 =	sld [smem:$0x3FA6]  }
0x2a: {  	p0 =	seq.s32 s5, $0x0;
	s5 =	sld [smem:$0x3FA7]  }
0x2b: {  	s6 =	sld [smem:$0x3FA8]  }
0x2c: {  	s7 =	sld [smem:$0x3FA9]  }
0x2d: {  	s3 =	simm.s32 $0x108;
	s8 =	sld [smem:$0x3FAA]  }
0x2e: {  	s3 =	simm.s32 @!p0 $0x1082;
	s9 =	sld [smem:$0x3FAB]  }
0x2f: {  	lr =	sadd.s32 s0, s3;
	s0 =	sld [smem:$0x3FA2]  }
0x30: {  	s3 =	sld [smem:$0x3FA5]  }
0x31: {  	[smem:$0x3FAE] =	sst s10  }
0x32: {  	s10 =	sld [smem:$0x3FAC];
	_ =	sdelay $0x3  }
0x33: {  	p0 =	seq.s32 s10, $0x1;
	s10 =	sld [smem:$0x3FAE];
	_ =	sdelay $0x3  }
0x34: {  	[smem:$0x3FAE] =	sst s10  }
0x35: {  	s10 =	sld [smem:$0x3FAD];
	_ =	sdelay $0x3  }
0x36: {  	p1 =	seq.s32 s10, $0x1;
	s10 =	sld [smem:$0x3FAE];
	_ =	sdelay $0x3  }
0x37: {  	[smem:$0x3FAE] =	sst s10  }
0x38: {  	s10 =	sld [smem:$0x3FAF]  }
0x39: {  	_ = 	snop;
	(pc) =	sbr.ind lr, $3  }
0x3a: {  	_ = 	snop  }
0x3b: {  	_ = 	snop  }
0x3c: {  	p2 =	seq.s32 s10, $0x1;
	s10 =	sld [smem:$0x3FAE]  }
0x3d: {  	_ =	shalt  }
0x3e: {  	_ =	shalt  }
0x3f: {  	_ =	shalt  }
0x40: {  	_ =	shalt  }
0x41: {  	_ =	shalt  }
0x42: {  	_ =	shalt  }
0x43: {  	_ =	shalt  }
0x44: {  	_ =	shalt  }
0x45: {  	_ =	shalt  }
0x46: {  	_ =	shalt  }
0x47: {  	_ =	shalt  }
0x48: {  	_ =	shalt  }
0x49: {  	_ =	shalt  }
0x4a: {  	_ =	shalt  }
0x4b: {  	_ =	shalt  }
0x4c: {  	_ =	shalt  }
0x4d: {  	_ =	shalt  }
0x4e: {  	_ =	shalt  }
0x4f: {  	_ =	shalt  }
0x50: {  	_ =	shalt  }
0x51: {  	_ =	shalt  }
0x52: {  	_ =	shalt  }
0x53: {  	_ =	shalt  }
0x54: {  	_ =	shalt  }
0x55: {  	_ =	shalt  }
0x56: {  	_ =	shalt  }
0x57: {  	_ =	shalt  }
0x58: {  	_ =	shalt  }
0x59: {  	_ =	shalt  }
0x5a: {  	_ =	shalt  }
0x5b: {  	_ =	shalt  }
0x5c: {  	_ =	shalt  }
0x5d: {  	_ =	shalt  }
0x5e: {  	_ =	shalt  }
0x5f: {  	_ =	shalt  }
0x60: {  	_ =	shalt  }
0x61: {  	_ =	shalt  }
0x62: {  	_ =	shalt  }
0x63: {  	_ =	shalt  }
0x64: {  	_ =	shalt  }
0x65: {  	_ =	shalt  }
0x66: {  	_ =	shalt  }
0x67: {  	_ =	shalt  }
0x68: {  	_ =	shalt  }
0x69: {  	_ =	shalt  }
0x6a: {  	_ =	shalt  }
0x6b: {  	_ =	shalt  }
0x6c: {  	_ =	shalt  }
0x6d: {  	_ =	shalt  }
0x6e: {  	_ =	shalt  }
0x6f: {  	_ =	shalt  }
0x70: {  	_ =	shalt  }
0x71: {  	_ =	shalt  }
0x72: {  	_ =	shalt  }
0x73: {  	_ =	shalt  }
0x74: {  	_ =	shalt  }
0x75: {  	_ =	shalt  }
0x76: {  	_ =	shalt  }
0x77: {  	_ =	shalt  }
0x78: {  	_ =	shalt  }
0x79: {  	_ =	shalt  }
0x7a: {  	_ =	shalt  }
0x7b: {  	_ =	shalt  }
0x7c: {  	_ =	shalt  }
0x7d: {  	_ =	shalt  }
0x7e: {  	_ =	shalt  }
0x7f: {  	_ =	shalt  }
0x80: {  	_ =	shalt  }
0x81: {  	_ =	shalt  }
0x82: {  	_ =	shalt  }
0x83: {  	_ =	shalt  }
0x84: {  	_ =	shalt  }
0x85: {  	_ =	shalt  }
0x86: {  	_ =	shalt  }
0x87: {  	_ =	shalt  }
.Lfunc_end0:
.L_simem_size_0:
called_computation_lowered:
.L_overlay_start_0:
0x88: {  	s2 =	sld [smem:$0x3FD9]  }
0x89: {  	s3 =	sld [smem:$0x3FFE];
	_ =	sdelay $0x1  }
0x8a: {  	s1 =	srdreg.scid  }
0x8b: {  	s0 =	sand.u32 $0x1, s1  }
0x8c: {  	s16 =	sshll.u32 s0, $0xA;
	s2 =	sadd.s32 s3, s2  }
0x8d: {  	s2 =	sadd.s32 s2, s16  }
0x8e: {  	[smem:$0x3FBA] =	sst s2  }
0x8f: {  	_ = 	snop  }
0x90: {  	(tm) =	ssettm $0x1  }
0x91: {  	s17 =	sld [smem:$0x3FFB];
	_ =	sdelay $0x3  }
0x92: {  	_ =	strace s17  }
0x93: {  	s2 =	sld [smem:$0x3FFC];
	_ =	sdelay $0x3  }
0x94: {  	_ =	strace s2  }
0x95: {  	s2 =	sld [smem:$0x3FFD];
	_ =	sdelay $0x3  }
0x96: {  	_ =	strace s2  }
0x97: {  	_ =	strace $0x8FFFFFFF  }
0x98: {  	s18 =	sld [smem:$0x3FDB];
	_ =	sdelay $0x1  }
0x99: {  	s19 =	simm.s32 $_scs_section_size  }
0x9a: {  	s4 =	simm.s32 $_size__tile_overlayer_lowered;
	s5 =	simm.s32 $_tile_overlayer_lowered  }
0x9b: {  	s22 =	simm.s32 $0x1BFF;
	s21 =	sshll.u32 s5, $0x1;
	s2 =	sadd.s32 s19, s18  }
0x9c: {  	s6 =	simm.s32 $0x0;
	s20 =	sshll.u32 s4, $0x1;
	s4 =	sadd.s32 s21, s2  }
0x9d: {  	[timem:s6], [sflag:s22] =	dma.local [hbm:s4], s20  }
0x9e: {  	_ =	swait.ge [sflag:s22], s20  }
0x9f: {  	s3 =	ssub.s32 $0x0, s20;
	[sflag:s22] =	ssyncset.done $0x0  }
0xa0: {  	[sflag:s22] =	ssyncadd.s32 s3;
	_ =	sdelay $0x1  }
0xa1: {  	s23 =	simm.s32 $0x1B8B  }
0xa2: {  	_ =	swait.ge [sflag:s23], $0x1  }
0xa3: {  	[sflag:s23] =	ssyncset.done $0x0  }
0xa4: {  	s25 =	simm.s32 $0x1B8E;
	s24 =	sld [smem:$0x3FFE];
	[sflag:s23] =	ssyncadd.s32 $0xFFFFFFFF  }
0xa5: {  	s26 =	simm.s32 $execute0_lowered;
	[smem:$0x3FD2] =	sst s25  }
0xa6: {  	s4 =	sshll.u32 s26, $0x1;
	_ =	strace $0x80000046;
	[dreg:$0x1] =	wrdreg $0xFFFFFFFF  }
0xa7: {  	s28 =	simm.s32 $_size_execute0_lowered;
	s2 =	sadd.s32 s2, s4;
	[dreg:$0x0] =	wrdreg $0x0  }
0xa8: {  	s4 =	sshll.u32 s28, $0x1;
	[dreg:$0x2] =	wrdreg s2  }
0xa9: {  	[dreg:$0x3] =	wrdreg s4  }
0xaa: {  	[dreg:$0x4] =	wrdreg $0xC0  }
0xab: {  	_ =	task [dreg:s6], $0x5FFFF  }
0xac: {  	[dreg:$0x1] =	wrdreg $0xFFFFFFFF  }
0xad: {  	[dreg:$0x0] =	wrdreg $0x60  }
0xae: {  	[dreg:$0x2] =	wrdreg s24  }
0xaf: {  	[dreg:$0x3] =	wrdreg $0x51800  }
0xb0: {  	[dreg:$0x4] =	wrdreg $0x54000  }
0xb1: {  	[dreg:$0x5] =	wrdreg $0x56800  }
0xb2: {  	[dreg:$0x6] =	wrdreg $0x9  }
0xb3: {  	_ =	task.clear_ibuf [dreg:s6], $0x7FFFF;
	_ =	strace $0x90000046  }
0xb4: {  	s29 =	simm.s32 $0x9;
	_ =	strace $0x80000048  }
0xb5: {  	_ =	swait.ge [sflag:s29], $0x1  }
0xb6: {  	[sflag:s29] =	ssyncadd.s32 $0xFFFFFFFF  }
0xb7: {  	_ =	strace $0x90000048  }
0xb8: {  	_ =	sfence  }
0xb9: {  	s30 =	sld [smem:$0x0];
	_ =	sdelay $0x2  }
0xba: {  	s31 =	sshll.u32 s1, $0xD;
	s1 =	sshrl.u32 s1, $0x2  }
0xbb: {  	s3 =	sand.u32 $0x4000, s31;
	s1 =	sadd.s32 s1, s30  }
0xbc: {  	s0 =	sor.u32 s3, s0;
	s1 =	sshll.u32 s1, $0x11  }
0xbd: {  	s0 =	sor.u32 s1, s0  }
0xbe: {  	s0 =	sadd.s32 $0x8F2B, s0  }
0xbf: {  	[sflag:s0] =	ssyncadd.remote.s32 $0x1  }
0xc0: {  	_ =	sfence.sel $0xFFFF  }
0xc1: {  	[dreg:$0x0] =	wrdreg $0xFFFFFFFF;
	(pc) =	sbr.abs _section_cstart, $3  }
0xc2: {  	[dreg:$0x1] =	wrdreg $0xFFFFFFFF  }
0xc3: {  	_ =	task.clear_ibuf [dreg:s6], $0x2FFFF;
	_ =	strace $0x9FFFFFFF  }
0xc4: {  	(tm) =	ssettm $0x7FFFFFFF  }
0xc5: {  	_ =	shalt  }
tec
execute0_lowered:
.L_overlay_start_1:
0x0: {  	(tag) =	ssettag $0x1  }
0x1: {  	s6 =	rddreg [dreg:$0x0]  }
0x2: {  	s0 =	rddreg [dreg:$0x1]  }
0x3: {  	s3 =	rddreg [dreg:$0x2];
	s1 =	srdreg.scid  }
0x4: {  	s4 =	rddreg [dreg:$0x3];
	s2 =	stileid.u32  }
0x5: {  	s5 =	simm.s32 $0x0;
	s16 =	simm.s32 $0x2;
	s19 =	simm.s32 $0x2800  }
0x6: {  	s20 =	simm.s32 $0x80;
	s21 =	simm.s32 $0x5000;
	s22 =	simm.s32 $0x1  }
0x7: {  	s23 =	simm.s32 $0x20;
	s24 =	simm.s32 $0x10;
	s9 =	smul.u32 $0x2800, s2  }
0x8: {  	s7 =	sand.u32 $0x1, s1;
	s1 =	rddreg [dreg:$0x4];
	s26 =	smul.u32 $0x500, s2  }
0x9: {  	s25 =	simm.s32 $0x0;
	[smem:$0x7FF] =	sst s5;
	s10 =	smul.u32 $0x280, s2  }
0xa: {  	s31 =	sshll.u32 s2, $0x6;
	s8 =	smul.u32 $0x28000, s7;
	s11 =	sshll.u32 s7, $0x7  }
0xb: {  	_ =	strace $0x80000047;
	s7 =	ssub.s32 $0x2, s7;
	s28 =	sor.u32 s11, s26  }
0xc: {  	s29 =	sshrl.u32 s10, $0x3;
	s30 =	sshrl.u32 s7, $0x1;
	s15 =	sadd.s32 s10, s0  }
0xd: {  	s17 =	sadd.s32 s10, s3;
	s18 =	sadd.s32 s10, s4;
	s8 =	sadd.s32 s9, s8  }
0xe: {  	s9 =	sadd.s32 s29, s6;
	s14 =	ssub.s32 s7, s30;
	s7 =	sor.u32 $0x1C02, s31  }
0xf: {  	s15 =	sshrl.u32 s15, $0x3;
	s17 =	sshrl.u32 s17, $0x3;
	s8 =	sshrl.u32 s8, $0x3  }
0x10: {  	s18 =	sshrl.u32 s18, $0x3;
	s12 =	sadd.s32 s8, s6;
	s8 =	sshrl.u32 s28, $0x3  }
0x11: {  	s14 =	smax.u32 s14, $0x1;
	s13 =	sadd.s32 s8, s6;
	s6 =	sadd.s32 $0x16200, s9  }
0x12: {  	s8 =	sadd.s32 $0x16800, s9;
	s9 =	sadd.s32 $0xC200, s12;
	s10 =	sadd.s32 $0x2200, s12  }
0x13: {  	v0 =	vimm.f32 $1.000000000e+00;
	s11 =	sadd.s32 $0x16E00, s13;
	s12 =	sadd.s32 $0x17800, s13;
	s13 =	sadd.s32 $0x18200, s13  }
.LBB2_1:
0x14: {  	[spmem:s15], [sflag:s7] =	dma.local [hbm:s6], $0x50  }
0x15: {  	_ =	swait.ge [sflag:s16], $0x50  }
0x16: {  	[sflag:s16] =	ssyncset.done $0x0  }
0x17: {  	[sflag:s16] =	ssyncadd.s32 $0xFFFFFFB0  }
0x18: {  	[spmem:s17], [sflag:s7] =	dma.local [hbm:s8], $0x50  }
0x19: {  	_ =	swait.ge [sflag:s16], $0x50  }
0x1a: {  	[sflag:s16] =	ssyncset.done $0x0  }
0x1b: {  	[sflag:s16] =	ssyncadd.s32 $0xFFFFFFB0  }
0x1c: {  	[spmem:s18], [sflag:s7] =	dma.local [hbm:s8], $0x50  }
0x1d: {  	_ =	swait.ge [sflag:s16], $0x50  }
0x1e: {  	[sflag:s16] =	ssyncset.done $0x0  }
0x1f: {  	[sflag:s16] =	ssyncadd.s32 $0xFFFFFFB0  }
0x20: {  	[tilespmem:s5], [sflag:$0x2] =	stream.linear.gather [hbm4b:s9+s5], $0x2800, $0x38;
	[tilespmem:$0x5900] =	vst v63  }
0x21: {  	_ =	swait.ge [sflag:s16], $0x2800  }
0x22: {  	[sflag:s16] =	ssyncset.done $0x0  }
0x23: {  	[sflag:s16] =	ssyncadd.s32 $0xFFFFD800  }
0x24: {  	[tilespmem:s19], [sflag:$0x2] =	stream.linear.gather [hbm4b:s10+s5], $0x2800, $0x38;
	[tilespmem:$0x5900] =	vst v63  }
0x25: {  	_ =	swait.ge [sflag:s16], $0x2800  }
0x26: {  	[sflag:s16] =	ssyncset.done $0x0  }
0x27: {  	[sflag:s16] =	ssyncadd.s32 $0xFFFFD800  }
0x28: {  	[tilespmem:$0x5000] =	vst v0  }
0x29: {  	[tilespmem:$0x5010] =	vst v0  }
0x2a: {  	[tilespmem:$0x5020] =	vst v0  }
0x2b: {  	[tilespmem:$0x5030] =	vst v0  }
0x2c: {  	[tilespmem:$0x5040] =	vst v0  }
.Ltmp0:
0x2d: {  	[tilespmem:$0x5050] =	vst v0;
	(pc) =	sbr.rel .LBB2_2-.Ltmp0, $4  }
0x2e: {  	[tilespmem:$0x5060] =	vst v0  }
0x2f: {  	[tilespmem:$0x5070] =	vst v0  }
0x30: {  	[bflag:$0x0] =	sbarrier.arrive $0xFFFF  }
0x31: {  	s26 =	simm.s32 $0x0  }
.LBB2_4:
0x32: {  	s26 =	sadd.s32 $0x200, s26  }
0x33: {  	p0 =	sne.s32 s26, $0xA000  }
.Ltmp1:
0x34: {  	_ = 	snop;
	(pc) =	sbr.rel @!p0 .LBB2_5-.Ltmp1, $1  }
0x35: {  	_ =	sdelay $0x3  }
.LBB2_2:
0x36: {  	s28 =	sshra.s32 s26, $0x2  }
0x37: {  	s29 =	sadd.s32 $0x2800, s28  }
0x38: {  	[spmem:s0] =	stream.indirect.scatter.add.f32 [tilespmem:s21], [sflag:$0x1], $0x1, s29, s20, $0xb8;
	[tilespmem:$0x5900] =	vst v63  }
0x39: {  	v1 =	vld [tilespmem:s28+$0x2810]  }
0x3a: {  	v2 =	vld [tilespmem:s28+$0x2820]  }
0x3b: {  	v3 =	vld [tilespmem:s28+$0x2830]  }
0x3c: {  	v4 =	vld [tilespmem:s28+$0x2840]  }
0x3d: {  	v5 =	vld [tilespmem:s28+$0x2850]  }
0x3e: {  	v6 =	vld [tilespmem:s28+$0x2860]  }
0x3f: {  	vm0 =	vlt.s32 v1, $0x2;
	vm1 =	vlt.s32 v2, $0x2;
	v2 =	vld [tilespmem:s28+$0x2870]  }
0x40: {  	v1 =	vld [tilespmem:s28+$0x2800];
	vm0 =	vmor vm0, vm1;
	vm1 =	vlt.s32 v3, $0x2  }
0x41: {  	vm2 =	vlt.s32 v4, $0x2;
	vm0 =	vmor vm0, vm1  }
0x42: {  	vm1 =	vlt.s32 v5, $0x2;
	vm0 =	vmor vm0, vm2  }
0x43: {  	vm2 =	vlt.s32 v6, $0x2;
	vm0 =	vmor vm0, vm1  }
0x44: {  	vm1 =	vmor vm0, vm2;
	vm2 =	vlt.s32 v2, $0x2  }
0x45: {  	vm0 =	vlt.s32 v1, $0x2;
	vm1 =	vmor vm1, vm2  }
0x46: {  	vm1 =	vmor vm0, vm1  }
0x47: {  	v2 =	vmpcnt.ones.xlane vm1;
	_ =	sdelay $0x1  }
0x48: {  	(v2sf) =	vpush v2, $0x0;
	_ =	sdelay $0xe  }
0x49: {  	s31 =	spop (v2sf)  }
0x4a: {  	p0 =	slt.s32 s31, $0x1  }
.Ltmp2:
0x4b: {  	_ = 	snop;
	(pc) =	sbr.rel @p0 .LBB2_4-.Ltmp2, $1  }
0x4c: {  	_ =	sdelay $0x3  }
0x4d: {  	v2 =	vmpcnt.ones.xlane vm0;
	_ =	sdelay $0x1  }
0x4e: {  	(v2sf) =	vpush v2, $0x0;
	_ =	sdelay $0xe  }
0x4f: {  	s29 =	spop (v2sf)  }
0x50: {  	p0 =	slt.s32 s29, $0x1  }
0x51: {  	s29 =	sshra.s32 @!p0 s26, $0x2  }
0x52: {  	v2 =	vld @!p0 [tilespmem:s29+$0x0];
	_ =	sdelay $0x3  }
0x53: {  	vm0 =	veq.s32 @!p0 v1, $0x0;
	v3 =	vimm.f32 @!p0 $0.0e+00  }
0x54: {  	vm1 =	veq.s32 @!p0 v1, $0x1;
	v1 =	vsel @!p0 vm0, $0x3F800000, v3  }
0x55: {  	[tilespmem:$0x5080] =	vst @!p0 v1;
	v1 =	vsel @!p0 vm1, $0x3F800000, v3  }
0x56: {  	vm0 =	vmmov @!p0 $0xffff;
	s29 =	simm.s32 @!p0 $0x5080;
	[tilespmem:$0x5100] =	vst @!p0 v1  }
0x57: {  	[spmem:s3] =	stream.indirect_vreg.scatter.add.f32 @!p0 [tilespmem:s29], [sflag:$0x3], $0x1, v2, vm0, $0xb8;
	[tilespmem:$0x5900] =	vst v63  }
0x58: {  	s29 =	simm.s32 @!p0 $0x3  }
0x59: {  	_ =	swait.ge @!p0 [sflag:s29], $0x10  }
0x5a: {  	[sflag:s29] =	ssyncset.done @!p0 $0x0  }
0x5b: {  	s30 =	simm.s32 @!p0 $0x5100;
	[sflag:s29] =	ssyncadd.s32 @!p0 $0xFFFFFFF0  }
0x5c: {  	[spmem:s4] =	stream.indirect_vreg.scatter.add.f32 @!p0 [tilespmem:s30], [sflag:$0x3], $0x1, v2, vm0, $0xb8;
	[tilespmem:$0x5900] =	vst v63  }
0x5d: {  	_ =	swait.ge @!p0 [sflag:s29], $0x10  }
0x5e: {  	[sflag:s29] =	ssyncset.done @!p0 $0x0  }
0x5f: {  	[sflag:s29] =	ssyncadd.s32 @!p0 $0xFFFFFFF0  }
0x60: {  	v1 =	vld [tilespmem:s28+$0x2810];
	_ =	sdelay $0x4  }
0x61: {  	vm9 =	vlt.s32 v1, $0x2  }
0x62: {  	v2 =	vmpcnt.ones.xlane vm9;
	_ =	sdelay $0x1  }
0x63: {  	(v2sf) =	vpush v2, $0x0;
	_ =	sdelay $0xe  }
0x64: {  	s31 =	spop (v2sf)  }
0x65: {  	p0 =	slt.s32 s31, $0x1  }
0x66: {  	s29 =	sshra.s32 @!p0 s26, $0x2  }
0x67: {  	v2 =	vld @!p0 [tilespmem:s29+$0x10];
	_ =	sdelay $0x3  }
0x68: {  	vm0 =	veq.s32 @!p0 v1, $0x0;
	v3 =	vimm.f32 @!p0 $0.0e+00  }
0x69: {  	vm1 =	veq.s32 @!p0 v1, $0x1;
	v1 =	vsel @!p0 vm0, $0x3F800000, v3  }
0x6a: {  	[tilespmem:$0x5080] =	vst @!p0 v1;
	v1 =	vsel @!p0 vm1, $0x3F800000, v3  }
0x6b: {  	vm0 =	vmmov @!p0 $0xffff;
	s29 =	simm.s32 @!p0 $0x5080;
	[tilespmem:$0x5100] =	vst @!p0 v1  }
0x6c: {  	[spmem:s3] =	stream.indirect_vreg.scatter.add.f32 @!p0 [tilespmem:s29], [sflag:$0x3], $0x1, v2, vm0, $0xb8;
	[tilespmem:$0x5900] =	vst v63  }
0x6d: {  	s29 =	simm.s32 @!p0 $0x3  }
0x6e: {  	_ =	swait.ge @!p0 [sflag:s29], $0x10  }
0x6f: {  	[sflag:s29] =	ssyncset.done @!p0 $0x0  }
0x70: {  	s30 =	simm.s32 @!p0 $0x5100;
	[sflag:s29] =	ssyncadd.s32 @!p0 $0xFFFFFFF0  }
0x71: {  	[spmem:s4] =	stream.indirect_vreg.scatter.add.f32 @!p0 [tilespmem:s30], [sflag:$0x3], $0x1, v2, vm0, $0xb8;
	[tilespmem:$0x5900] =	vst v63  }
0x72: {  	_ =	swait.ge @!p0 [sflag:s29], $0x10  }
0x73: {  	[sflag:s29] =	ssyncset.done @!p0 $0x0  }
0x74: {  	[sflag:s29] =	ssyncadd.s32 @!p0 $0xFFFFFFF0  }
0x75: {  	v1 =	vld [tilespmem:s28+$0x2820];
	_ =	sdelay $0x4  }
0x76: {  	vm10 =	vlt.s32 v1, $0x2  }
0x77: {  	v2 =	vmpcnt.ones.xlane vm10;
	_ =	sdelay $0x1  }
0x78: {  	(v2sf) =	vpush v2, $0x0;
	_ =	sdelay $0xe  }
0x79: {  	s30 =	spop (v2sf)  }
0x7a: {  	p0 =	slt.s32 s30, $0x1  }
0x7b: {  	s29 =	sshra.s32 @!p0 s26, $0x2  }
0x7c: {  	v2 =	vld @!p0 [tilespmem:s29+$0x20];
	_ =	sdelay $0x3  }
0x7d: {  	vm0 =	veq.s32 @!p0 v1, $0x0;
	v3 =	vimm.f32 @!p0 $0.0e+00  }
0x7e: {  	vm1 =	veq.s32 @!p0 v1, $0x1;
	v1 =	vsel @!p0 vm0, $0x3F800000, v3  }
0x7f: {  	[tilespmem:$0x5080] =	vst @!p0 v1;
	v1 =	vsel @!p0 vm1, $0x3F800000, v3  }
0x80: {  	vm0 =	vmmov @!p0 $0xffff;
	s29 =	simm.s32 @!p0 $0x5080;
	[tilespmem:$0x5100] =	vst @!p0 v1  }
0x81: {  	[spmem:s3] =	stream.indirect_vreg.scatter.add.f32 @!p0 [tilespmem:s29], [sflag:$0x3], $0x1, v2, vm0, $0xb8;
	[tilespmem:$0x5900] =	vst v63  }
0x82: {  	s29 =	simm.s32 @!p0 $0x3  }
0x83: {  	_ =	swait.ge @!p0 [sflag:s29], $0x10  }
0x84: {  	[sflag:s29] =	ssyncset.done @!p0 $0x0  }
0x85: {  	s30 =	simm.s32 @!p0 $0x5100;
	[sflag:s29] =	ssyncadd.s32 @!p0 $0xFFFFFFF0  }
0x86: {  	[spmem:s4] =	stream.indirect_vreg.scatter.add.f32 @!p0 [tilespmem:s30], [sflag:$0x3], $0x1, v2, vm0, $0xb8;
	[tilespmem:$0x5900] =	vst v63  }
0x87: {  	_ =	swait.ge @!p0 [sflag:s29], $0x10  }
0x88: {  	[sflag:s29] =	ssyncset.done @!p0 $0x0  }
0x89: {  	[sflag:s29] =	ssyncadd.s32 @!p0 $0xFFFFFFF0  }
0x8a: {  	v1 =	vld [tilespmem:s28+$0x2830];
	_ =	sdelay $0x4  }
0x8b: {  	vm11 =	vlt.s32 v1, $0x2  }
0x8c: {  	v2 =	vmpcnt.ones.xlane vm11;
	_ =	sdelay $0x1  }
0x8d: {  	(v2sf) =	vpush v2, $0x0;
	_ =	sdelay $0xe  }
0x8e: {  	s31 =	spop (v2sf)  }
0x8f: {  	p0 =	slt.s32 s31, $0x1  }
0x90: {  	s29 =	sshra.s32 @!p0 s26, $0x2  }
0x91: {  	v2 =	vld @!p0 [tilespmem:s29+$0x30];
	_ =	sdelay $0x3  }
0x92: {  	vm0 =	veq.s32 @!p0 v1, $0x0;
	v3 =	vimm.f32 @!p0 $0.0e+00  }
0x93: {  	vm1 =	veq.s32 @!p0 v1, $0x1;
	v1 =	vsel @!p0 vm0, $0x3F800000, v3  }
0x94: {  	[tilespmem:$0x5080] =	vst @!p0 v1;
	v1 =	vsel @!p0 vm1, $0x3F800000, v3  }
0x95: {  	vm0 =	vmmov @!p0 $0xffff;
	s29 =	simm.s32 @!p0 $0x5080;
	[tilespmem:$0x5100] =	vst @!p0 v1  }
0x96: {  	[spmem:s3] =	stream.indirect_vreg.scatter.add.f32 @!p0 [tilespmem:s29], [sflag:$0x3], $0x1, v2, vm0, $0xb8;
	[tilespmem:$0x5900] =	vst v63  }
0x97: {  	s29 =	simm.s32 @!p0 $0x3  }
0x98: {  	_ =	swait.ge @!p0 [sflag:s29], $0x10  }
0x99: {  	[sflag:s29] =	ssyncset.done @!p0 $0x0  }
0x9a: {  	s30 =	simm.s32 @!p0 $0x5100;
	[sflag:s29] =	ssyncadd.s32 @!p0 $0xFFFFFFF0  }
0x9b: {  	[spmem:s4] =	stream.indirect_vreg.scatter.add.f32 @!p0 [tilespmem:s30], [sflag:$0x3], $0x1, v2, vm0, $0xb8;
	[tilespmem:$0x5900] =	vst v63  }
0x9c: {  	_ =	swait.ge @!p0 [sflag:s29], $0x10  }
0x9d: {  	[sflag:s29] =	ssyncset.done @!p0 $0x0  }
0x9e: {  	[sflag:s29] =	ssyncadd.s32 @!p0 $0xFFFFFFF0  }
0x9f: {  	v1 =	vld [tilespmem:s28+$0x2840];
	_ =	sdelay $0x4  }
0xa0: {  	vm12 =	vlt.s32 v1, $0x2  }
0xa1: {  	v2 =	vmpcnt.ones.xlane vm12;
	_ =	sdelay $0x1  }
0xa2: {  	(v2sf) =	vpush v2, $0x0;
	_ =	sdelay $0xe  }
0xa3: {  	s30 =	spop (v2sf)  }
0xa4: {  	p0 =	slt.s32 s30, $0x1  }
0xa5: {  	s29 =	sshra.s32 @!p0 s26, $0x2  }
0xa6: {  	v2 =	vld @!p0 [tilespmem:s29+$0x40];
	_ =	sdelay $0x3  }
0xa7: {  	vm0 =	veq.s32 @!p0 v1, $0x0;
	v3 =	vimm.f32 @!p0 $0.0e+00  }
0xa8: {  	vm1 =	veq.s32 @!p0 v1, $0x1;
	v1 =	vsel @!p0 vm0, $0x3F800000, v3  }
0xa9: {  	[tilespmem:$0x5080] =	vst @!p0 v1;
	v1 =	vsel @!p0 vm1, $0x3F800000, v3  }
0xaa: {  	vm0 =	vmmov @!p0 $0xffff;
	s29 =	simm.s32 @!p0 $0x5080;
	[tilespmem:$0x5100] =	vst @!p0 v1  }
0xab: {  	[spmem:s3] =	stream.indirect_vreg.scatter.add.f32 @!p0 [tilespmem:s29], [sflag:$0x3], $0x1, v2, vm0, $0xb8;
	[tilespmem:$0x5900] =	vst v63  }
0xac: {  	s29 =	simm.s32 @!p0 $0x3  }
0xad: {  	_ =	swait.ge @!p0 [sflag:s29], $0x10  }
0xae: {  	[sflag:s29] =	ssyncset.done @!p0 $0x0  }
0xaf: {  	s30 =	simm.s32 @!p0 $0x5100;
	[sflag:s29] =	ssyncadd.s32 @!p0 $0xFFFFFFF0  }
0xb0: {  	[spmem:s4] =	stream.indirect_vreg.scatter.add.f32 @!p0 [tilespmem:s30], [sflag:$0x3], $0x1, v2, vm0, $0xb8;
	[tilespmem:$0x5900] =	vst v63  }
0xb1: {  	_ =	swait.ge @!p0 [sflag:s29], $0x10  }
0xb2: {  	[sflag:s29] =	ssyncset.done @!p0 $0x0  }
0xb3: {  	[sflag:s29] =	ssyncadd.s32 @!p0 $0xFFFFFFF0  }
0xb4: {  	v1 =	vld [tilespmem:s28+$0x2850];
	_ =	sdelay $0x4  }
0xb5: {  	vm13 =	vlt.s32 v1, $0x2  }
0xb6: {  	v2 =	vmpcnt.ones.xlane vm13;
	_ =	sdelay $0x1  }
0xb7: {  	(v2sf) =	vpush v2, $0x0;
	_ =	sdelay $0xe  }
0xb8: {  	s31 =	spop (v2sf)  }
0xb9: {  	p0 =	slt.s32 s31, $0x1  }
0xba: {  	s29 =	sshra.s32 @!p0 s26, $0x2  }
0xbb: {  	v2 =	vld @!p0 [tilespmem:s29+$0x50];
	_ =	sdelay $0x3  }
0xbc: {  	vm0 =	veq.s32 @!p0 v1, $0x0;
	v3 =	vimm.f32 @!p0 $0.0e+00  }
0xbd: {  	vm1 =	veq.s32 @!p0 v1, $0x1;
	v1 =	vsel @!p0 vm0, $0x3F800000, v3  }
0xbe: {  	[tilespmem:$0x5080] =	vst @!p0 v1;
	v1 =	vsel @!p0 vm1, $0x3F800000, v3  }
0xbf: {  	vm0 =	vmmov @!p0 $0xffff;
	s29 =	simm.s32 @!p0 $0x5080;
	[tilespmem:$0x5100] =	vst @!p0 v1  }
0xc0: {  	[spmem:s3] =	stream.indirect_vreg.scatter.add.f32 @!p0 [tilespmem:s29], [sflag:$0x3], $0x1, v2, vm0, $0xb8;
	[tilespmem:$0x5900] =	vst v63  }
0xc1: {  	s29 =	simm.s32 @!p0 $0x3  }
0xc2: {  	_ =	swait.ge @!p0 [sflag:s29], $0x10  }
0xc3: {  	[sflag:s29] =	ssyncset.done @!p0 $0x0  }
0xc4: {  	s30 =	simm.s32 @!p0 $0x5100;
	[sflag:s29] =	ssyncadd.s32 @!p0 $0xFFFFFFF0  }
0xc5: {  	[spmem:s4] =	stream.indirect_vreg.scatter.add.f32 @!p0 [tilespmem:s30], [sflag:$0x3], $0x1, v2, vm0, $0xb8;
	[tilespmem:$0x5900] =	vst v63  }
0xc6: {  	_ =	swait.ge @!p0 [sflag:s29], $0x10  }
0xc7: {  	[sflag:s29] =	ssyncset.done @!p0 $0x0  }
0xc8: {  	[sflag:s29] =	ssyncadd.s32 @!p0 $0xFFFFFFF0  }
0xc9: {  	v1 =	vld [tilespmem:s28+$0x2860];
	_ =	sdelay $0x4  }
0xca: {  	vm14 =	vlt.s32 v1, $0x2  }
0xcb: {  	v2 =	vmpcnt.ones.xlane vm14;
	_ =	sdelay $0x1  }
0xcc: {  	(v2sf) =	vpush v2, $0x0;
	_ =	sdelay $0xe  }
0xcd: {  	s30 =	spop (v2sf)  }
0xce: {  	p0 =	slt.s32 s30, $0x1  }
0xcf: {  	s29 =	sshra.s32 @!p0 s26, $0x2  }
0xd0: {  	v2 =	vld @!p0 [tilespmem:s29+$0x60];
	_ =	sdelay $0x3  }
0xd1: {  	vm0 =	veq.s32 @!p0 v1, $0x0;
	v3 =	vimm.f32 @!p0 $0.0e+00  }
0xd2: {  	vm1 =	veq.s32 @!p0 v1, $0x1;
	v1 =	vsel @!p0 vm0, $0x3F800000, v3  }
0xd3: {  	[tilespmem:$0x5080] =	vst @!p0 v1;
	v1 =	vsel @!p0 vm1, $0x3F800000, v3  }
0xd4: {  	vm0 =	vmmov @!p0 $0xffff;
	s29 =	simm.s32 @!p0 $0x5080;
	[tilespmem:$0x5100] =	vst @!p0 v1  }
0xd5: {  	[spmem:s3] =	stream.indirect_vreg.scatter.add.f32 @!p0 [tilespmem:s29], [sflag:$0x3], $0x1, v2, vm0, $0xb8;
	[tilespmem:$0x5900] =	vst v63  }
0xd6: {  	s29 =	simm.s32 @!p0 $0x3  }
0xd7: {  	_ =	swait.ge @!p0 [sflag:s29], $0x10  }
0xd8: {  	[sflag:s29] =	ssyncset.done @!p0 $0x0  }
0xd9: {  	s30 =	simm.s32 @!p0 $0x5100;
	[sflag:s29] =	ssyncadd.s32 @!p0 $0xFFFFFFF0  }
0xda: {  	[spmem:s4] =	stream.indirect_vreg.scatter.add.f32 @!p0 [tilespmem:s30], [sflag:$0x3], $0x1, v2, vm0, $0xb8;
	[tilespmem:$0x5900] =	vst v63  }
0xdb: {  	_ =	swait.ge @!p0 [sflag:s29], $0x10  }
0xdc: {  	[sflag:s29] =	ssyncset.done @!p0 $0x0  }
0xdd: {  	[sflag:s29] =	ssyncadd.s32 @!p0 $0xFFFFFFF0  }
0xde: {  	v1 =	vld [tilespmem:s28+$0x2870];
	_ =	sdelay $0x4  }
0xdf: {  	vm15 =	vlt.s32 v1, $0x2  }
0xe0: {  	v2 =	vmpcnt.ones.xlane vm15;
	_ =	sdelay $0x1  }
0xe1: {  	(v2sf) =	vpush v2, $0x0;
	_ =	sdelay $0xe  }
0xe2: {  	s31 =	spop (v2sf)  }
0xe3: {  	p0 =	slt.s32 s31, $0x1  }
0xe4: {  	s28 =	sshra.s32 @!p0 s26, $0x2  }
0xe5: {  	v2 =	vld @!p0 [tilespmem:s28+$0x70];
	_ =	sdelay $0x3  }
0xe6: {  	vm0 =	veq.s32 @!p0 v1, $0x0;
	v3 =	vimm.f32 @!p0 $0.0e+00  }
0xe7: {  	vm1 =	veq.s32 @!p0 v1, $0x1;
	v1 =	vsel @!p0 vm0, $0x3F800000, v3  }
0xe8: {  	[tilespmem:$0x5080] =	vst @!p0 v1;
	v1 =	vsel @!p0 vm1, $0x3F800000, v3  }
0xe9: {  	vm0 =	vmmov @!p0 $0xffff;
	s28 =	simm.s32 @!p0 $0x5080;
	[tilespmem:$0x5100] =	vst @!p0 v1  }
0xea: {  	[spmem:s3] =	stream.indirect_vreg.scatter.add.f32 @!p0 [tilespmem:s28], [sflag:$0x3], $0x1, v2, vm0, $0xb8;
	[tilespmem:$0x5900] =	vst v63  }
0xeb: {  	s28 =	simm.s32 @!p0 $0x3  }
0xec: {  	_ =	swait.ge @!p0 [sflag:s28], $0x10  }
0xed: {  	[sflag:s28] =	ssyncset.done @!p0 $0x0  }
0xee: {  	[sflag:s28] =	ssyncadd.s32 @!p0 $0xFFFFFFF0;
	s28 =	simm.s32 @!p0 $0x5100  }
0xef: {  	[spmem:s4] =	stream.indirect_vreg.scatter.add.f32 @!p0 [tilespmem:s28], [sflag:$0x2], $0x1, v2, vm0, $0xb8;
	[tilespmem:$0x5900] =	vst v63  }
.Ltmp3:
0xf0: {  	_ = 	snop;
	(pc) =	sbr.rel .LBB2_4-.Ltmp3, $4  }
0xf1: {  	s28 =	simm.s32 @!p0 $0x2  }
0xf2: {  	_ =	swait.ge @!p0 [sflag:s28], $0x10  }
0xf3: {  	[sflag:s28] =	ssyncset.done @!p0 $0x0  }
0xf4: {  	[sflag:s28] =	ssyncadd.s32 @!p0 $0xFFFFFFF0  }
.LBB2_5:
0xf5: {  	_ =	swait.ge [sflag:s22], $0x80  }
0xf6: {  	s26 =	simm.s32 $0x4F;
	[sflag:s22] =	ssyncset.done $0x0  }
.LBB2_6:
0xf7: {  	p0 =	sne.s32 s26, $0x1;
	s26 =	sadd.s32 $0xFFFFFFFF, s26;
	[sflag:s22] =	ssyncadd.s32 $0xFFFFFF80  }
.Ltmp4:
0xf8: {  	(pc) =	sbr.rel @p0 .LBB2_6-.Ltmp4, $3  }
0xf9: {  	_ =	sdelay $0x1  }
0xfa: {  	_ =	swait.ge [sflag:s22], $0x80  }
0xfb: {  	[sflag:s22] =	ssyncset.done $0x0  }
0xfc: {  	[sflag:s22] =	ssyncadd.s32 $0xFFFFFF80  }
0xfd: {  	[bflag:$0x0] =	sbarrier.arrive $0xFFFF  }
0xfe: {  	[hbm:s11@s23], [sflag:s7] =	dma.strided [spmem:s15@s24], $0x50, s22, $0x10   }
0xff: {  	_ =	swait.ge [sflag:s16], $0x50  }
0x100: {  	[sflag:s16] =	ssyncset.done $0x0  }
0x101: {  	[sflag:s16] =	ssyncadd.s32 $0xFFFFFFB0  }
0x102: {  	[hbm:s12@s23], [sflag:s7] =	dma.strided [spmem:s17@s24], $0x50, s22, $0x10   }
0x103: {  	s25 =	sadd.s32 $0x1, s25;
	_ =	swait.ge [sflag:s16], $0x50  }
0x104: {  	p0 =	sne.s32 s25, s14;
	[sflag:s16] =	ssyncset.done $0x0  }
.Ltmp5:
0x105: {  	[sflag:s16] =	ssyncadd.s32 $0xFFFFFFB0;
	(pc) =	sbr.rel @p0 .LBB2_1-.Ltmp5, $4  }
0x106: {  	[hbm:s13@s23], [sflag:s7] =	dma.strided [spmem:s18@s24], $0x50, s22, $0x10   }
0x107: {  	_ =	swait.ge [sflag:s16], $0x50  }
0x108: {  	[sflag:s16] =	ssyncset.done $0x0  }
0x109: {  	[sflag:s16] =	ssyncadd.s32 $0xFFFFFFB0  }
0x10a: {  	_ =	sfence.sel $0x180000  }
0x10b: {  	[bflag:$0x0] =	sbarrier.arrive $0xFFFF  }
0x10c: {  	p0 =	sne.s32 s2, $0x0;
	_ =	strace $0x90000047  }
0x10d: {  	s0 =	sadd.s32 @!p0 $0x100000, s1;
	[bflag:$0x2] =	sbarrier.arrive $0xFFFF  }
0x10e: {  	[sflag:s0] =	ssyncadd.tile.s32 @!p0 $0x1;
	_ =	shalt  }
.Lfunc_end2:
_tile_overlayer_lowered:
.L_overlay_start_2:
0x10f: {  	(tag) =	ssettag $0x2  }
0x110: {  	s0 =	rddreg [dreg:$0x0];
	s2 =	stileid.u32  }
0x111: {  	s1 =	rddreg [dreg:$0x1];
	p0 =	sne.s32 s2, $0x0  }
0x112: {  	s3 =	rddreg [dreg:$0x2];
	[bflag:$0x3] =	sbarrier.arrive $0xFFFF;
	s2 =	simm.s32 @!p0 $0x1C02  }
0x113: {  	[timem:s3], [sflag:s2] =	dma.local @!p0 [hbm:s0], s1  }
0x114: {  	s0 =	simm.s32 @!p0 $0x2  }
0x115: {  	_ =	swait.ge @!p0 [sflag:s0], s1  }
0x116: {  	s1 =	ssub.s32 @!p0 $0x0, s1;
	[sflag:s0] =	ssyncset.done @!p0 $0x0  }
0x117: {  	[sflag:s0] =	ssyncadd.s32 @!p0 s1  }
0x118: {  	[bflag:$0x3] =	sbarrier.arrive $0xFFFF  }
0x119: {  	_ =	shalt  }

// kernel: kernel.9.cloned.1.call-start
scs
__scs_entry_jumppad:
0x0: {  	(pc) =	sbr.rel $0x88, $3  }
0x1: {  	(tag) =	ssettag $0x0;
	lr =	simm.s32 $0x1  }
0x2: {  	[smem:$0x3F93] =	sst lr;
	_ =	strace $0xD0000000  }
0x3: {  	_ = 	snop  }
0x4: {  	_ = 	snop  }
0x5: {  	_ = 	snop  }
0x6: {  	_ = 	snop  }
0x7: {  	_ = 	snop  }
__scs_overlays_trampoline_lowered:
0x8: {  	[smem:$0x3FA2] =	sst s0  }
0x9: {  	[smem:$0x3FA3] =	sst s1  }
0xa: {  	[smem:$0x3FA4] =	sst s2  }
0xb: {  	[smem:$0x3FA5] =	sst s3  }
0xc: {  	[smem:$0x3FA6] =	sst s4  }
0xd: {  	[smem:$0x3FA7] =	sst s5  }
0xe: {  	[smem:$0x3FA8] =	sst s6  }
0xf: {  	[smem:$0x3FA9] =	sst s7  }
0x10: {  	[smem:$0x3FAA] =	sst s8  }
0x11: {  	[smem:$0x3FAB] =	sst s9;
	s0 =	simm.s32 @!p0 $0x0  }
0x12: {  	s1 =	sld [smem:$0x3F91];
	s0 =	simm.s32 @p0 $0x1  }
0x13: {  	[smem:$0x3FAC] =	sst s0;
	s0 =	simm.s32 @!p1 $0x0  }
0x14: {  	s2 =	sld [smem:$0x3F90];
	s0 =	simm.s32 @p1 $0x1  }
0x15: {  	[smem:$0x3FAD] =	sst s0;
	s0 =	simm.s32 @!p2 $0x0  }
0x16: {  	s3 =	sld [smem:$0x3FDB];
	s0 =	simm.s32 @p2 $0x1  }
0x17: {  	s4 =	simm.s32 $0x1BF5;
	[smem:$0x3FAF] =	sst s0  }
0x18: {  	s0 =	sld [smem:$0x3F92];
	_ =	swait.ge [sflag:s4], $0x0  }
0x19: {  	s7 =	sld [smem:$0x3F93]  }
0x1a: {  	s8 =	sadd.s32 $0xFFFFE003, lr  }
0x1b: {  	s9 =	sadd.s32 $0xFFFFFEF7, lr;
	s5 =	simm.s32 $0xFFFFFFFF;
	p2 =	slt.u32 s8, $0xFFFFF086  }
0x1c: {  	p1 =	slt.u32 s9, $0xF7A;
	s5 =	simm.s32 @!p2 $0x0  }
0x1d: {  	s5 =	simm.s32 @p1 $0x1;
	p0 =	seq.s32 s7, s2  }
0x1e: {  	s7 =	smul.u32 @!p0 $0xF7A, s2;
	p2 =	seq.s32 @!p0 s5, $0x0  }
0x1f: {  	s9 =	smul.u32 $0xF7A, s1;
	s8 =	simm.s32 @!p0 $0x1BF5;
	p2 =	por !p2, p0  }
0x20: {  	[sflag:s8] =	ssyncset.s32 @!p0 $0xFFFFF086;
	s6 =	sadd.s32 @!p0 s3, s7;
	s7 =	simm.s32 @!p0 $0x108  }
0x21: {  	s3 =	sadd.s32 s3, s9;
	s6 =	sadd.s32 @!p0 $0x88, s6;
	s7 =	simm.s32 @p2 $0x1082  }
0x22: {  	[simem:s7], [sflag:s8] =	dma.local @!p0 [hbm:s6], $0xF7A  }
0x23: {  	s9 =	sor.u32 $0xD0000000, s2;
	s6 =	simm.s32 $0x108;
	_ =	swait.ge @!p0 [sflag:s8], $0x0  }
0x24: {  	s3 =	sadd.s32 $0x88, s3;
	s6 =	simm.s32 @!p1 $0x1082;
	[sflag:s4] =	ssyncset.s32 $0xFFFFF086  }
0x25: {  	[simem:s6], [sflag:s4] =	dma.local [hbm:s3], $0xF7A  }
0x26: {  	[smem:$0x3F93] =	sst s1;
	(tag) =	ssettag s2;
	_ =	strace s9  }
0x27: {  	s1 =	sld [smem:$0x3FA3]  }
0x28: {  	s2 =	sld [smem:$0x3FA4]  }
0x29: {  	s4 =	sld [smem:$0x3FA6]  }
0x2a: {  	p0 =	seq.s32 s5, $0x0;
	s5 =	sld [smem:$0x3FA7]  }
0x2b: {  	s6 =	sld [smem:$0x3FA8]  }
0x2c: {  	s7 =	sld [smem:$0x3FA9]  }
0x2d: {  	s3 =	simm.s32 $0x108;
	s8 =	sld [smem:$0x3FAA]  }
0x2e: {  	s3 =	simm.s32 @!p0 $0x1082;
	s9 =	sld [smem:$0x3FAB]  }
0x2f: {  	lr =	sadd.s32 s0, s3;
	s0 =	sld [smem:$0x3FA2]  }
0x30: {  	s3 =	sld [smem:$0x3FA5]  }
0x31: {  	[smem:$0x3FAE] =	sst s10  }
0x32: {  	s10 =	sld [smem:$0x3FAC];
	_ =	sdelay $0x3  }
0x33: {  	p0 =	seq.s32 s10, $0x1;
	s10 =	sld [smem:$0x3FAE];
	_ =	sdelay $0x3  }
0x34: {  	[smem:$0x3FAE] =	sst s10  }
0x35: {  	s10 =	sld [smem:$0x3FAD];
	_ =	sdelay $0x3  }
0x36: {  	p1 =	seq.s32 s10, $0x1;
	s10 =	sld [smem:$0x3FAE];
	_ =	sdelay $0x3  }
0x37: {  	[smem:$0x3FAE] =	sst s10  }
0x38: {  	s10 =	sld [smem:$0x3FAF]  }
0x39: {  	_ = 	snop;
	(pc) =	sbr.ind lr, $3  }
0x3a: {  	_ = 	snop  }
0x3b: {  	_ = 	snop  }
0x3c: {  	p2 =	seq.s32 s10, $0x1;
	s10 =	sld [smem:$0x3FAE]  }
0x3d: {  	_ =	shalt  }
0x3e: {  	_ =	shalt  }
0x3f: {  	_ =	shalt  }
0x40: {  	_ =	shalt  }
0x41: {  	_ =	shalt  }
0x42: {  	_ =	shalt  }
0x43: {  	_ =	shalt  }
0x44: {  	_ =	shalt  }
0x45: {  	_ =	shalt  }
0x46: {  	_ =	shalt  }
0x47: {  	_ =	shalt  }
0x48: {  	_ =	shalt  }
0x49: {  	_ =	shalt  }
0x4a: {  	_ =	shalt  }
0x4b: {  	_ =	shalt  }
0x4c: {  	_ =	shalt  }
0x4d: {  	_ =	shalt  }
0x4e: {  	_ =	shalt  }
0x4f: {  	_ =	shalt  }
0x50: {  	_ =	shalt  }
0x51: {  	_ =	shalt  }
0x52: {  	_ =	shalt  }
0x53: {  	_ =	shalt  }
0x54: {  	_ =	shalt  }
0x55: {  	_ =	shalt  }
0x56: {  	_ =	shalt  }
0x57: {  	_ =	shalt  }
0x58: {  	_ =	shalt  }
0x59: {  	_ =	shalt  }
0x5a: {  	_ =	shalt  }
0x5b: {  	_ =	shalt  }
0x5c: {  	_ =	shalt  }
0x5d: {  	_ =	shalt  }
0x5e: {  	_ =	shalt  }
0x5f: {  	_ =	shalt  }
0x60: {  	_ =	shalt  }
0x61: {  	_ =	shalt  }
0x62: {  	_ =	shalt  }
0x63: {  	_ =	shalt  }
0x64: {  	_ =	shalt  }
0x65: {  	_ =	shalt  }
0x66: {  	_ =	shalt  }
0x67: {  	_ =	shalt  }
0x68: {  	_ =	shalt  }
0x69: {  	_ =	shalt  }
0x6a: {  	_ =	shalt  }
0x6b: {  	_ =	shalt  }
0x6c: {  	_ =	shalt  }
0x6d: {  	_ =	shalt  }
0x6e: {  	_ =	shalt  }
0x6f: {  	_ =	shalt  }
0x70: {  	_ =	shalt  }
0x71: {  	_ =	shalt  }
0x72: {  	_ =	shalt  }
0x73: {  	_ =	shalt  }
0x74: {  	_ =	shalt  }
0x75: {  	_ =	shalt  }
0x76: {  	_ =	shalt  }
0x77: {  	_ =	shalt  }
0x78: {  	_ =	shalt  }
0x79: {  	_ =	shalt  }
0x7a: {  	_ =	shalt  }
0x7b: {  	_ =	shalt  }
0x7c: {  	_ =	shalt  }
0x7d: {  	_ =	shalt  }
0x7e: {  	_ =	shalt  }
0x7f: {  	_ =	shalt  }
0x80: {  	_ =	shalt  }
0x81: {  	_ =	shalt  }
0x82: {  	_ =	shalt  }
0x83: {  	_ =	shalt  }
0x84: {  	_ =	shalt  }
0x85: {  	_ =	shalt  }
0x86: {  	_ =	shalt  }
0x87: {  	_ =	shalt  }
.Lfunc_end0:
.L_simem_size_0:
called_computation.1_lowered:
.L_overlay_start_0:
0x88: {  	s2 =	sld [smem:$0x3FD9]  }
0x89: {  	s3 =	sld [smem:$0x3FFE];
	_ =	sdelay $0x1  }
0x8a: {  	s1 =	srdreg.scid  }
0x8b: {  	s0 =	sand.u32 $0x1, s1  }
0x8c: {  	s16 =	sshll.u32 s0, $0xA;
	s2 =	sadd.s32 s3, s2  }
0x8d: {  	s2 =	sadd.s32 s2, s16  }
0x8e: {  	[smem:$0x3FBA] =	sst s2  }
0x8f: {  	_ = 	snop  }
0x90: {  	(tm) =	ssettm $0x1  }
0x91: {  	s17 =	sld [smem:$0x3FFB];
	_ =	sdelay $0x3  }
0x92: {  	_ =	strace s17  }
0x93: {  	s2 =	sld [smem:$0x3FFC];
	_ =	sdelay $0x3  }
0x94: {  	_ =	strace s2  }
0x95: {  	s2 =	sld [smem:$0x3FFD];
	_ =	sdelay $0x3  }
0x96: {  	_ =	strace s2  }
0x97: {  	_ =	strace $0x8FFFFFFF  }
0x98: {  	s18 =	sld [smem:$0x3FDB];
	_ =	sdelay $0x1  }
0x99: {  	s19 =	simm.s32 $_scs_section_size  }
0x9a: {  	s4 =	simm.s32 $_size__tile_overlayer_lowered;
	s5 =	simm.s32 $_tile_overlayer_lowered  }
0x9b: {  	s22 =	simm.s32 $0x1BFF;
	s21 =	sshll.u32 s5, $0x1;
	s2 =	sadd.s32 s19, s18  }
0x9c: {  	s6 =	simm.s32 $0x0;
	s20 =	sshll.u32 s4, $0x1;
	s4 =	sadd.s32 s21, s2  }
0x9d: {  	[timem:s6], [sflag:s22] =	dma.local [hbm:s4], s20  }
0x9e: {  	_ =	swait.ge [sflag:s22], s20  }
0x9f: {  	s3 =	ssub.s32 $0x0, s20;
	[sflag:s22] =	ssyncset.done $0x0  }
0xa0: {  	[sflag:s22] =	ssyncadd.s32 s3;
	_ =	sdelay $0x1  }
0xa1: {  	s23 =	simm.s32 $0x1B8B  }
0xa2: {  	_ =	swait.ge [sflag:s23], $0x1  }
0xa3: {  	[sflag:s23] =	ssyncset.done $0x0  }
0xa4: {  	s25 =	simm.s32 $0x1B8E;
	s24 =	sld [smem:$0x3FFE];
	[sflag:s23] =	ssyncadd.s32 $0xFFFFFFFF  }
0xa5: {  	s26 =	simm.s32 $execute0_lowered;
	[smem:$0x3FD2] =	sst s25  }
0xa6: {  	s4 =	sshll.u32 s26, $0x1;
	_ =	strace $0x80000049;
	[dreg:$0x1] =	wrdreg $0xFFFFFFFF  }
0xa7: {  	s28 =	simm.s32 $_size_execute0_lowered;
	s2 =	sadd.s32 s2, s4;
	[dreg:$0x0] =	wrdreg $0x0  }
0xa8: {  	s4 =	sshll.u32 s28, $0x1;
	[dreg:$0x2] =	wrdreg s2  }
0xa9: {  	[dreg:$0x3] =	wrdreg s4  }
0xaa: {  	[dreg:$0x4] =	wrdreg $0xC0  }
0xab: {  	_ =	task [dreg:s6], $0x5FFFF  }
0xac: {  	[dreg:$0x1] =	wrdreg $0xFFFFFFFF  }
0xad: {  	[dreg:$0x0] =	wrdreg $0x60  }
0xae: {  	[dreg:$0x2] =	wrdreg s24  }
0xaf: {  	[dreg:$0x3] =	wrdreg $0xB8000  }
0xb0: {  	[dreg:$0x4] =	wrdreg $0x9  }
0xb1: {  	_ =	task.clear_ibuf [dreg:s6], $0x5FFFF;
	_ =	strace $0x90000049  }
0xb2: {  	s29 =	simm.s32 $0x9;
	_ =	strace $0x8000004B  }
0xb3: {  	_ =	swait.ge [sflag:s29], $0x1  }
0xb4: {  	[sflag:s29] =	ssyncadd.s32 $0xFFFFFFFF  }
0xb5: {  	_ =	strace $0x9000004B  }
0xb6: {  	_ =	sfence  }
0xb7: {  	s30 =	sld [smem:$0x0];
	_ =	sdelay $0x2  }
0xb8: {  	s31 =	sshll.u32 s1, $0xD;
	s1 =	sshrl.u32 s1, $0x2  }
0xb9: {  	s3 =	sand.u32 $0x4000, s31;
	s1 =	sadd.s32 s1, s30  }
0xba: {  	s0 =	sor.u32 s3, s0;
	s1 =	sshll.u32 s1, $0x11  }
0xbb: {  	s0 =	sor.u32 s1, s0  }
0xbc: {  	s0 =	sadd.s32 $0x8F2B, s0  }
0xbd: {  	[sflag:s0] =	ssyncadd.remote.s32 $0x1  }
0xbe: {  	_ =	sfence.sel $0xFFFF  }
0xbf: {  	[dreg:$0x0] =	wrdreg $0xFFFFFFFF;
	(pc) =	sbr.abs _section_cstart, $3  }
0xc0: {  	[dreg:$0x1] =	wrdreg $0xFFFFFFFF  }
0xc1: {  	_ =	task.clear_ibuf [dreg:s6], $0x2FFFF;
	_ =	strace $0x9FFFFFFF  }
0xc2: {  	(tm) =	ssettm $0x7FFFFFFF  }
0xc3: {  	_ =	shalt  }
tec
execute0_lowered:
.L_overlay_start_1:
0x0: {  	(tag) =	ssettag $0x1  }
0x1: {  	s0 =	srdreg.scid;
	s6 =	rddreg [dreg:$0x0]  }
0x2: {  	s2 =	rddreg [dreg:$0x1];
	s9 =	sand.u32 $0x1, s0  }
0x3: {  	s0 =	stileid.u32;
	s4 =	smul.u32 $0x28000, s9  }
0x4: {  	s1 =	rddreg [dreg:$0x2];
	s3 =	simm.s32 $0x0;
	s5 =	smul.u32 $0x2800, s0  }
0x5: {  	s15 =	simm.s32 $0x5000;
	s17 =	simm.s32 $0x2800;
	s29 =	smul.u32 $0x140000, s9  }
0x6: {  	s18 =	simm.s32 $0x0;
	[smem:$0x7FF] =	sst s3;
	s7 =	smul.u32 $0x14000, s0  }
0x7: {  	_ =	strace $0x8000004A;
	s10 =	sshll.u32 s9, $0x4;
	s14 =	smul.u32 $0x50000, s0  }
0x8: {  	s30 =	ssub.s32 $0x2, s9;
	s16 =	smul.u32 $0x2800, s9;
	s10 =	sadd.s32 s10, s6  }
0x9: {  	s13 =	sshrl.u32 s30, $0x1;
	s11 =	sadd.s32 s5, s4;
	s5 =	sadd.s32 s7, s29  }
0xa: {  	s13 =	ssub.s32 s30, s13;
	s31 =	sshrl.u32 s14, $0x2;
	s14 =	simm.s32 $0x100  }
0xb: {  	v0 =	vmov s16;
	s16 =	simm.s32 $0x2;
	s4 =	sshrl.u32 s11, $0x3;
	s12 =	sshrl.u32 s5, $0x3  }
0xc: {  	s5 =	smul.u32 $0x280, s0;
	s9 =	smax.u32 s13, $0x1;
	s13 =	simm.s32 $0x80  }
0xd: {  	s8 =	sadd.s32 s4, s6;
	s4 =	sadd.s32 $0x16200, s6;
	s12 =	sadd.s32 s12, s6  }
0xe: {  	s6 =	sadd.s32 $0x66200, s10;
	s10 =	sadd.s32 s31, s2;
	s7 =	sadd.s32 $0xC200, s8  }
0xf: {  	s8 =	sadd.s32 $0x2200, s8;
	s11 =	sadd.s32 s4, s11;
	s12 =	sadd.s32 $0x66C00, s12  }
.LBB2_1:
0x10: {  	[tilespmem:s15], [sflag:$0x2] =	stream.strided.gather [hbm4b:s6+s13], $0x2800, s14, s13, $0x38;
	[tilespmem:$0x1F800] =	vst v63  }
0x11: {  	_ =	swait.ge [sflag:s16], $0x2800  }
0x12: {  	[sflag:s16] =	ssyncset.done $0x0  }
0x13: {  	[sflag:s16] =	ssyncadd.s32 $0xFFFFD800  }
0x14: {  	[tilespmem:s3], [sflag:$0x2] =	stream.linear.gather [hbm4b:s7+s3], $0x2800, $0x38;
	[tilespmem:$0x1F800] =	vst v63  }
0x15: {  	_ =	swait.ge [sflag:s16], $0x2800  }
0x16: {  	[sflag:s16] =	ssyncset.done $0x0  }
0x17: {  	[sflag:s16] =	ssyncadd.s32 $0xFFFFD800  }
0x18: {  	[tilespmem:s17], [sflag:$0x2] =	stream.linear.gather [hbm4b:s8+s3], $0x2800, $0x38;
	[tilespmem:$0x1F800] =	vst v63  }
0x19: {  	s19 =	sadd.s32 $0x0, s5;
	_ =	swait.ge [sflag:s16], $0x2800  }
0x1a: {  	s20 =	sand.u32 $0x70, s3;
	s19 =	sand.u32 $0x7F80, s19;
	[sflag:s16] =	ssyncset.done $0x0  }
0x1b: {  	s19 =	sor.u32 s20, s19;
	[sflag:s16] =	ssyncadd.s32 $0xFFFFD800  }
0x1c: {  	v1 =	vld [tilespmem:s19+$0x5000];
	_ =	sdelay $0x4  }
0x1d: {  	vm0 =	vgt.f32 v1, $0.0e+00  }
0x1e: {  	v1 =	vmpcnt.ones.xlane vm0;
	_ =	sdelay $0x1  }
0x1f: {  	(v2sf) =	vpush v1, $0x0;
	_ =	sdelay $0xe  }
0x20: {  	s31 =	spop (v2sf)  }
0x21: {  	p1 =	slt.s32 s31, $0x1  }
0x22: {  	s19 =	sshll.u32 @!p1 s0, $0x6  }
0x23: {  	s21 =	smov.u32 s11;
	s20 =	sshrl.u32 @!p1 s10, $0x3;
	s19 =	sor.u32 @!p1 $0x1C02, s19  }
0x24: {  	[spmem:s20], [sflag:s19] =	dma.local @!p1 [hbm:s11], $0x100  }
0x25: {  	s22 =	simm.s32 @!p1 $0x2;
	s19 =	simm.s32 $0x10;
	s20 =	smov.u32 s10  }
.LBB2_2:
0x26: {  	s23 =	sadd.s32 s19, s5;
	s24 =	sand.u32 $0x70, s19;
	_ =	swait.ge @!p1 [sflag:s22], $0x100  }
0x27: {  	s19 =	sadd.s32 $0x10, s19;
	s23 =	sand.u32 $0x7F80, s23;
	[sflag:s22] =	ssyncset.done @!p1 $0x0  }
0x28: {  	p0 =	sne.s32 s19, $0x280;
	s23 =	sor.u32 s24, s23;
	[sflag:s22] =	ssyncadd.s32 @!p1 $0xFFFFFF00  }
0x29: {  	v1 =	vld [tilespmem:s23+$0x5000];
	_ =	sdelay $0x4  }
0x2a: {  	vm0 =	vgt.f32 v1, $0.0e+00  }
0x2b: {  	v1 =	vmpcnt.ones.xlane vm0;
	_ =	sdelay $0x1  }
0x2c: {  	(v2sf) =	vpush v1, $0x0;
	_ =	sdelay $0xe  }
.Ltmp0:
0x2d: {  	s22 =	spop (v2sf);
	(pc) =	sbr.rel @p0 .LBB2_2-.Ltmp0, $4  }
0x2e: {  	p1 =	slt.s32 s22, $0x1  }
0x2f: {  	s20 =	sadd.s32 $0x800, s20;
	s21 =	sadd.s32 $0x100, s21;
	s22 =	sshll.u32 @!p1 s0, $0x6  }
0x30: {  	s24 =	sshrl.u32 @!p1 s20, $0x3;
	s23 =	sor.u32 @!p1 $0x1C02, s22;
	s22 =	simm.s32 @!p1 $0x2  }
0x31: {  	[spmem:s24], [sflag:s23] =	dma.local @!p1 [hbm:s21], $0x100  }
.Ltmp1:
0x32: {  	_ =	swait.ge @!p1 [sflag:s22], $0x100;
	(pc) =	sbr.rel .LBB2_4-.Ltmp1, $4  }
0x33: {  	[sflag:s22] =	ssyncset.done @!p1 $0x0  }
0x34: {  	[sflag:s22] =	ssyncadd.s32 @!p1 $0xFFFFFF00  }
0x35: {  	[bflag:$0x0] =	sbarrier.arrive $0xFFFF  }
0x36: {  	s19 =	simm.s32 $0x0  }
.LBB2_6:
0x37: {  	s19 =	sadd.s32 $0x200, s19  }
0x38: {  	p0 =	sne.s32 s19, $0xA000  }
.Ltmp2:
0x39: {  	_ = 	snop;
	(pc) =	sbr.rel @!p0 .LBB2_7-.Ltmp2, $1  }
0x3a: {  	_ =	sdelay $0x3  }
.LBB2_4:
0x3b: {  	s20 =	sshra.s32 s19, $0x2  }
0x3c: {  	v1 =	vld [tilespmem:s20+$0x2810]  }
0x3d: {  	v2 =	vld [tilespmem:s20+$0x2820]  }
0x3e: {  	v3 =	vld [tilespmem:s20+$0x2830]  }
0x3f: {  	v4 =	vld [tilespmem:s20+$0x2840]  }
0x40: {  	v5 =	vld [tilespmem:s20+$0x2850]  }
0x41: {  	v6 =	vld [tilespmem:s20+$0x2860]  }
0x42: {  	v7 =	vld [tilespmem:s20+$0x2870]  }
0x43: {  	v8 =	vld [tilespmem:s20+$0x2800]  }
0x44: {  	v1 =	vld.idx.msk [tilespmem:v1+s15+$0x0], $0xffff  }
0x45: {  	v2 =	vld.idx.msk [tilespmem:v2+s15+$0x0], $0xffff  }
0x46: {  	v3 =	vld.idx.msk [tilespmem:v3+s15+$0x0], $0xffff  }
0x47: {  	v4 =	vld.idx.msk [tilespmem:v4+s15+$0x0], $0xffff  }
0x48: {  	v5 =	vld.idx.msk [tilespmem:v5+s15+$0x0], $0xffff  }
0x49: {  	v6 =	vld.idx.msk [tilespmem:v6+s15+$0x0], $0xffff  }
0x4a: {  	vm0 =	vgt.f32 v1, $0.0e+00;
	vm1 =	vgt.f32 v2, $0.0e+00;
	v1 =	vld.idx.msk [tilespmem:v7+s15+$0x0], $0xffff  }
0x4b: {  	vm2 =	vgt.f32 v3, $0.0e+00;
	v2 =	vld.idx.msk [tilespmem:v8+s15+$0x0], $0xffff;
	vm0 =	vmor vm0, vm1  }
0x4c: {  	vm1 =	vgt.f32 v4, $0.0e+00;
	vm0 =	vmor vm0, vm2  }
0x4d: {  	vm2 =	vgt.f32 v5, $0.0e+00;
	vm0 =	vmor vm0, vm1  }
0x4e: {  	vm1 =	vgt.f32 v6, $0.0e+00;
	vm0 =	vmor vm0, vm2  }
0x4f: {  	vm2 =	vgt.f32 v1, $0.0e+00;
	vm1 =	vmor vm0, vm1  }
0x50: {  	vm0 =	vgt.f32 v2, $0.0e+00;
	vm1 =	vmor vm1, vm2  }
0x51: {  	vm1 =	vmor vm0, vm1  }
0x52: {  	v1 =	vmpcnt.ones.xlane vm1;
	_ =	sdelay $0x1  }
0x53: {  	(v2sf) =	vpush v1, $0x0;
	_ =	sdelay $0xe  }
0x54: {  	s21 =	spop (v2sf)  }
0x55: {  	p0 =	slt.s32 s21, $0x1  }
.Ltmp3:
0x56: {  	_ = 	snop;
	(pc) =	sbr.rel @p0 .LBB2_6-.Ltmp3, $1  }
0x57: {  	_ =	sdelay $0x3  }
0x58: {  	v1 =	vmpcnt.ones.xlane vm0;
	_ =	sdelay $0x1  }
0x59: {  	(v2sf) =	vpush v1, $0x0;
	_ =	sdelay $0xe  }
0x5a: {  	s21 =	spop (v2sf)  }
0x5b: {  	p0 =	slt.s32 s21, $0x1  }
0x5c: {  	s21 =	sshra.s32 @!p0 s19, $0x2  }
0x5d: {  	v1 =	vld @!p0 [tilespmem:s21+$0x0];
	_ =	sdelay $0x4  }
0x5e: {  	v1 =	vadd.s32 @!p0 v0, v1;
	_ =	sdelay $0x3  }
0x5f: {  	vm0 =	vmmov @!p0 $0xffff;
	s22 =	simm.s32 @!p0 $0x7800;
	s21 =	simm.s32 @!p0 $0x0  }
0x60: {  	[tilespmem:s22], [sflag:$0x1] =	stream.indirect_vreg.gather @!p0 [hbm4b:s4+s21], $0x80, v1, vm0, $0xb8;
	[tilespmem:$0x1F800] =	vst v63  }
0x61: {  	v1 =	vld [tilespmem:s20+$0x2810];
	_ =	sdelay $0x7  }
0x62: {  	v1 =	vld.idx.msk [tilespmem:v1+s15+$0x0], $0xffff;
	_ =	sdelay $0x4  }
0x63: {  	vm13 =	vgt.f32 v1, $0.0e+00  }
0x64: {  	v1 =	vmpcnt.ones.xlane vm13;
	_ =	sdelay $0x1  }
0x65: {  	(v2sf) =	vpush v1, $0x0;
	_ =	sdelay $0xe  }
0x66: {  	s25 =	spop (v2sf)  }
0x67: {  	p0 =	slt.s32 s25, $0x1  }
0x68: {  	s21 =	sshra.s32 @!p0 s19, $0x2  }
0x69: {  	v1 =	vld @!p0 [tilespmem:s21+$0x10];
	_ =	sdelay $0x4  }
0x6a: {  	v1 =	vadd.s32 @!p0 v0, v1;
	_ =	sdelay $0x3  }
0x6b: {  	vm0 =	vmmov @!p0 $0xffff;
	s22 =	simm.s32 @!p0 $0x8000;
	s21 =	simm.s32 @!p0 $0x0  }
0x6c: {  	[tilespmem:s22], [sflag:$0x1] =	stream.indirect_vreg.gather @!p0 [hbm4b:s4+s21], $0x80, v1, vm0, $0xb8;
	[tilespmem:$0x1F800] =	vst v63  }
0x6d: {  	v1 =	vld [tilespmem:s20+$0x2820];
	_ =	sdelay $0x7  }
0x6e: {  	v1 =	vld.idx.msk [tilespmem:v1+s15+$0x0], $0xffff;
	_ =	sdelay $0x4  }
0x6f: {  	vm14 =	vgt.f32 v1, $0.0e+00  }
0x70: {  	v1 =	vmpcnt.ones.xlane vm14;
	_ =	sdelay $0x1  }
0x71: {  	(v2sf) =	vpush v1, $0x0;
	_ =	sdelay $0xe  }
0x72: {  	s26 =	spop (v2sf)  }
0x73: {  	p0 =	slt.s32 s26, $0x1  }
0x74: {  	s21 =	sshra.s32 @!p0 s19, $0x2  }
0x75: {  	v1 =	vld @!p0 [tilespmem:s21+$0x20];
	_ =	sdelay $0x4  }
0x76: {  	v1 =	vadd.s32 @!p0 v0, v1;
	_ =	sdelay $0x3  }
0x77: {  	vm0 =	vmmov @!p0 $0xffff;
	s22 =	simm.s32 @!p0 $0x8800;
	s21 =	simm.s32 @!p0 $0x0  }
0x78: {  	[tilespmem:s22], [sflag:$0x1] =	stream.indirect_vreg.gather @!p0 [hbm4b:s4+s21], $0x80, v1, vm0, $0xb8;
	[tilespmem:$0x1F800] =	vst v63  }
0x79: {  	v1 =	vld [tilespmem:s20+$0x2830];
	_ =	sdelay $0x7  }
0x7a: {  	v1 =	vld.idx.msk [tilespmem:v1+s15+$0x0], $0xffff;
	_ =	sdelay $0x4  }
0x7b: {  	vm15 =	vgt.f32 v1, $0.0e+00  }
0x7c: {  	v1 =	vmpcnt.ones.xlane vm15;
	_ =	sdelay $0x1  }
0x7d: {  	(v2sf) =	vpush v1, $0x0;
	_ =	sdelay $0xe  }
0x7e: {  	s28 =	spop (v2sf)  }
0x7f: {  	p0 =	slt.s32 s28, $0x1  }
0x80: {  	s21 =	sshra.s32 @!p0 s19, $0x2  }
0x81: {  	v1 =	vld @!p0 [tilespmem:s21+$0x30];
	_ =	sdelay $0x4  }
0x82: {  	v1 =	vadd.s32 @!p0 v0, v1;
	_ =	sdelay $0x3  }
0x83: {  	vm0 =	vmmov @!p0 $0xffff;
	s22 =	simm.s32 @!p0 $0x9000;
	s21 =	simm.s32 @!p0 $0x0  }
0x84: {  	[tilespmem:s22], [sflag:$0x1] =	stream.indirect_vreg.gather @!p0 [hbm4b:s4+s21], $0x80, v1, vm0, $0xb8;
	[tilespmem:$0x1F800] =	vst v63  }
0x85: {  	v1 =	vld [tilespmem:s20+$0x2840];
	_ =	sdelay $0x7  }
0x86: {  	v1 =	vld.idx.msk [tilespmem:v1+s15+$0x0], $0xffff;
	_ =	sdelay $0x4  }
0x87: {  	vm4 =	vgt.f32 v1, $0.0e+00  }
0x88: {  	v1 =	vmpcnt.ones.xlane vm4;
	_ =	sdelay $0x1  }
0x89: {  	(v2sf) =	vpush v1, $0x0;
	_ =	sdelay $0xe  }
0x8a: {  	s29 =	spop (v2sf)  }
0x8b: {  	p0 =	slt.s32 s29, $0x1  }
0x8c: {  	s21 =	sshra.s32 @!p0 s19, $0x2  }
0x8d: {  	v1 =	vld @!p0 [tilespmem:s21+$0x40];
	_ =	sdelay $0x4  }
0x8e: {  	v1 =	vadd.s32 @!p0 v0, v1;
	_ =	sdelay $0x3  }
0x8f: {  	vm0 =	vmmov @!p0 $0xffff;
	s22 =	simm.s32 @!p0 $0x9800;
	s21 =	simm.s32 @!p0 $0x0  }
0x90: {  	[tilespmem:s22], [sflag:$0x1] =	stream.indirect_vreg.gather @!p0 [hbm4b:s4+s21], $0x80, v1, vm0, $0xb8;
	[tilespmem:$0x1F800] =	vst v63  }
0x91: {  	v1 =	vld [tilespmem:s20+$0x2850];
	_ =	sdelay $0x7  }
0x92: {  	v1 =	vld.idx.msk [tilespmem:v1+s15+$0x0], $0xffff;
	_ =	sdelay $0x4  }
0x93: {  	vm5 =	vgt.f32 v1, $0.0e+00  }
0x94: {  	v1 =	vmpcnt.ones.xlane vm5;
	_ =	sdelay $0x1  }
0x95: {  	(v2sf) =	vpush v1, $0x0;
	_ =	sdelay $0xe  }
0x96: {  	s30 =	spop (v2sf)  }
0x97: {  	p0 =	slt.s32 s30, $0x1  }
0x98: {  	s21 =	sshra.s32 @!p0 s19, $0x2  }
0x99: {  	v1 =	vld @!p0 [tilespmem:s21+$0x50];
	_ =	sdelay $0x4  }
0x9a: {  	v1 =	vadd.s32 @!p0 v0, v1;
	_ =	sdelay $0x3  }
0x9b: {  	vm0 =	vmmov @!p0 $0xffff;
	s22 =	simm.s32 @!p0 $0xA000;
	s21 =	simm.s32 @!p0 $0x0  }
0x9c: {  	[tilespmem:s22], [sflag:$0x1] =	stream.indirect_vreg.gather @!p0 [hbm4b:s4+s21], $0x80, v1, vm0, $0xb8;
	[tilespmem:$0x1F800] =	vst v63  }
0x9d: {  	v1 =	vld [tilespmem:s20+$0x2860];
	_ =	sdelay $0x7  }
0x9e: {  	v1 =	vld.idx.msk [tilespmem:v1+s15+$0x0], $0xffff;
	_ =	sdelay $0x4  }
0x9f: {  	vm6 =	vgt.f32 v1, $0.0e+00  }
0xa0: {  	v1 =	vmpcnt.ones.xlane vm6;
	_ =	sdelay $0x1  }
0xa1: {  	(v2sf) =	vpush v1, $0x0;
	_ =	sdelay $0xe  }
0xa2: {  	s31 =	spop (v2sf)  }
0xa3: {  	p0 =	slt.s32 s31, $0x1  }
0xa4: {  	s21 =	sshra.s32 @!p0 s19, $0x2  }
0xa5: {  	v1 =	vld @!p0 [tilespmem:s21+$0x60];
	_ =	sdelay $0x4  }
0xa6: {  	v1 =	vadd.s32 @!p0 v0, v1;
	_ =	sdelay $0x3  }
0xa7: {  	vm0 =	vmmov @!p0 $0xffff;
	s22 =	simm.s32 @!p0 $0xA800;
	s21 =	simm.s32 @!p0 $0x0  }
0xa8: {  	[tilespmem:s22], [sflag:$0x1] =	stream.indirect_vreg.gather @!p0 [hbm4b:s4+s21], $0x80, v1, vm0, $0xb8;
	[tilespmem:$0x1F800] =	vst v63  }
0xa9: {  	v1 =	vld [tilespmem:s20+$0x2870];
	_ =	sdelay $0x7  }
0xaa: {  	v1 =	vld.idx.msk [tilespmem:v1+s15+$0x0], $0xffff;
	_ =	sdelay $0x4  }
0xab: {  	vm7 =	vgt.f32 v1, $0.0e+00  }
0xac: {  	v1 =	vmpcnt.ones.xlane vm7;
	_ =	sdelay $0x1  }
0xad: {  	(v2sf) =	vpush v1, $0x0;
	_ =	sdelay $0xe  }
0xae: {  	s22 =	spop (v2sf)  }
0xaf: {  	p0 =	slt.s32 s22, $0x1  }
0xb0: {  	s21 =	sshra.s32 @!p0 s19, $0x2  }
0xb1: {  	v1 =	vld @!p0 [tilespmem:s21+$0x70];
	_ =	sdelay $0x4  }
0xb2: {  	v1 =	vadd.s32 @!p0 v0, v1;
	_ =	sdelay $0x3  }
0xb3: {  	vm0 =	vmmov @!p0 $0xffff;
	s22 =	simm.s32 @!p0 $0xB000;
	s21 =	simm.s32 @!p0 $0x0  }
0xb4: {  	[tilespmem:s22], [sflag:$0x1] =	stream.indirect_vreg.gather @!p0 [hbm4b:s4+s21], $0x80, v1, vm0, $0xb8;
	[tilespmem:$0x1F800] =	vst v63  }
0xb5: {  	v1 =	vld [tilespmem:s20+$0x2800];
	_ =	sdelay $0x7  }
0xb6: {  	v2 =	vld.idx.msk [tilespmem:v1+s15+$0x0], $0xffff;
	_ =	sdelay $0x4  }
0xb7: {  	vm8 =	vgt.f32 v2, $0.0e+00  }
0xb8: {  	v3 =	vmpcnt.ones.xlane vm8;
	_ =	sdelay $0x1  }
0xb9: {  	(v2sf) =	vpush v3, $0x0;
	_ =	sdelay $0xe  }
0xba: {  	s23 =	spop (v2sf)  }
0xbb: {  	p0 =	slt.s32 s23, $0x1  }
0xbc: {  	v3 =	vlaneseq.u32 @!p0  }
0xbd: {  	v3 =	vand.u32 @!p0 $0x7, v3  }
0xbe: {  	vm0 =	vgt.f32 @!p0 v2, $0.0e+00;
	v2 =	vor.u32 @!p0 $0x2710, v3  }
0xbf: {  	v1 =	vsel @!p0 vm0, v1, v2  }
0xc0: {  	s21 =	simm.s32 @!p0 $0x1  }
0xc1: {  	_ =	swait.ge @!p0 [sflag:s21], $0x800  }
0xc2: {  	[sflag:s21] =	ssyncset.done @!p0 $0x0  }
0xc3: {  	[sflag:s21] =	ssyncadd.s32 @!p0 $0xFFFFF800;
	vm0 =	vmmov @!p0 $0xffff;
	s21 =	simm.s32 @!p0 $0x7800  }
0xc4: {  	[spmem:s2] =	stream.indirect_vreg.scatter.add.f32 @!p0 [tilespmem:s21], [sflag:$0x3], $0x80, v1, vm0, $0xb8;
	[tilespmem:$0x1F800] =	vst v63  }
0xc5: {  	s21 =	simm.s32 @!p0 $0x3  }
0xc6: {  	_ =	swait.ge @!p0 [sflag:s21], $0x800  }
0xc7: {  	[sflag:s21] =	ssyncset.done @!p0 $0x0  }
0xc8: {  	[sflag:s21] =	ssyncadd.s32 @!p0 $0xFFFFF800  }
0xc9: {  	v1 =	vld [tilespmem:s20+$0x2810];
	_ =	sdelay $0x7  }
0xca: {  	v2 =	vld.idx.msk [tilespmem:v1+s15+$0x0], $0xffff;
	_ =	sdelay $0x4  }
0xcb: {  	vm9 =	vgt.f32 v2, $0.0e+00  }
0xcc: {  	v3 =	vmpcnt.ones.xlane vm9;
	_ =	sdelay $0x1  }
0xcd: {  	(v2sf) =	vpush v3, $0x0;
	_ =	sdelay $0xe  }
0xce: {  	s24 =	spop (v2sf)  }
0xcf: {  	p0 =	slt.s32 s24, $0x1  }
0xd0: {  	v3 =	vlaneseq.u32 @!p0  }
0xd1: {  	v3 =	vand.u32 @!p0 $0x7, v3  }
0xd2: {  	vm0 =	vgt.f32 @!p0 v2, $0.0e+00;
	v2 =	vor.u32 @!p0 $0x2710, v3  }
0xd3: {  	v1 =	vsel @!p0 vm0, v1, v2  }
0xd4: {  	s21 =	simm.s32 @!p0 $0x1  }
0xd5: {  	_ =	swait.ge @!p0 [sflag:s21], $0x800  }
0xd6: {  	[sflag:s21] =	ssyncset.done @!p0 $0x0  }
0xd7: {  	[sflag:s21] =	ssyncadd.s32 @!p0 $0xFFFFF800;
	vm0 =	vmmov @!p0 $0xffff;
	s21 =	simm.s32 @!p0 $0x8000  }
0xd8: {  	[spmem:s2] =	stream.indirect_vreg.scatter.add.f32 @!p0 [tilespmem:s21], [sflag:$0x3], $0x80, v1, vm0, $0xb8;
	[tilespmem:$0x1F800] =	vst v63  }
0xd9: {  	s21 =	simm.s32 @!p0 $0x3  }
0xda: {  	_ =	swait.ge @!p0 [sflag:s21], $0x800  }
0xdb: {  	[sflag:s21] =	ssyncset.done @!p0 $0x0  }
0xdc: {  	[sflag:s21] =	ssyncadd.s32 @!p0 $0xFFFFF800  }
0xdd: {  	v1 =	vld [tilespmem:s20+$0x2820];
	_ =	sdelay $0x7  }
0xde: {  	v2 =	vld.idx.msk [tilespmem:v1+s15+$0x0], $0xffff;
	_ =	sdelay $0x4  }
0xdf: {  	vm10 =	vgt.f32 v2, $0.0e+00  }
0xe0: {  	v3 =	vmpcnt.ones.xlane vm10;
	_ =	sdelay $0x1  }
0xe1: {  	(v2sf) =	vpush v3, $0x0;
	_ =	sdelay $0xe  }
0xe2: {  	s25 =	spop (v2sf)  }
0xe3: {  	p0 =	slt.s32 s25, $0x1  }
0xe4: {  	v3 =	vlaneseq.u32 @!p0  }
0xe5: {  	v3 =	vand.u32 @!p0 $0x7, v3  }
0xe6: {  	vm0 =	vgt.f32 @!p0 v2, $0.0e+00;
	v2 =	vor.u32 @!p0 $0x2710, v3  }
0xe7: {  	v1 =	vsel @!p0 vm0, v1, v2  }
0xe8: {  	s21 =	simm.s32 @!p0 $0x1  }
0xe9: {  	_ =	swait.ge @!p0 [sflag:s21], $0x800  }
0xea: {  	[sflag:s21] =	ssyncset.done @!p0 $0x0  }
0xeb: {  	[sflag:s21] =	ssyncadd.s32 @!p0 $0xFFFFF800;
	vm0 =	vmmov @!p0 $0xffff;
	s21 =	simm.s32 @!p0 $0x8800  }
0xec: {  	[spmem:s2] =	stream.indirect_vreg.scatter.add.f32 @!p0 [tilespmem:s21], [sflag:$0x3], $0x80, v1, vm0, $0xb8;
	[tilespmem:$0x1F800] =	vst v63  }
0xed: {  	s21 =	simm.s32 @!p0 $0x3  }
0xee: {  	_ =	swait.ge @!p0 [sflag:s21], $0x800  }
0xef: {  	[sflag:s21] =	ssyncset.done @!p0 $0x0  }
0xf0: {  	[sflag:s21] =	ssyncadd.s32 @!p0 $0xFFFFF800  }
0xf1: {  	v1 =	vld [tilespmem:s20+$0x2830];
	_ =	sdelay $0x7  }
0xf2: {  	v2 =	vld.idx.msk [tilespmem:v1+s15+$0x0], $0xffff;
	_ =	sdelay $0x4  }
0xf3: {  	vm11 =	vgt.f32 v2, $0.0e+00  }
0xf4: {  	v3 =	vmpcnt.ones.xlane vm11;
	_ =	sdelay $0x1  }
0xf5: {  	(v2sf) =	vpush v3, $0x0;
	_ =	sdelay $0xe  }
0xf6: {  	s26 =	spop (v2sf)  }
0xf7: {  	p0 =	slt.s32 s26, $0x1  }
0xf8: {  	v3 =	vlaneseq.u32 @!p0  }
0xf9: {  	v3 =	vand.u32 @!p0 $0x7, v3  }
0xfa: {  	vm0 =	vgt.f32 @!p0 v2, $0.0e+00;
	v2 =	vor.u32 @!p0 $0x2710, v3  }
0xfb: {  	v1 =	vsel @!p0 vm0, v1, v2  }
0xfc: {  	s21 =	simm.s32 @!p0 $0x1  }
0xfd: {  	_ =	swait.ge @!p0 [sflag:s21], $0x800  }
0xfe: {  	[sflag:s21] =	ssyncset.done @!p0 $0x0  }
0xff: {  	[sflag:s21] =	ssyncadd.s32 @!p0 $0xFFFFF800;
	vm0 =	vmmov @!p0 $0xffff;
	s21 =	simm.s32 @!p0 $0x9000  }
0x100: {  	[spmem:s2] =	stream.indirect_vreg.scatter.add.f32 @!p0 [tilespmem:s21], [sflag:$0x3], $0x80, v1, vm0, $0xb8;
	[tilespmem:$0x1F800] =	vst v63  }
0x101: {  	s21 =	simm.s32 @!p0 $0x3  }
0x102: {  	_ =	swait.ge @!p0 [sflag:s21], $0x800  }
0x103: {  	[sflag:s21] =	ssyncset.done @!p0 $0x0  }
0x104: {  	[sflag:s21] =	ssyncadd.s32 @!p0 $0xFFFFF800  }
0x105: {  	v1 =	vld [tilespmem:s20+$0x2840];
	_ =	sdelay $0x7  }
0x106: {  	v2 =	vld.idx.msk [tilespmem:v1+s15+$0x0], $0xffff;
	_ =	sdelay $0x4  }
0x107: {  	vm12 =	vgt.f32 v2, $0.0e+00  }
0x108: {  	v3 =	vmpcnt.ones.xlane vm12;
	_ =	sdelay $0x1  }
0x109: {  	(v2sf) =	vpush v3, $0x0;
	_ =	sdelay $0xe  }
0x10a: {  	s28 =	spop (v2sf)  }
0x10b: {  	p0 =	slt.s32 s28, $0x1  }
0x10c: {  	v3 =	vlaneseq.u32 @!p0  }
0x10d: {  	v3 =	vand.u32 @!p0 $0x7, v3  }
0x10e: {  	vm0 =	vgt.f32 @!p0 v2, $0.0e+00;
	v2 =	vor.u32 @!p0 $0x2710, v3  }
0x10f: {  	v1 =	vsel @!p0 vm0, v1, v2  }
0x110: {  	s21 =	simm.s32 @!p0 $0x1  }
0x111: {  	_ =	swait.ge @!p0 [sflag:s21], $0x800  }
0x112: {  	[sflag:s21] =	ssyncset.done @!p0 $0x0  }
0x113: {  	[sflag:s21] =	ssyncadd.s32 @!p0 $0xFFFFF800;
	vm0 =	vmmov @!p0 $0xffff;
	s21 =	simm.s32 @!p0 $0x9800  }
0x114: {  	[spmem:s2] =	stream.indirect_vreg.scatter.add.f32 @!p0 [tilespmem:s21], [sflag:$0x3], $0x80, v1, vm0, $0xb8;
	[tilespmem:$0x1F800] =	vst v63  }
0x115: {  	s21 =	simm.s32 @!p0 $0x3  }
0x116: {  	_ =	swait.ge @!p0 [sflag:s21], $0x800  }
0x117: {  	[sflag:s21] =	ssyncset.done @!p0 $0x0  }
0x118: {  	[sflag:s21] =	ssyncadd.s32 @!p0 $0xFFFFF800  }
0x119: {  	v1 =	vld [tilespmem:s20+$0x2850];
	_ =	sdelay $0x7  }
0x11a: {  	v2 =	vld.idx.msk [tilespmem:v1+s15+$0x0], $0xffff;
	_ =	sdelay $0x4  }
0x11b: {  	vm13 =	vgt.f32 v2, $0.0e+00  }
0x11c: {  	v3 =	vmpcnt.ones.xlane vm13;
	_ =	sdelay $0x1  }
0x11d: {  	(v2sf) =	vpush v3, $0x0;
	_ =	sdelay $0xe  }
0x11e: {  	s29 =	spop (v2sf)  }
0x11f: {  	p0 =	slt.s32 s29, $0x1  }
0x120: {  	v3 =	vlaneseq.u32 @!p0  }
0x121: {  	v3 =	vand.u32 @!p0 $0x7, v3  }
0x122: {  	vm0 =	vgt.f32 @!p0 v2, $0.0e+00;
	v2 =	vor.u32 @!p0 $0x2710, v3  }
0x123: {  	v1 =	vsel @!p0 vm0, v1, v2  }
0x124: {  	s21 =	simm.s32 @!p0 $0x1  }
0x125: {  	_ =	swait.ge @!p0 [sflag:s21], $0x800  }
0x126: {  	[sflag:s21] =	ssyncset.done @!p0 $0x0  }
0x127: {  	[sflag:s21] =	ssyncadd.s32 @!p0 $0xFFFFF800;
	vm0 =	vmmov @!p0 $0xffff;
	s21 =	simm.s32 @!p0 $0xA000  }
0x128: {  	[spmem:s2] =	stream.indirect_vreg.scatter.add.f32 @!p0 [tilespmem:s21], [sflag:$0x3], $0x80, v1, vm0, $0xb8;
	[tilespmem:$0x1F800] =	vst v63  }
0x129: {  	s21 =	simm.s32 @!p0 $0x3  }
0x12a: {  	_ =	swait.ge @!p0 [sflag:s21], $0x800  }
0x12b: {  	[sflag:s21] =	ssyncset.done @!p0 $0x0  }
0x12c: {  	[sflag:s21] =	ssyncadd.s32 @!p0 $0xFFFFF800  }
0x12d: {  	v1 =	vld [tilespmem:s20+$0x2860];
	_ =	sdelay $0x7  }
0x12e: {  	v2 =	vld.idx.msk [tilespmem:v1+s15+$0x0], $0xffff;
	_ =	sdelay $0x4  }
0x12f: {  	vm14 =	vgt.f32 v2, $0.0e+00  }
0x130: {  	v3 =	vmpcnt.ones.xlane vm14;
	_ =	sdelay $0x1  }
0x131: {  	(v2sf) =	vpush v3, $0x0;
	_ =	sdelay $0xe  }
0x132: {  	s30 =	spop (v2sf)  }
0x133: {  	p0 =	slt.s32 s30, $0x1  }
0x134: {  	v3 =	vlaneseq.u32 @!p0  }
0x135: {  	v3 =	vand.u32 @!p0 $0x7, v3  }
0x136: {  	vm0 =	vgt.f32 @!p0 v2, $0.0e+00;
	v2 =	vor.u32 @!p0 $0x2710, v3  }
0x137: {  	v1 =	vsel @!p0 vm0, v1, v2  }
0x138: {  	s21 =	simm.s32 @!p0 $0x1  }
0x139: {  	_ =	swait.ge @!p0 [sflag:s21], $0x800  }
0x13a: {  	[sflag:s21] =	ssyncset.done @!p0 $0x0  }
0x13b: {  	[sflag:s21] =	ssyncadd.s32 @!p0 $0xFFFFF800;
	vm0 =	vmmov @!p0 $0xffff;
	s21 =	simm.s32 @!p0 $0xA800  }
0x13c: {  	[spmem:s2] =	stream.indirect_vreg.scatter.add.f32 @!p0 [tilespmem:s21], [sflag:$0x3], $0x80, v1, vm0, $0xb8;
	[tilespmem:$0x1F800] =	vst v63  }
0x13d: {  	s21 =	simm.s32 @!p0 $0x3  }
0x13e: {  	_ =	swait.ge @!p0 [sflag:s21], $0x800  }
0x13f: {  	[sflag:s21] =	ssyncset.done @!p0 $0x0  }
0x140: {  	[sflag:s21] =	ssyncadd.s32 @!p0 $0xFFFFF800  }
0x141: {  	v1 =	vld [tilespmem:s20+$0x2870];
	_ =	sdelay $0x7  }
0x142: {  	v2 =	vld.idx.msk [tilespmem:v1+s15+$0x0], $0xffff;
	_ =	sdelay $0x4  }
0x143: {  	vm15 =	vgt.f32 v2, $0.0e+00  }
0x144: {  	v3 =	vmpcnt.ones.xlane vm15;
	_ =	sdelay $0x1  }
0x145: {  	(v2sf) =	vpush v3, $0x0;
	_ =	sdelay $0xe  }
0x146: {  	s31 =	spop (v2sf)  }
0x147: {  	p0 =	slt.s32 s31, $0x1  }
0x148: {  	v3 =	vlaneseq.u32 @!p0  }
0x149: {  	v3 =	vand.u32 @!p0 $0x7, v3  }
0x14a: {  	vm0 =	vgt.f32 @!p0 v2, $0.0e+00;
	v2 =	vor.u32 @!p0 $0x2710, v3  }
0x14b: {  	v1 =	vsel @!p0 vm0, v1, v2  }
0x14c: {  	s20 =	simm.s32 @!p0 $0x1  }
0x14d: {  	_ =	swait.ge @!p0 [sflag:s20], $0x800  }
0x14e: {  	[sflag:s20] =	ssyncset.done @!p0 $0x0  }
0x14f: {  	[sflag:s20] =	ssyncadd.s32 @!p0 $0xFFFFF800;
	vm0 =	vmmov @!p0 $0xffff;
	s20 =	simm.s32 @!p0 $0xB000  }
0x150: {  	[spmem:s2] =	stream.indirect_vreg.scatter.add.f32 @!p0 [tilespmem:s20], [sflag:$0x2], $0x80, v1, vm0, $0xb8;
	[tilespmem:$0x1F800] =	vst v63  }
.Ltmp4:
0x151: {  	_ = 	snop;
	(pc) =	sbr.rel .LBB2_6-.Ltmp4, $4  }
0x152: {  	s20 =	simm.s32 @!p0 $0x2  }
0x153: {  	_ =	swait.ge @!p0 [sflag:s20], $0x800  }
0x154: {  	[sflag:s20] =	ssyncset.done @!p0 $0x0  }
0x155: {  	[sflag:s20] =	ssyncadd.s32 @!p0 $0xFFFFF800  }
.LBB2_7:
0x156: {  	s19 =	simm.s32 $0x0;
	s20 =	sadd.s32 $0x0, s5  }
0x157: {  	s19 =	sand.u32 $0x70, s19;
	s20 =	sand.u32 $0x7F80, s20  }
0x158: {  	[bflag:$0x0] =	sbarrier.arrive $0xFFFF;
	s19 =	sor.u32 s19, s20  }
0x159: {  	v1 =	vld [tilespmem:s19+$0x5000];
	_ =	sdelay $0x4  }
0x15a: {  	vm0 =	vgt.f32 v1, $0.0e+00  }
0x15b: {  	v1 =	vmpcnt.ones.xlane vm0;
	_ =	sdelay $0x1  }
0x15c: {  	(v2sf) =	vpush v1, $0x0;
	_ =	sdelay $0xe  }
0x15d: {  	s31 =	spop (v2sf)  }
0x15e: {  	p1 =	slt.s32 s31, $0x1  }
0x15f: {  	s19 =	sshll.u32 @!p1 s0, $0x6  }
0x160: {  	s21 =	smov.u32 s10;
	s20 =	sshrl.u32 @!p1 s10, $0x3;
	s19 =	sor.u32 @!p1 $0x1C02, s19  }
0x161: {  	[hbm:s12], [sflag:s19] =	dma.local @!p1 [spmem:s20], $0x100  }
0x162: {  	s22 =	simm.s32 @!p1 $0x2;
	s19 =	simm.s32 $0x10;
	s20 =	smov.u32 s12  }
.LBB2_8:
0x163: {  	s23 =	sadd.s32 s19, s5;
	s24 =	sand.u32 $0x70, s19;
	_ =	swait.ge @!p1 [sflag:s22], $0x100  }
0x164: {  	s19 =	sadd.s32 $0x10, s19;
	s23 =	sand.u32 $0x7F80, s23;
	[sflag:s22] =	ssyncset.done @!p1 $0x0  }
0x165: {  	p0 =	sne.s32 s19, $0x280;
	s23 =	sor.u32 s24, s23;
	[sflag:s22] =	ssyncadd.s32 @!p1 $0xFFFFFF00  }
0x166: {  	v1 =	vld [tilespmem:s23+$0x5000];
	_ =	sdelay $0x4  }
0x167: {  	vm0 =	vgt.f32 v1, $0.0e+00  }
0x168: {  	v1 =	vmpcnt.ones.xlane vm0;
	_ =	sdelay $0x1  }
0x169: {  	(v2sf) =	vpush v1, $0x0;
	_ =	sdelay $0xe  }
.Ltmp5:
0x16a: {  	s22 =	spop (v2sf);
	(pc) =	sbr.rel @p0 .LBB2_8-.Ltmp5, $4  }
0x16b: {  	p1 =	slt.s32 s22, $0x1  }
0x16c: {  	s20 =	sadd.s32 $0x100, s20;
	s21 =	sadd.s32 $0x800, s21;
	s22 =	sshll.u32 @!p1 s0, $0x6  }
0x16d: {  	s24 =	sshrl.u32 @!p1 s21, $0x3;
	s23 =	sor.u32 @!p1 $0x1C02, s22;
	s22 =	simm.s32 @!p1 $0x2  }
0x16e: {  	[hbm:s20], [sflag:s23] =	dma.local @!p1 [spmem:s24], $0x100  }
0x16f: {  	s18 =	sadd.s32 $0x1, s18  }
0x170: {  	p0 =	sne.s32 s18, s9  }
.Ltmp6:
0x171: {  	_ = 	snop;
	(pc) =	sbr.rel @p0 .LBB2_1-.Ltmp6, $4  }
0x172: {  	_ = 	snop  }
0x173: {  	_ =	swait.ge @!p1 [sflag:s22], $0x100  }
0x174: {  	[sflag:s22] =	ssyncset.done @!p1 $0x0  }
0x175: {  	[sflag:s22] =	ssyncadd.s32 @!p1 $0xFFFFFF00  }
0x176: {  	_ =	sfence.sel $0x180000  }
0x177: {  	[bflag:$0x0] =	sbarrier.arrive $0xFFFF  }
0x178: {  	p0 =	sne.s32 s0, $0x0;
	_ =	strace $0x9000004A  }
0x179: {  	s0 =	sadd.s32 @!p0 $0x100000, s1;
	[bflag:$0x2] =	sbarrier.arrive $0xFFFF  }
0x17a: {  	[sflag:s0] =	ssyncadd.tile.s32 @!p0 $0x1;
	_ =	shalt  }
.Lfunc_end2:
_tile_overlayer_lowered:
.L_overlay_start_2:
0x17b: {  	(tag) =	ssettag $0x2  }
0x17c: {  	s0 =	rddreg [dreg:$0x0];
	s2 =	stileid.u32  }
0x17d: {  	s1 =	rddreg [dreg:$0x1];
	p0 =	sne.s32 s2, $0x0  }
0x17e: {  	s3 =	rddreg [dreg:$0x2];
	[bflag:$0x3] =	sbarrier.arrive $0xFFFF;
	s2 =	simm.s32 @!p0 $0x1C02  }
0x17f: {  	[timem:s3], [sflag:s2] =	dma.local @!p0 [hbm:s0], s1  }
0x180: {  	s0 =	simm.s32 @!p0 $0x2  }
0x181: {  	_ =	swait.ge @!p0 [sflag:s0], s1  }
0x182: {  	s1 =	ssub.s32 @!p0 $0x0, s1;
	[sflag:s0] =	ssyncset.done @!p0 $0x0  }
0x183: {  	[sflag:s0] =	ssyncadd.s32 @!p0 s1  }
0x184: {  	[bflag:$0x3] =	sbarrier.arrive $0xFFFF  }
0x185: {  	_ =	shalt  }

</sc_bundles>
